<compile_context>
chip_gen: v7x
topology: tpu7x:2x2x1
jax: 0.10.2.dev20260603
libtpu: 0.0.44.dev20260713+nightly
codegen_flags: <defaults>
</compile_context>

<pallas_src>
import jax
import jax.numpy as jnp
from jax import lax
from jax.experimental import pallas as pl
from jax.experimental.pallas import tpu as pltpu
from jax.experimental.pallas import tpu_sc as plsc

_N = 10000
_E = 320000
_D = 128
_DO = 64

_NC = 2
_NS = 16
_NW = _NC * _NS
_EB = 128
_NBLK = _E // _EB
_BPW = -(-_NBLK // _NW)
_RSTRIDE = 624
_RSZ = 640
_NDEG = 10240

_BR = 1000



_HB = _EB // 2


def _agg_body(h_hbm, src_hbm, dst_hbm, znd_hbm, out_hbm,
              src_v, dst_v, src_w, dst_w, dst_a, dst_b, rows_a, rows_b,
              agg_sh, sem_i, sem_j, sem_a, sem_b):
    c = lax.axis_index("c")
    s = lax.axis_index("s")
    wid = s * _NC + c

    r0 = s * _RSTRIDE
    pltpu.sync_copy(znd_hbm.at[pl.ds(r0, _RSZ)], agg_sh.at[pl.ds(r0, _RSZ)])
    plsc.subcore_barrier()

    b0 = wid * _BPW
    nb = jnp.minimum(_BPW, _NBLK - b0)
    last = _NBLK - 1

    def fetch(blk, sv, dv, sem):
        pltpu.async_copy(src_hbm.at[blk, 0], sv, sem)
        pltpu.async_copy(dst_hbm.at[blk, 0], dv, sem)

    def wait_fetch(blk, sv, dv, sem):
        pltpu.make_async_copy(src_hbm.at[blk, 0], sv, sem).wait()
        pltpu.make_async_copy(dst_hbm.at[blk, 0], dv, sem).wait()

    def process(sv, dv):
        for k in range(_HB // 16):
            dst_a[pl.ds(k * 16, 16)] = dv[pl.ds(k * 16, 16)]
            dst_b[pl.ds(k * 16, 16)] = dv[pl.ds(_HB + k * 16, 16)]
        ga = pltpu.async_copy(h_hbm.at[sv.at[pl.ds(0, _HB)]], rows_a, sem_a)
        gb = pltpu.async_copy(h_hbm.at[sv.at[pl.ds(_HB, _HB)]], rows_b, sem_b)
        ga.wait()
        pltpu.sync_copy(rows_a, agg_sh.at[dst_a], add=True)
        gb.wait()
        pltpu.sync_copy(rows_b, agg_sh.at[dst_b], add=True)

    pairs = nb // 2
    tail = nb - 2 * pairs

    fetch(b0, src_v, dst_v, sem_i)

    def step(jj, carry):
        blk0 = b0 + 2 * jj
        blk1 = jnp.minimum(blk0 + 1, last)
        nxt = jnp.minimum(blk0 + 2, last)
        fetch(blk1, src_w, dst_w, sem_j)
        wait_fetch(blk0, src_v, dst_v, sem_i)
        process(src_v, dst_v)
        fetch(nxt, src_v, dst_v, sem_i)
        wait_fetch(blk1, src_w, dst_w, sem_j)
        process(src_w, dst_w)
        return carry

    lax.fori_loop(0, pairs, step, 0)

    tb = jnp.minimum(b0 + 2 * pairs, last)
    wait_fetch(tb, src_v, dst_v, sem_i)

    @pl.when(tail == 1)
    def _():
        process(src_v, dst_v)

    plsc.subcore_barrier()

    pltpu.sync_copy(agg_sh.at[pl.ds(r0, _RSZ)],
                    out_hbm.at[c, pl.ds(r0, _RSZ)])


_agg = pl.kernel(
    _agg_body,
    out_type=jax.ShapeDtypeStruct((_NC, _N, _D), jnp.float32),
    mesh=plsc.VectorSubcoreMesh(core_axis_name="c", subcore_axis_name="s"),
    scratch_types=[
        pltpu.VMEM((_EB,), jnp.int32),
        pltpu.VMEM((_EB,), jnp.int32),
        pltpu.VMEM((_EB,), jnp.int32),
        pltpu.VMEM((_EB,), jnp.int32),
        pltpu.VMEM((_HB,), jnp.int32),
        pltpu.VMEM((_HB,), jnp.int32),
        pltpu.VMEM((_HB, _D), jnp.float32),
        pltpu.VMEM((_HB, _D), jnp.float32),
        pltpu.VMEM_SHARED((_N, _D), jnp.float32),
        pltpu.SemaphoreType.DMA,
        pltpu.SemaphoreType.DMA,
        pltpu.SemaphoreType.DMA,
        pltpu.SemaphoreType.DMA,
    ],
    name="sc_mean_agg",
)


def _deg_body(dst_hbm, znd_hbm, out_hbm, dst_v, dst_w, ones_v, deg_sh,
              sem_i, sem_j):
    c = lax.axis_index("c")
    s = lax.axis_index("s")
    wid = s * _NC + c

    r0 = s * (_NDEG // _NS)
    pltpu.sync_copy(znd_hbm.at[pl.ds(r0, _NDEG // _NS)],
                    deg_sh.at[pl.ds(r0, _NDEG // _NS)])

    def fill_o(i, carry):
        for k in range(_D // 16):
            ones_v[i, pl.ds(k * 16, 16)] = jnp.ones((16,), jnp.float32)
        return carry
    lax.fori_loop(0, _EB, fill_o, 0)
    plsc.subcore_barrier()

    b0 = wid * _BPW
    nb = jnp.minimum(_BPW, _NBLK - b0)
    last = _NBLK - 1
    pairs = nb // 2
    tail = nb - 2 * pairs

    pltpu.async_copy(dst_hbm.at[b0, 0], dst_v, sem_i)

    def step(jj, carry):
        blk0 = b0 + 2 * jj
        blk1 = jnp.minimum(blk0 + 1, last)
        nxt = jnp.minimum(blk0 + 2, last)
        pltpu.async_copy(dst_hbm.at[blk1, 0], dst_w, sem_j)
        pltpu.make_async_copy(dst_hbm.at[blk0, 0], dst_v, sem_i).wait()
        pltpu.sync_copy(ones_v, deg_sh.at[dst_v], add=True)
        pltpu.async_copy(dst_hbm.at[nxt, 0], dst_v, sem_i)
        pltpu.make_async_copy(dst_hbm.at[blk1, 0], dst_w, sem_j).wait()
        pltpu.sync_copy(ones_v, deg_sh.at[dst_w], add=True)
        return carry

    lax.fori_loop(0, pairs, step, 0)

    tb = jnp.minimum(b0 + 2 * pairs, last)
    pltpu.make_async_copy(dst_hbm.at[tb, 0], dst_v, sem_i).wait()

    @pl.when(tail == 1)
    def _():
        pltpu.sync_copy(ones_v, deg_sh.at[dst_v], add=True)

    plsc.subcore_barrier()
    pltpu.sync_copy(deg_sh.at[pl.ds(r0, _NDEG // _NS)],
                    out_hbm.at[c, pl.ds(r0, _NDEG // _NS)])


_deg = pl.kernel(
    _deg_body,
    out_type=jax.ShapeDtypeStruct((_NC, _NDEG, _D), jnp.float32),
    mesh=plsc.VectorSubcoreMesh(core_axis_name="c", subcore_axis_name="s"),
    scratch_types=[
        pltpu.VMEM((_EB,), jnp.int32),
        pltpu.VMEM((_EB,), jnp.int32),
        pltpu.VMEM((_EB, _D), jnp.float32),
        pltpu.VMEM_SHARED((_NDEG, _D), jnp.float32),
        pltpu.SemaphoreType.DMA,
        pltpu.SemaphoreType.DMA,
    ],
    name="sc_degree",
)



def _norm(p_ref, dg_ref):
    a = p_ref[0] + p_ref[1]
    d = dg_ref[0, :, 0:1] + dg_ref[1, :, 0:1]
    return a * (1.0 / jnp.maximum(d, 1.0))


def _mid_body(p_ref, dg_ref, we_ref, be_ref, w_ref, b_ref, o_ref):
    a = _norm(p_ref, dg_ref)
    d = dg_ref[0, :, 0:1] + dg_ref[1, :, 0:1]
    mask = jnp.where(d > 0.0, 1.0, 0.0)
    g = jnp.dot(a, we_ref[...], preferred_element_type=jnp.float32)
    g = g + be_ref[...] * mask
    h = jnp.dot(g, w_ref[...], preferred_element_type=jnp.float32) + b_ref[...]
    o_ref[...] = jnp.maximum(h, 0.0)


def _mid(partials, degp, We, be, W, b):
    return pl.pallas_call(
        _mid_body,
        out_shape=jax.ShapeDtypeStruct((_N, _D), jnp.float32),
        grid=(_N // _BR,),
        in_specs=[
            pl.BlockSpec((_NC, _BR, _D), lambda i: (0, i, 0)),
            pl.BlockSpec((_NC, _BR, _D), lambda i: (0, i, 0)),
            pl.BlockSpec((_D, _D), lambda i: (0, 0)),
            pl.BlockSpec((1, _D), lambda i: (0, 0)),
            pl.BlockSpec((_D, _D), lambda i: (0, 0)),
            pl.BlockSpec((1, _D), lambda i: (0, 0)),
        ],
        out_specs=pl.BlockSpec((_BR, _D), lambda i: (i, 0)),
    )(partials, degp, We, be, W, b)


def _final_body(p_ref, dg_ref, w2_ref, b2_ref, wo_ref, bo_ref, o_ref):
    agg = _norm(p_ref, dg_ref)
    h = jnp.dot(agg, w2_ref[...], preferred_element_type=jnp.float32) + b2_ref[...]
    h = jnp.maximum(h, 0.0)
    o_ref[...] = jnp.dot(h, wo_ref[...],
                         preferred_element_type=jnp.float32) + bo_ref[...]


def _final(partials, degp, W2, b2, Wo, bo):
    return pl.pallas_call(
        _final_body,
        out_shape=jax.ShapeDtypeStruct((_N, _DO), jnp.float32),
        grid=(_N // _BR,),
        in_specs=[
            pl.BlockSpec((_NC, _BR, _D), lambda i: (0, i, 0)),
            pl.BlockSpec((_NC, _BR, _D), lambda i: (0, i, 0)),
            pl.BlockSpec((_D, _D), lambda i: (0, 0)),
            pl.BlockSpec((1, _D), lambda i: (0, 0)),
            pl.BlockSpec((_D, _DO), lambda i: (0, 0)),
            pl.BlockSpec((1, _DO), lambda i: (0, 0)),
        ],
        out_specs=pl.BlockSpec((_BR, _DO), lambda i: (i, 0)),
    )(partials, degp, W2, b2, Wo, bo)



def kernel(x, edge_index, W_embed, b_embed, W1, b1, W2, b2, W_out, b_out):
    src = edge_index[0].reshape(_NBLK, 1, _EB)
    dst = edge_index[1].reshape(_NBLK, 1, _EB)
    znd = jnp.zeros((_NDEG, _D), jnp.float32)

    degp = _deg(dst, znd)
    partials = _agg(x, src, dst, znd)
    h1 = _mid(partials, degp, W_embed, b_embed.reshape(1, _D),
              W1, b1.reshape(1, _D))
    partials2 = _agg(h1, src, dst, znd)
    return _final(partials2, degp, W2, b2.reshape(1, _D),
                  W_out, b_out.reshape(1, _DO))

# --- scband reference (transcript-rebuilt; emitter-appended) ---
"""Pipeline reference for scband-multi-features-model-7902739824907 (READ-ONLY COPY).

The authoritative reference and input builder live on the scoring server;
editing this copy changes nothing except your own understanding.
"""

import jax, jax.numpy as jnp
import numpy as np

N = 10000
E = 320000
D_IN = 128
D_H = 128
D_OUT = 64


def setup_inputs(seed: int = 0) -> dict:
    key = jax.random.key(seed)
    ks = jax.random.split(key, 12)
    x = jax.random.normal(ks[0], (N, D_IN), dtype=jnp.float32)
    edge_index = jax.random.randint(ks[1], (2, E), 0, N, dtype=jnp.int32)
    s = 0.05
    W_embed = jax.random.normal(ks[2], (D_IN, D_H), dtype=jnp.float32) * s
    b_embed = jnp.zeros((D_H,), dtype=jnp.float32)
    W1 = jax.random.normal(ks[3], (D_H, D_H), dtype=jnp.float32) * s
    b1 = jnp.zeros((D_H,), dtype=jnp.float32)
    W2 = jax.random.normal(ks[4], (D_H, D_H), dtype=jnp.float32) * s
    b2 = jnp.zeros((D_H,), dtype=jnp.float32)
    W_out = jax.random.normal(ks[5], (D_H, D_OUT), dtype=jnp.float32) * s
    b_out = jnp.zeros((D_OUT,), dtype=jnp.float32)
    return {"x": x, "edge_index": edge_index, "W_embed": W_embed, "b_embed": b_embed,
            "W1": W1, "b1": b1, "W2": W2, "b2": b2, "W_out": W_out, "b_out": b_out}


def _mean_aggregate(h, edge_index):
    src = edge_index[0]
    dst = edge_index[1]
    msgs = jnp.take(h, src, axis=0)
    agg = jax.ops.segment_sum(msgs, dst, num_segments=N)
    deg = jax.ops.segment_sum(jnp.ones((E,), dtype=h.dtype), dst, num_segments=N)
    deg = jnp.clip(deg, 1.0, None)
    return agg / deg[:, None]


def reference(x, edge_index, W_embed, b_embed, W1, b1, W2, b2, W_out, b_out):
    # input embedding (linear, embed_method='linear')
    h = x @ W_embed + b_embed
    # conv block 1: mean message passing -> linear -> relu (norm='none', dropout eval-mode no-op)
    agg = _mean_aggregate(h, edge_index)
    h = jax.nn.relu(agg @ W1 + b1)
    # conv block 2
    agg = _mean_aggregate(h, edge_index)
    h = jax.nn.relu(agg @ W2 + b2)
    # last_mlp=True: MLPLayer with no hidden dims -> single linear to output_dims[1]
    logits = h @ W_out + b_out
    return logits

if __name__ == "__main__":
    import jax
    _d = setup_inputs()
    print(jax.jit(kernel)(*tuple(_d.values())))

</pallas_src>

<mosaic_0001>
#map = affine_map<(d0, d1) -> (0, 0, 0)>
#map1 = affine_map<(d0, d1) -> (0, 0)>
module attributes {stable_mosaic.version = 14 : i64} {
  func.func @sc_degree(%arg0: i32, %arg1: i32, %arg2: memref<2500x1x128xi32, #tpu.memory_space<hbm>>, %arg3: memref<10240x128xf32, #tpu.memory_space<hbm>>, %arg4: memref<2x10240x128xf32, #tpu.memory_space<hbm>>, %arg5: memref<128xi32, #tpu.memory_space<vmem>>, %arg6: memref<128xi32, #tpu.memory_space<vmem>>, %arg7: memref<128x128xf32, #tpu.memory_space<vmem>>, %arg8: memref<10240x128xf32, #tpu.memory_space<vmem_shared>>, %arg9: memref<!tpu.dma_semaphore, #tpu.memory_space<semaphore_mem>>, %arg10: memref<!tpu.dma_semaphore, #tpu.memory_space<semaphore_mem>>) attributes {dimension_semantics = [#tpu.dimension_semantics<core_parallel>, #tpu.dimension_semantics<subcore_parallel>], iteration_bounds = array<i64: 2, 16>, scalar_prefetch = 0 : i64, scratch_operands = 6 : i64, tpu.core_type = #tpu.core_type<sc_vector_subcore>, window_params = [{transform_indices = #map}, {transform_indices = #map1}, {transform_indices = #map}]} {
    %mul3A = arith.constant 2 : i32
    %mul3A_0 = arith.muli %arg1, %mul3A : i32
    %add3A = arith.addi %mul3A_0, %arg0 : i32
    %mul3A_1 = arith.constant 640 : i32
    %mul3A_2 = arith.muli %arg1, %mul3A_1 : i32
    "tpu.region"() ({
      %run_scoped3A = tpu.sem_alloc : memref<!tpu.dma_semaphore, #tpu.memory_space<semaphore_mem>>
      %dma_start3A_61 = arith.constant 0 : i32
      %dma_start3A_62 = tpu.memref_slice %arg8[%mul3A_2, %dma_start3A_61] : memref<10240x128xf32, #tpu.memory_space<vmem_shared>> -> memref<640x128xf32, #tpu.memory_space<vmem_shared>>
      %dma_start3A_63 = arith.constant 0 : i32
      %dma_start3A_64 = tpu.memref_slice %arg3[%mul3A_2, %dma_start3A_63] : memref<10240x128xf32, #tpu.memory_space<hbm>> -> memref<640x128xf32, #tpu.memory_space<hbm>>
      tpu.enqueue_dma source(%dma_start3A_64 : memref<640x128xf32, #tpu.memory_space<hbm>>) target(%dma_start3A_62 : memref<640x128xf32, #tpu.memory_space<vmem_shared>>) target_semaphore(%run_scoped3A : memref<!tpu.dma_semaphore, #tpu.memory_space<semaphore_mem>>)
      %dma_wait3A_65 = arith.constant 0 : i32
      %dma_wait3A_66 = tpu.memref_slice %arg8[%mul3A_2, %dma_wait3A_65] : memref<10240x128xf32, #tpu.memory_space<vmem_shared>> -> memref<640x128xf32, #tpu.memory_space<vmem_shared>>
      %dma_wait3A_67 = arith.constant 0 : i32
      %dma_wait3A_68 = tpu.memref_slice %arg3[%mul3A_2, %dma_wait3A_67] : memref<10240x128xf32, #tpu.memory_space<hbm>> -> memref<640x128xf32, #tpu.memory_space<hbm>>
      tpu.wait_dma2 semaphore(%run_scoped3A : memref<!tpu.dma_semaphore, #tpu.memory_space<semaphore_mem>>) src(%dma_wait3A_68 : memref<640x128xf32, #tpu.memory_space<hbm>>) dst(%dma_wait3A_66 : memref<640x128xf32, #tpu.memory_space<vmem_shared>>)
      tpu.yield
    }) : () -> ()
    %scan3A = arith.constant 0 : i32
    %scan3A_3 = arith.constant 0 : i32
    %scan3A_4 = arith.constant 128 : i32
    %scan3A_5 = arith.addi %scan3A_3, %scan3A_4 : i32
    %scan3A_6 = arith.constant 1 : i32
    scf.for %scan3A_61 = %scan3A_3 to %scan3A_5 step %scan3A_6  : i32 {
      %broadcast_in_dim3A = arith.constant 1.000000e+00 : f32
      %broadcast_in_dim3A_62 = vector.broadcast %broadcast_in_dim3A : f32 to vector<16xf32>
      %swap3A = arith.index_cast %scan3A_61 : i32 to index
      %swap3A_63 = arith.constant 0 : index
      %swap3A_64 = tpu.vector_load %arg7[%swap3A, %swap3A_63] {strides = array<i32>} : memref<128x128xf32, #tpu.memory_space<vmem>>, vector<1x16xf32>,
      %swap3A_65 = vector.shape_cast %swap3A_64 : vector<1x16xf32> to vector<16xf32>
      %swap3A_66 = vector.shape_cast %broadcast_in_dim3A_62 : vector<16xf32> to vector<1x16xf32>
      tpu.vector_store %arg7[%swap3A, %swap3A_63], %swap3A_66 {strides = array<i32>} : memref<128x128xf32, #tpu.memory_space<vmem>>, vector<1x16xf32>,
      %broadcast_in_dim3A_67 = arith.constant 1.000000e+00 : f32
      %broadcast_in_dim3A_68 = vector.broadcast %broadcast_in_dim3A_67 : f32 to vector<16xf32>
      %swap3A_69 = arith.index_cast %scan3A_61 : i32 to index
      %swap3A_70 = arith.constant 16 : index
      %swap3A_71 = tpu.vector_load %arg7[%swap3A_69, %swap3A_70] {strides = array<i32>} : memref<128x128xf32, #tpu.memory_space<vmem>>, vector<1x16xf32>,
      %swap3A_72 = vector.shape_cast %swap3A_71 : vector<1x16xf32> to vector<16xf32>
      %swap3A_73 = vector.shape_cast %broadcast_in_dim3A_68 : vector<16xf32> to vector<1x16xf32>
      tpu.vector_store %arg7[%swap3A_69, %swap3A_70], %swap3A_73 {strides = array<i32>} : memref<128x128xf32, #tpu.memory_space<vmem>>, vector<1x16xf32>,
      %broadcast_in_dim3A_74 = arith.constant 1.000000e+00 : f32
      %broadcast_in_dim3A_75 = vector.broadcast %broadcast_in_dim3A_74 : f32 to vector<16xf32>
      %swap3A_76 = arith.index_cast %scan3A_61 : i32 to index
      %swap3A_77 = arith.constant 32 : index
      %swap3A_78 = tpu.vector_load %arg7[%swap3A_76, %swap3A_77] {strides = array<i32>} : memref<128x128xf32, #tpu.memory_space<vmem>>, vector<1x16xf32>,
      %swap3A_79 = vector.shape_cast %swap3A_78 : vector<1x16xf32> to vector<16xf32>
      %swap3A_80 = vector.shape_cast %broadcast_in_dim3A_75 : vector<16xf32> to vector<1x16xf32>
      tpu.vector_store %arg7[%swap3A_76, %swap3A_77], %swap3A_80 {strides = array<i32>} : memref<128x128xf32, #tpu.memory_space<vmem>>, vector<1x16xf32>,
      %broadcast_in_dim3A_81 = arith.constant 1.000000e+00 : f32
      %broadcast_in_dim3A_82 = vector.broadcast %broadcast_in_dim3A_81 : f32 to vector<16xf32>
      %swap3A_83 = arith.index_cast %scan3A_61 : i32 to index
      %swap3A_84 = arith.constant 48 : index
      %swap3A_85 = tpu.vector_load %arg7[%swap3A_83, %swap3A_84] {strides = array<i32>} : memref<128x128xf32, #tpu.memory_space<vmem>>, vector<1x16xf32>,
      %swap3A_86 = vector.shape_cast %swap3A_85 : vector<1x16xf32> to vector<16xf32>
      %swap3A_87 = vector.shape_cast %broadcast_in_dim3A_82 : vector<16xf32> to vector<1x16xf32>
      tpu.vector_store %arg7[%swap3A_83, %swap3A_84], %swap3A_87 {strides = array<i32>} : memref<128x128xf32, #tpu.memory_space<vmem>>, vector<1x16xf32>,
      %broadcast_in_dim3A_88 = arith.constant 1.000000e+00 : f32
      %broadcast_in_dim3A_89 = vector.broadcast %broadcast_in_dim3A_88 : f32 to vector<16xf32>
      %swap3A_90 = arith.index_cast %scan3A_61 : i32 to index
      %swap3A_91 = arith.constant 64 : index
      %swap3A_92 = tpu.vector_load %arg7[%swap3A_90, %swap3A_91] {strides = array<i32>} : memref<128x128xf32, #tpu.memory_space<vmem>>, vector<1x16xf32>,
      %swap3A_93 = vector.shape_cast %swap3A_92 : vector<1x16xf32> to vector<16xf32>
      %swap3A_94 = vector.shape_cast %broadcast_in_dim3A_89 : vector<16xf32> to vector<1x16xf32>
      tpu.vector_store %arg7[%swap3A_90, %swap3A_91], %swap3A_94 {strides = array<i32>} : memref<128x128xf32, #tpu.memory_space<vmem>>, vector<1x16xf32>,
      %broadcast_in_dim3A_95 = arith.constant 1.000000e+00 : f32
      %broadcast_in_dim3A_96 = vector.broadcast %broadcast_in_dim3A_95 : f32 to vector<16xf32>
      %swap3A_97 = arith.index_cast %scan3A_61 : i32 to index
      %swap3A_98 = arith.constant 80 : index
      %swap3A_99 = tpu.vector_load %arg7[%swap3A_97, %swap3A_98] {strides = array<i32>} : memref<128x128xf32, #tpu.memory_space<vmem>>, vector<1x16xf32>,
      %swap3A_100 = vector.shape_cast %swap3A_99 : vector<1x16xf32> to vector<16xf32>
      %swap3A_101 = vector.shape_cast %broadcast_in_dim3A_96 : vector<16xf32> to vector<1x16xf32>
      tpu.vector_store %arg7[%swap3A_97, %swap3A_98], %swap3A_101 {strides = array<i32>} : memref<128x128xf32, #tpu.memory_space<vmem>>, vector<1x16xf32>,
      %broadcast_in_dim3A_102 = arith.constant 1.000000e+00 : f32
      %broadcast_in_dim3A_103 = vector.broadcast %broadcast_in_dim3A_102 : f32 to vector<16xf32>
      %swap3A_104 = arith.index_cast %scan3A_61 : i32 to index
      %swap3A_105 = arith.constant 96 : index
      %swap3A_106 = tpu.vector_load %arg7[%swap3A_104, %swap3A_105] {strides = array<i32>} : memref<128x128xf32, #tpu.memory_space<vmem>>, vector<1x16xf32>,
      %swap3A_107 = vector.shape_cast %swap3A_106 : vector<1x16xf32> to vector<16xf32>
      %swap3A_108 = vector.shape_cast %broadcast_in_dim3A_103 : vector<16xf32> to vector<1x16xf32>
      tpu.vector_store %arg7[%swap3A_104, %swap3A_105], %swap3A_108 {strides = array<i32>} : memref<128x128xf32, #tpu.memory_space<vmem>>, vector<1x16xf32>,
      %broadcast_in_dim3A_109 = arith.constant 1.000000e+00 : f32
      %broadcast_in_dim3A_110 = vector.broadcast %broadcast_in_dim3A_109 : f32 to vector<16xf32>
      %swap3A_111 = arith.index_cast %scan3A_61 : i32 to index
      %swap3A_112 = arith.constant 112 : index
      %swap3A_113 = tpu.vector_load %arg7[%swap3A_111, %swap3A_112] {strides = array<i32>} : memref<128x128xf32, #tpu.memory_space<vmem>>, vector<1x16xf32>,
      %swap3A_114 = vector.shape_cast %swap3A_113 : vector<1x16xf32> to vector<16xf32>
      %swap3A_115 = vector.shape_cast %broadcast_in_dim3A_110 : vector<16xf32> to vector<1x16xf32>
      tpu.vector_store %arg7[%swap3A_111, %swap3A_112], %swap3A_115 {strides = array<i32>} : memref<128x128xf32, #tpu.memory_space<vmem>>, vector<1x16xf32>,
    }
    %scan3A_7 = arith.constant 128 : i32
    %barrier3A = arith.constant 0 : index
    tpu.barrier barrier_id(%barrier3A)
    %mul3A_8 = arith.constant 79 : i32
    %mul3A_9 = arith.muli %add3A, %mul3A_8 : i32
    %sub3A = arith.constant 2500 : i32
    %sub3A_10 = arith.subi %sub3A, %mul3A_9 : i32
    %min3A = arith.constant 79 : i32
    %min3A_11 = arith.minsi %min3A, %sub3A_10 : i32
    %jit3A = arith.constant 2 : i32
    %div3A = arith.divsi %min3A_11, %jit3A : i32
    %sign3A = arith.constant 0 : i32
    %sign3A_12 = arith.cmpi sgt, %min3A_11, %sign3A : i32
    %sign3A_13 = arith.extui %sign3A_12 : i1 to i32
    %sign3A_14 = arith.constant 0 : i32
    %sign3A_15 = arith.cmpi slt, %min3A_11, %sign3A_14 : i32
    %sign3A_16 = arith.extui %sign3A_15 : i1 to i32
    %sign3A_17 = arith.subi %sign3A_13, %sign3A_16 : i32
    %sign3A_18 = arith.constant 0 : i32
    %sign3A_19 = arith.cmpi sgt, %jit3A, %sign3A_18 : i32
    %sign3A_20 = arith.extui %sign3A_19 : i1 to i32
    %sign3A_21 = arith.constant 0 : i32
    %sign3A_22 = arith.cmpi slt, %jit3A, %sign3A_21 : i32
    %sign3A_23 = arith.extui %sign3A_22 : i1 to i32
    %sign3A_24 = arith.subi %sign3A_20, %sign3A_23 : i32
    %ne3A = arith.cmpi ne, %sign3A_17, %sign3A_24 : i32
    %rem3A = arith.remsi %min3A_11, %jit3A : i32
    %ne3A_25 = arith.constant 0 : i32
    %ne3A_26 = arith.cmpi ne, %rem3A, %ne3A_25 : i32
    %and3A = arith.andi %ne3A, %ne3A_26 : i1
    %sub3A_27 = arith.constant 1 : i32
    %sub3A_28 = arith.subi %div3A, %sub3A_27 : i32
    %select_n3A = arith.select %and3A, %sub3A_28, %div3A : i32
    %mul3A_29 = arith.constant 2 : i32
    %mul3A_30 = arith.muli %mul3A_29, %select_n3A : i32
    %sub3A_31 = arith.subi %min3A_11, %mul3A_30 : i32
    %dma_start3A = arith.constant 0 : i32
    %dma_start3A_32 = arith.constant 0 : i32
    %dma_start3A_33 = tpu.memref_slice %arg2[%mul3A_9, %dma_start3A, %dma_start3A_32] : memref<2500x1x128xi32, #tpu.memory_space<hbm>> -> memref<1x1x128xi32, #tpu.memory_space<hbm>>
    %dma_start3A_34 = tpu.memref_squeeze %dma_start3A_33 : memref<1x1x128xi32, #tpu.memory_space<hbm>> -> memref<128xi32, #tpu.memory_space<hbm>>
    %dma_start3A_35 = arith.constant 0 : i32
    %dma_start3A_36 = tpu.memref_slice %arg2[%mul3A_9, %dma_start3A, %dma_start3A_35] : memref<2500x1x128xi32, #tpu.memory_space<hbm>> -> memref<1x1x128xi32, #tpu.memory_space<hbm>>
    %dma_start3A_37 = tpu.memref_squeeze %dma_start3A_36 : memref<1x1x128xi32, #tpu.memory_space<hbm>> -> memref<128xi32, #tpu.memory_space<hbm>>
    tpu.enqueue_dma source(%dma_start3A_37 : memref<128xi32, #tpu.memory_space<hbm>>) target(%arg5 : memref<128xi32, #tpu.memory_space<vmem>>) target_semaphore(%arg9 : memref<!tpu.dma_semaphore, #tpu.memory_space<semaphore_mem>>)
    %while3A = arith.constant 0 : i32
    %while3A_38 = arith.constant 0 : i32
    %while3A_39 = arith.subi %select_n3A, %while3A_38 : i32
    %while3A_40 = arith.addi %while3A_38, %while3A_39 : i32
    %while3A_41 = arith.constant 1 : i32
    %while3A_42 = arith.divsi %while3A_39, %while3A_41 : i32
    %while3A_43 = arith.muli %while3A_42, %while3A_41 : i32
    %while3A_44 = arith.addi %while3A_38, %while3A_43 : i32
    %while3A_45 = arith.constant 1 : i32
    scf.for %while3A_61 = %while3A_38 to %while3A_44 step %while3A_45  : i32 {
      %mul3A_62 = arith.constant 2 : i32
      %mul3A_63 = arith.muli %mul3A_62, %while3A_61 : i32
      %add3A_64 = arith.addi %mul3A_9, %mul3A_63 : i32
      %add3A_65 = arith.constant 1 : i32
      %add3A_66 = arith.addi %add3A_64, %add3A_65 : i32
      %min3A_67 = arith.constant 2499 : i32
      %min3A_68 = arith.minsi %add3A_66, %min3A_67 : i32
      %add3A_69 = arith.constant 2 : i32
      %add3A_70 = arith.addi %add3A_64, %add3A_69 : i32
      %min3A_71 = arith.constant 2499 : i32
      %min3A_72 = arith.minsi %add3A_70, %min3A_71 : i32
      %dma_start3A_73 = arith.constant 0 : i32
      %dma_start3A_74 = arith.constant 0 : i32
      %dma_start3A_75 = tpu.memref_slice %arg2[%min3A_68, %dma_start3A_73, %dma_start3A_74] : memref<2500x1x128xi32, #tpu.memory_space<hbm>> -> memref<1x1x128xi32, #tpu.memory_space<hbm>>
      %dma_start3A_76 = tpu.memref_squeeze %dma_start3A_75 : memref<1x1x128xi32, #tpu.memory_space<hbm>> -> memref<128xi32, #tpu.memory_space<hbm>>
      %dma_start3A_77 = arith.constant 0 : i32
      %dma_start3A_78 = tpu.memref_slice %arg2[%min3A_68, %dma_start3A_73, %dma_start3A_77] : memref<2500x1x128xi32, #tpu.memory_space<hbm>> -> memref<1x1x128xi32, #tpu.memory_space<hbm>>
      %dma_start3A_79 = tpu.memref_squeeze %dma_start3A_78 : memref<1x1x128xi32, #tpu.memory_space<hbm>> -> memref<128xi32, #tpu.memory_space<hbm>>
      tpu.enqueue_dma source(%dma_start3A_79 : memref<128xi32, #tpu.memory_space<hbm>>) target(%arg6 : memref<128xi32, #tpu.memory_space<vmem>>) target_semaphore(%arg10 : memref<!tpu.dma_semaphore, #tpu.memory_space<semaphore_mem>>)
      %dma_wait3A_80 = arith.constant 0 : i32
      %dma_wait3A_81 = arith.constant 0 : i32
      %dma_wait3A_82 = tpu.memref_slice %arg2[%add3A_64, %dma_wait3A_80, %dma_wait3A_81] : memref<2500x1x128xi32, #tpu.memory_space<hbm>> -> memref<1x1x128xi32, #tpu.memory_space<hbm>>
      %dma_wait3A_83 = tpu.memref_squeeze %dma_wait3A_82 : memref<1x1x128xi32, #tpu.memory_space<hbm>> -> memref<128xi32, #tpu.memory_space<hbm>>
      %dma_wait3A_84 = arith.constant 0 : i32
      %dma_wait3A_85 = tpu.memref_slice %arg2[%add3A_64, %dma_wait3A_80, %dma_wait3A_84] : memref<2500x1x128xi32, #tpu.memory_space<hbm>> -> memref<1x1x128xi32, #tpu.memory_space<hbm>>
      %dma_wait3A_86 = tpu.memref_squeeze %dma_wait3A_85 : memref<1x1x128xi32, #tpu.memory_space<hbm>> -> memref<128xi32, #tpu.memory_space<hbm>>
      tpu.wait_dma2 semaphore(%arg9 : memref<!tpu.dma_semaphore, #tpu.memory_space<semaphore_mem>>) src(%dma_wait3A_86 : memref<128xi32, #tpu.memory_space<hbm>>) dst(%arg5 : memref<128xi32, #tpu.memory_space<vmem>>)
      "tpu.region"() ({
        %run_scoped3A = tpu.sem_alloc : memref<!tpu.dma_semaphore, #tpu.memory_space<semaphore_mem>>
        %dma_start3A_101 = arith.constant 0 : i32
        %dma_start3A_102 = arith.constant 0 : i32
        %dma_start3A_103 = tpu.memref_slice %arg8[%dma_start3A_101, %dma_start3A_102] : memref<10240x128xf32, #tpu.memory_space<vmem_shared>> -> memref<10240x128xf32, #tpu.memory_space<vmem_shared>>
        tpu.enqueue_indirect_dma source(%arg7 : memref<128x128xf32, #tpu.memory_space<vmem>>) target(%dma_start3A_103 : memref<10240x128xf32, #tpu.memory_space<vmem_shared>>) offsets(%arg5 : memref<128xi32, #tpu.memory_space<vmem>>) semaphore(%run_scoped3A : memref<!tpu.dma_semaphore, #tpu.memory_space<semaphore_mem>>) {add = true}
        %dma_wait3A_104 = arith.constant 0 : i32
        %dma_wait3A_105 = arith.constant 0 : i32
        %dma_wait3A_106 = tpu.memref_slice %arg8[%dma_wait3A_104, %dma_wait3A_105] : memref<10240x128xf32, #tpu.memory_space<vmem_shared>> -> memref<10240x128xf32, #tpu.memory_space<vmem_shared>>
        tpu.wait_indirect_dma semaphore(%run_scoped3A : memref<!tpu.dma_semaphore, #tpu.memory_space<semaphore_mem>>) src(%arg7 : memref<128x128xf32, #tpu.memory_space<vmem>>) dst(%dma_wait3A_106 : memref<10240x128xf32, #tpu.memory_space<vmem_shared>>)
        tpu.yield
      }) : () -> ()
      %dma_start3A_87 = arith.constant 0 : i32
      %dma_start3A_88 = arith.constant 0 : i32
      %dma_start3A_89 = tpu.memref_slice %arg2[%min3A_72, %dma_start3A_87, %dma_start3A_88] : memref<2500x1x128xi32, #tpu.memory_space<hbm>> -> memref<1x1x128xi32, #tpu.memory_space<hbm>>
      %dma_start3A_90 = tpu.memref_squeeze %dma_start3A_89 : memref<1x1x128xi32, #tpu.memory_space<hbm>> -> memref<128xi32, #tpu.memory_space<hbm>>
      %dma_start3A_91 = arith.constant 0 : i32
      %dma_start3A_92 = tpu.memref_slice %arg2[%min3A_72, %dma_start3A_87, %dma_start3A_91] : memref<2500x1x128xi32, #tpu.memory_space<hbm>> -> memref<1x1x128xi32, #tpu.memory_space<hbm>>
      %dma_start3A_93 = tpu.memref_squeeze %dma_start3A_92 : memref<1x1x128xi32, #tpu.memory_space<hbm>> -> memref<128xi32, #tpu.memory_space<hbm>>
      tpu.enqueue_dma source(%dma_start3A_93 : memref<128xi32, #tpu.memory_space<hbm>>) target(%arg5 : memref<128xi32, #tpu.memory_space<vmem>>) target_semaphore(%arg9 : memref<!tpu.dma_semaphore, #tpu.memory_space<semaphore_mem>>)
      %dma_wait3A_94 = arith.constant 0 : i32
      %dma_wait3A_95 = arith.constant 0 : i32
      %dma_wait3A_96 = tpu.memref_slice %arg2[%min3A_68, %dma_wait3A_94, %dma_wait3A_95] : memref<2500x1x128xi32, #tpu.memory_space<hbm>> -> memref<1x1x128xi32, #tpu.memory_space<hbm>>
      %dma_wait3A_97 = tpu.memref_squeeze %dma_wait3A_96 : memref<1x1x128xi32, #tpu.memory_space<hbm>> -> memref<128xi32, #tpu.memory_space<hbm>>
      %dma_wait3A_98 = arith.constant 0 : i32
      %dma_wait3A_99 = tpu.memref_slice %arg2[%min3A_68, %dma_wait3A_94, %dma_wait3A_98] : memref<2500x1x128xi32, #tpu.memory_space<hbm>> -> memref<1x1x128xi32, #tpu.memory_space<hbm>>
      %dma_wait3A_100 = tpu.memref_squeeze %dma_wait3A_99 : memref<1x1x128xi32, #tpu.memory_space<hbm>> -> memref<128xi32, #tpu.memory_space<hbm>>
      tpu.wait_dma2 semaphore(%arg10 : memref<!tpu.dma_semaphore, #tpu.memory_space<semaphore_mem>>) src(%dma_wait3A_100 : memref<128xi32, #tpu.memory_space<hbm>>) dst(%arg6 : memref<128xi32, #tpu.memory_space<vmem>>)
      "tpu.region"() ({
        %run_scoped3A = tpu.sem_alloc : memref<!tpu.dma_semaphore, #tpu.memory_space<semaphore_mem>>
        %dma_start3A_101 = arith.constant 0 : i32
        %dma_start3A_102 = arith.constant 0 : i32
        %dma_start3A_103 = tpu.memref_slice %arg8[%dma_start3A_101, %dma_start3A_102] : memref<10240x128xf32, #tpu.memory_space<vmem_shared>> -> memref<10240x128xf32, #tpu.memory_space<vmem_shared>>
        tpu.enqueue_indirect_dma source(%arg7 : memref<128x128xf32, #tpu.memory_space<vmem>>) target(%dma_start3A_103 : memref<10240x128xf32, #tpu.memory_space<vmem_shared>>) offsets(%arg6 : memref<128xi32, #tpu.memory_space<vmem>>) semaphore(%run_scoped3A : memref<!tpu.dma_semaphore, #tpu.memory_space<semaphore_mem>>) {add = true}
        %dma_wait3A_104 = arith.constant 0 : i32
        %dma_wait3A_105 = arith.constant 0 : i32
        %dma_wait3A_106 = tpu.memref_slice %arg8[%dma_wait3A_104, %dma_wait3A_105] : memref<10240x128xf32, #tpu.memory_space<vmem_shared>> -> memref<10240x128xf32, #tpu.memory_space<vmem_shared>>
        tpu.wait_indirect_dma semaphore(%run_scoped3A : memref<!tpu.dma_semaphore, #tpu.memory_space<semaphore_mem>>) src(%arg7 : memref<128x128xf32, #tpu.memory_space<vmem>>) dst(%dma_wait3A_106 : memref<10240x128xf32, #tpu.memory_space<vmem_shared>>)
        tpu.yield
      }) : () -> ()
    }
    %while3A_46 = arith.constant 1 : i32
    scf.for %while3A_61 = %while3A_44 to %while3A_40 step %while3A_46  : i32 {
      %mul3A_62 = arith.constant 2 : i32
      %mul3A_63 = arith.muli %mul3A_62, %while3A_61 : i32
      %add3A_64 = arith.addi %mul3A_9, %mul3A_63 : i32
      %add3A_65 = arith.constant 1 : i32
      %add3A_66 = arith.addi %add3A_64, %add3A_65 : i32
      %min3A_67 = arith.constant 2499 : i32
      %min3A_68 = arith.minsi %add3A_66, %min3A_67 : i32
      %add3A_69 = arith.constant 2 : i32
      %add3A_70 = arith.addi %add3A_64, %add3A_69 : i32
      %min3A_71 = arith.constant 2499 : i32
      %min3A_72 = arith.minsi %add3A_70, %min3A_71 : i32
      %dma_start3A_73 = arith.constant 0 : i32
      %dma_start3A_74 = arith.constant 0 : i32
      %dma_start3A_75 = tpu.memref_slice %arg2[%min3A_68, %dma_start3A_73, %dma_start3A_74] : memref<2500x1x128xi32, #tpu.memory_space<hbm>> -> memref<1x1x128xi32, #tpu.memory_space<hbm>>
      %dma_start3A_76 = tpu.memref_squeeze %dma_start3A_75 : memref<1x1x128xi32, #tpu.memory_space<hbm>> -> memref<128xi32, #tpu.memory_space<hbm>>
      %dma_start3A_77 = arith.constant 0 : i32
      %dma_start3A_78 = tpu.memref_slice %arg2[%min3A_68, %dma_start3A_73, %dma_start3A_77] : memref<2500x1x128xi32, #tpu.memory_space<hbm>> -> memref<1x1x128xi32, #tpu.memory_space<hbm>>
      %dma_start3A_79 = tpu.memref_squeeze %dma_start3A_78 : memref<1x1x128xi32, #tpu.memory_space<hbm>> -> memref<128xi32, #tpu.memory_space<hbm>>
      tpu.enqueue_dma source(%dma_start3A_79 : memref<128xi32, #tpu.memory_space<hbm>>) target(%arg6 : memref<128xi32, #tpu.memory_space<vmem>>) target_semaphore(%arg10 : memref<!tpu.dma_semaphore, #tpu.memory_space<semaphore_mem>>)
      %dma_wait3A_80 = arith.constant 0 : i32
      %dma_wait3A_81 = arith.constant 0 : i32
      %dma_wait3A_82 = tpu.memref_slice %arg2[%add3A_64, %dma_wait3A_80, %dma_wait3A_81] : memref<2500x1x128xi32, #tpu.memory_space<hbm>> -> memref<1x1x128xi32, #tpu.memory_space<hbm>>
      %dma_wait3A_83 = tpu.memref_squeeze %dma_wait3A_82 : memref<1x1x128xi32, #tpu.memory_space<hbm>> -> memref<128xi32, #tpu.memory_space<hbm>>
      %dma_wait3A_84 = arith.constant 0 : i32
      %dma_wait3A_85 = tpu.memref_slice %arg2[%add3A_64, %dma_wait3A_80, %dma_wait3A_84] : memref<2500x1x128xi32, #tpu.memory_space<hbm>> -> memref<1x1x128xi32, #tpu.memory_space<hbm>>
      %dma_wait3A_86 = tpu.memref_squeeze %dma_wait3A_85 : memref<1x1x128xi32, #tpu.memory_space<hbm>> -> memref<128xi32, #tpu.memory_space<hbm>>
      tpu.wait_dma2 semaphore(%arg9 : memref<!tpu.dma_semaphore, #tpu.memory_space<semaphore_mem>>) src(%dma_wait3A_86 : memref<128xi32, #tpu.memory_space<hbm>>) dst(%arg5 : memref<128xi32, #tpu.memory_space<vmem>>)
      "tpu.region"() ({
        %run_scoped3A = tpu.sem_alloc : memref<!tpu.dma_semaphore, #tpu.memory_space<semaphore_mem>>
        %dma_start3A_101 = arith.constant 0 : i32
        %dma_start3A_102 = arith.constant 0 : i32
        %dma_start3A_103 = tpu.memref_slice %arg8[%dma_start3A_101, %dma_start3A_102] : memref<10240x128xf32, #tpu.memory_space<vmem_shared>> -> memref<10240x128xf32, #tpu.memory_space<vmem_shared>>
        tpu.enqueue_indirect_dma source(%arg7 : memref<128x128xf32, #tpu.memory_space<vmem>>) target(%dma_start3A_103 : memref<10240x128xf32, #tpu.memory_space<vmem_shared>>) offsets(%arg5 : memref<128xi32, #tpu.memory_space<vmem>>) semaphore(%run_scoped3A : memref<!tpu.dma_semaphore, #tpu.memory_space<semaphore_mem>>) {add = true}
        %dma_wait3A_104 = arith.constant 0 : i32
        %dma_wait3A_105 = arith.constant 0 : i32
        %dma_wait3A_106 = tpu.memref_slice %arg8[%dma_wait3A_104, %dma_wait3A_105] : memref<10240x128xf32, #tpu.memory_space<vmem_shared>> -> memref<10240x128xf32, #tpu.memory_space<vmem_shared>>
        tpu.wait_indirect_dma semaphore(%run_scoped3A : memref<!tpu.dma_semaphore, #tpu.memory_space<semaphore_mem>>) src(%arg7 : memref<128x128xf32, #tpu.memory_space<vmem>>) dst(%dma_wait3A_106 : memref<10240x128xf32, #tpu.memory_space<vmem_shared>>)
        tpu.yield
      }) : () -> ()
      %dma_start3A_87 = arith.constant 0 : i32
      %dma_start3A_88 = arith.constant 0 : i32
      %dma_start3A_89 = tpu.memref_slice %arg2[%min3A_72, %dma_start3A_87, %dma_start3A_88] : memref<2500x1x128xi32, #tpu.memory_space<hbm>> -> memref<1x1x128xi32, #tpu.memory_space<hbm>>
      %dma_start3A_90 = tpu.memref_squeeze %dma_start3A_89 : memref<1x1x128xi32, #tpu.memory_space<hbm>> -> memref<128xi32, #tpu.memory_space<hbm>>
      %dma_start3A_91 = arith.constant 0 : i32
      %dma_start3A_92 = tpu.memref_slice %arg2[%min3A_72, %dma_start3A_87, %dma_start3A_91] : memref<2500x1x128xi32, #tpu.memory_space<hbm>> -> memref<1x1x128xi32, #tpu.memory_space<hbm>>
      %dma_start3A_93 = tpu.memref_squeeze %dma_start3A_92 : memref<1x1x128xi32, #tpu.memory_space<hbm>> -> memref<128xi32, #tpu.memory_space<hbm>>
      tpu.enqueue_dma source(%dma_start3A_93 : memref<128xi32, #tpu.memory_space<hbm>>) target(%arg5 : memref<128xi32, #tpu.memory_space<vmem>>) target_semaphore(%arg9 : memref<!tpu.dma_semaphore, #tpu.memory_space<semaphore_mem>>)
      %dma_wait3A_94 = arith.constant 0 : i32
      %dma_wait3A_95 = arith.constant 0 : i32
      %dma_wait3A_96 = tpu.memref_slice %arg2[%min3A_68, %dma_wait3A_94, %dma_wait3A_95] : memref<2500x1x128xi32, #tpu.memory_space<hbm>> -> memref<1x1x128xi32, #tpu.memory_space<hbm>>
      %dma_wait3A_97 = tpu.memref_squeeze %dma_wait3A_96 : memref<1x1x128xi32, #tpu.memory_space<hbm>> -> memref<128xi32, #tpu.memory_space<hbm>>
      %dma_wait3A_98 = arith.constant 0 : i32
      %dma_wait3A_99 = tpu.memref_slice %arg2[%min3A_68, %dma_wait3A_94, %dma_wait3A_98] : memref<2500x1x128xi32, #tpu.memory_space<hbm>> -> memref<1x1x128xi32, #tpu.memory_space<hbm>>
      %dma_wait3A_100 = tpu.memref_squeeze %dma_wait3A_99 : memref<1x1x128xi32, #tpu.memory_space<hbm>> -> memref<128xi32, #tpu.memory_space<hbm>>
      tpu.wait_dma2 semaphore(%arg10 : memref<!tpu.dma_semaphore, #tpu.memory_space<semaphore_mem>>) src(%dma_wait3A_100 : memref<128xi32, #tpu.memory_space<hbm>>) dst(%arg6 : memref<128xi32, #tpu.memory_space<vmem>>)
      "tpu.region"() ({
        %run_scoped3A = tpu.sem_alloc : memref<!tpu.dma_semaphore, #tpu.memory_space<semaphore_mem>>
        %dma_start3A_101 = arith.constant 0 : i32
        %dma_start3A_102 = arith.constant 0 : i32
        %dma_start3A_103 = tpu.memref_slice %arg8[%dma_start3A_101, %dma_start3A_102] : memref<10240x128xf32, #tpu.memory_space<vmem_shared>> -> memref<10240x128xf32, #tpu.memory_space<vmem_shared>>
        tpu.enqueue_indirect_dma source(%arg7 : memref<128x128xf32, #tpu.memory_space<vmem>>) target(%dma_start3A_103 : memref<10240x128xf32, #tpu.memory_space<vmem_shared>>) offsets(%arg6 : memref<128xi32, #tpu.memory_space<vmem>>) semaphore(%run_scoped3A : memref<!tpu.dma_semaphore, #tpu.memory_space<semaphore_mem>>) {add = true}
        %dma_wait3A_104 = arith.constant 0 : i32
        %dma_wait3A_105 = arith.constant 0 : i32
        %dma_wait3A_106 = tpu.memref_slice %arg8[%dma_wait3A_104, %dma_wait3A_105] : memref<10240x128xf32, #tpu.memory_space<vmem_shared>> -> memref<10240x128xf32, #tpu.memory_space<vmem_shared>>
        tpu.wait_indirect_dma semaphore(%run_scoped3A : memref<!tpu.dma_semaphore, #tpu.memory_space<semaphore_mem>>) src(%arg7 : memref<128x128xf32, #tpu.memory_space<vmem>>) dst(%dma_wait3A_106 : memref<10240x128xf32, #tpu.memory_space<vmem_shared>>)
        tpu.yield
      }) : () -> ()
    }
    %mul3A_47 = arith.constant 2 : i32
    %mul3A_48 = arith.muli %mul3A_47, %select_n3A : i32
    %add3A_49 = arith.addi %mul3A_9, %mul3A_48 : i32
    %min3A_50 = arith.constant 2499 : i32
    %min3A_51 = arith.minsi %add3A_49, %min3A_50 : i32
    %dma_wait3A = arith.constant 0 : i32
    %dma_wait3A_52 = arith.constant 0 : i32
    %dma_wait3A_53 = tpu.memref_slice %arg2[%min3A_51, %dma_wait3A, %dma_wait3A_52] : memref<2500x1x128xi32, #tpu.memory_space<hbm>> -> memref<1x1x128xi32, #tpu.memory_space<hbm>>
    %dma_wait3A_54 = tpu.memref_squeeze %dma_wait3A_53 : memref<1x1x128xi32, #tpu.memory_space<hbm>> -> memref<128xi32, #tpu.memory_space<hbm>>
    %dma_wait3A_55 = arith.constant 0 : i32
    %dma_wait3A_56 = tpu.memref_slice %arg2[%min3A_51, %dma_wait3A, %dma_wait3A_55] : memref<2500x1x128xi32, #tpu.memory_space<hbm>> -> memref<1x1x128xi32, #tpu.memory_space<hbm>>
    %dma_wait3A_57 = tpu.memref_squeeze %dma_wait3A_56 : memref<1x1x128xi32, #tpu.memory_space<hbm>> -> memref<128xi32, #tpu.memory_space<hbm>>
    tpu.wait_dma2 semaphore(%arg9 : memref<!tpu.dma_semaphore, #tpu.memory_space<semaphore_mem>>) src(%dma_wait3A_57 : memref<128xi32, #tpu.memory_space<hbm>>) dst(%arg5 : memref<128xi32, #tpu.memory_space<vmem>>)
    %eq3A = arith.constant 1 : i32
    %eq3A_58 = arith.cmpi eq, %sub3A_31, %eq3A : i32
    %convert_element_type3A = arith.extui %eq3A_58 : i1 to i32
    %cond3A = arith.constant 0 : i32
    %cond3A_59 = arith.cmpi ne, %convert_element_type3A, %cond3A : i32
    scf.if %cond3A_59 {
      "tpu.region"() ({
        %run_scoped3A = tpu.sem_alloc : memref<!tpu.dma_semaphore, #tpu.memory_space<semaphore_mem>>
        %dma_start3A_61 = arith.constant 0 : i32
        %dma_start3A_62 = arith.constant 0 : i32
        %dma_start3A_63 = tpu.memref_slice %arg8[%dma_start3A_61, %dma_start3A_62] : memref<10240x128xf32, #tpu.memory_space<vmem_shared>> -> memref<10240x128xf32, #tpu.memory_space<vmem_shared>>
        tpu.enqueue_indirect_dma source(%arg7 : memref<128x128xf32, #tpu.memory_space<vmem>>) target(%dma_start3A_63 : memref<10240x128xf32, #tpu.memory_space<vmem_shared>>) offsets(%arg5 : memref<128xi32, #tpu.memory_space<vmem>>) semaphore(%run_scoped3A : memref<!tpu.dma_semaphore, #tpu.memory_space<semaphore_mem>>) {add = true}
        %dma_wait3A_64 = arith.constant 0 : i32
        %dma_wait3A_65 = arith.constant 0 : i32
        %dma_wait3A_66 = tpu.memref_slice %arg8[%dma_wait3A_64, %dma_wait3A_65] : memref<10240x128xf32, #tpu.memory_space<vmem_shared>> -> memref<10240x128xf32, #tpu.memory_space<vmem_shared>>
        tpu.wait_indirect_dma semaphore(%run_scoped3A : memref<!tpu.dma_semaphore, #tpu.memory_space<semaphore_mem>>) src(%arg7 : memref<128x128xf32, #tpu.memory_space<vmem>>) dst(%dma_wait3A_66 : memref<10240x128xf32, #tpu.memory_space<vmem_shared>>)
        tpu.yield
      }) : () -> ()
    } else {
    }
    %barrier3A_60 = arith.constant 0 : index
    tpu.barrier barrier_id(%barrier3A_60)
    "tpu.region"() ({
      %run_scoped3A = tpu.sem_alloc : memref<!tpu.dma_semaphore, #tpu.memory_space<semaphore_mem>>
      %dma_start3A_61 = arith.constant 0 : i32
      %dma_start3A_62 = tpu.memref_slice %arg4[%arg0, %mul3A_2, %dma_start3A_61] : memref<2x10240x128xf32, #tpu.memory_space<hbm>> -> memref<1x640x128xf32, #tpu.memory_space<hbm>>
      %dma_start3A_63 = tpu.memref_squeeze %dma_start3A_62 : memref<1x640x128xf32, #tpu.memory_space<hbm>> -> memref<640x128xf32, #tpu.memory_space<hbm>>
      %dma_start3A_64 = arith.constant 0 : i32
      %dma_start3A_65 = tpu.memref_slice %arg8[%mul3A_2, %dma_start3A_64] : memref<10240x128xf32, #tpu.memory_space<vmem_shared>> -> memref<640x128xf32, #tpu.memory_space<vmem_shared>>
      tpu.enqueue_dma source(%dma_start3A_65 : memref<640x128xf32, #tpu.memory_space<vmem_shared>>) target(%dma_start3A_63 : memref<640x128xf32, #tpu.memory_space<hbm>>) target_semaphore(%run_scoped3A : memref<!tpu.dma_semaphore, #tpu.memory_space<semaphore_mem>>)
      %dma_wait3A_66 = arith.constant 0 : i32
      %dma_wait3A_67 = tpu.memref_slice %arg4[%arg0, %mul3A_2, %dma_wait3A_66] : memref<2x10240x128xf32, #tpu.memory_space<hbm>> -> memref<1x640x128xf32, #tpu.memory_space<hbm>>
      %dma_wait3A_68 = tpu.memref_squeeze %dma_wait3A_67 : memref<1x640x128xf32, #tpu.memory_space<hbm>> -> memref<640x128xf32, #tpu.memory_space<hbm>>
      %dma_wait3A_69 = arith.constant 0 : i32
      %dma_wait3A_70 = tpu.memref_slice %arg8[%mul3A_2, %dma_wait3A_69] : memref<10240x128xf32, #tpu.memory_space<vmem_shared>> -> memref<640x128xf32, #tpu.memory_space<vmem_shared>>
      tpu.wait_dma2 semaphore(%run_scoped3A : memref<!tpu.dma_semaphore, #tpu.memory_space<semaphore_mem>>) src(%dma_wait3A_70 : memref<640x128xf32, #tpu.memory_space<vmem_shared>>) dst(%dma_wait3A_68 : memref<640x128xf32, #tpu.memory_space<hbm>>)
      tpu.yield
    }) : () -> ()
    return
  }
}

#map = affine_map<(d0, d1) -> (0, 0)>
#map1 = affine_map<(d0, d1) -> (0, 0, 0)>
module attributes {stable_mosaic.version = 14 : i64} {
  func.func @sc_mean_agg(%arg0: i32, %arg1: i32, %arg2: memref<10000x128xf32, #tpu.memory_space<hbm>>, %arg3: memref<2500x1x128xi32, #tpu.memory_space<hbm>>, %arg4: memref<2500x1x128xi32, #tpu.memory_space<hbm>>, %arg5: memref<10240x128xf32, #tpu.memory_space<hbm>>, %arg6: memref<2x10000x128xf32, #tpu.memory_space<hbm>>, %arg7: memref<128xi32, #tpu.memory_space<vmem>>, %arg8: memref<128xi32, #tpu.memory_space<vmem>>, %arg9: memref<128xi32, #tpu.memory_space<vmem>>, %arg10: memref<128xi32, #tpu.memory_space<vmem>>, %arg11: memref<64xi32, #tpu.memory_space<vmem>>, %arg12: memref<64xi32, #tpu.memory_space<vmem>>, %arg13: memref<64x128xf32, #tpu.memory_space<vmem>>, %arg14: memref<64x128xf32, #tpu.memory_space<vmem>>, %arg15: memref<10000x128xf32, #tpu.memory_space<vmem_shared>>, %arg16: memref<!tpu.dma_semaphore, #tpu.memory_space<semaphore_mem>>, %arg17: memref<!tpu.dma_semaphore, #tpu.memory_space<semaphore_mem>>, %arg18: memref<!tpu.dma_semaphore, #tpu.memory_space<semaphore_mem>>, %arg19: memref<!tpu.dma_semaphore, #tpu.memory_space<semaphore_mem>>) attributes {dimension_semantics = [#tpu.dimension_semantics<core_parallel>, #tpu.dimension_semantics<subcore_parallel>], iteration_bounds = array<i64: 2, 16>, scalar_prefetch = 0 : i64, scratch_operands = 13 : i64, tpu.core_type = #tpu.core_type<sc_vector_subcore>, window_params = [{transform_indices = #map}, {transform_indices = #map1}, {transform_indices = #map1}, {transform_indices = #map}, {transform_indices = #map1}]} {
    %mul3A = arith.constant 2 : i32
    %mul3A_0 = arith.muli %arg1, %mul3A : i32
    %add3A = arith.addi %mul3A_0, %arg0 : i32
    %mul3A_1 = arith.constant 624 : i32
    %mul3A_2 = arith.muli %arg1, %mul3A_1 : i32
    "tpu.region"() ({
      %run_scoped3A = tpu.sem_alloc : memref<!tpu.dma_semaphore, #tpu.memory_space<semaphore_mem>>
      %dma_start3A_70 = arith.constant 0 : i32
      %dma_start3A_71 = tpu.memref_slice %arg15[%mul3A_2, %dma_start3A_70] : memref<10000x128xf32, #tpu.memory_space<vmem_shared>> -> memref<640x128xf32, #tpu.memory_space<vmem_shared>>
      %dma_start3A_72 = arith.constant 0 : i32
      %dma_start3A_73 = tpu.memref_slice %arg5[%mul3A_2, %dma_start3A_72] : memref<10240x128xf32, #tpu.memory_space<hbm>> -> memref<640x128xf32, #tpu.memory_space<hbm>>
      tpu.enqueue_dma source(%dma_start3A_73 : memref<640x128xf32, #tpu.memory_space<hbm>>) target(%dma_start3A_71 : memref<640x128xf32, #tpu.memory_space<vmem_shared>>) target_semaphore(%run_scoped3A : memref<!tpu.dma_semaphore, #tpu.memory_space<semaphore_mem>>)
      %dma_wait3A_74 = arith.constant 0 : i32
      %dma_wait3A_75 = tpu.memref_slice %arg15[%mul3A_2, %dma_wait3A_74] : memref<10000x128xf32, #tpu.memory_space<vmem_shared>> -> memref<640x128xf32, #tpu.memory_space<vmem_shared>>
      %dma_wait3A_76 = arith.constant 0 : i32
      %dma_wait3A_77 = tpu.memref_slice %arg5[%mul3A_2, %dma_wait3A_76] : memref<10240x128xf32, #tpu.memory_space<hbm>> -> memref<640x128xf32, #tpu.memory_space<hbm>>
      tpu.wait_dma2 semaphore(%run_scoped3A : memref<!tpu.dma_semaphore, #tpu.memory_space<semaphore_mem>>) src(%dma_wait3A_77 : memref<640x128xf32, #tpu.memory_space<hbm>>) dst(%dma_wait3A_75 : memref<640x128xf32, #tpu.memory_space<vmem_shared>>)
      tpu.yield
    }) : () -> ()
    %barrier3A = arith.constant 0 : index
    tpu.barrier barrier_id(%barrier3A)
    %mul3A_3 = arith.constant 79 : i32
    %mul3A_4 = arith.muli %add3A, %mul3A_3 : i32
    %sub3A = arith.constant 2500 : i32
    %sub3A_5 = arith.subi %sub3A, %mul3A_4 : i32
    %min3A = arith.constant 79 : i32
    %min3A_6 = arith.minsi %min3A, %sub3A_5 : i32
    %jit3A = arith.constant 2 : i32
    %div3A = arith.divsi %min3A_6, %jit3A : i32
    %sign3A = arith.constant 0 : i32
    %sign3A_7 = arith.cmpi sgt, %min3A_6, %sign3A : i32
    %sign3A_8 = arith.extui %sign3A_7 : i1 to i32
    %sign3A_9 = arith.constant 0 : i32
    %sign3A_10 = arith.cmpi slt, %min3A_6, %sign3A_9 : i32
    %sign3A_11 = arith.extui %sign3A_10 : i1 to i32
    %sign3A_12 = arith.subi %sign3A_8, %sign3A_11 : i32
    %sign3A_13 = arith.constant 0 : i32
    %sign3A_14 = arith.cmpi sgt, %jit3A, %sign3A_13 : i32
    %sign3A_15 = arith.extui %sign3A_14 : i1 to i32
    %sign3A_16 = arith.constant 0 : i32
    %sign3A_17 = arith.cmpi slt, %jit3A, %sign3A_16 : i32
    %sign3A_18 = arith.extui %sign3A_17 : i1 to i32
    %sign3A_19 = arith.subi %sign3A_15, %sign3A_18 : i32
    %ne3A = arith.cmpi ne, %sign3A_12, %sign3A_19 : i32
    %rem3A = arith.remsi %min3A_6, %jit3A : i32
    %ne3A_20 = arith.constant 0 : i32
    %ne3A_21 = arith.cmpi ne, %rem3A, %ne3A_20 : i32
    %and3A = arith.andi %ne3A, %ne3A_21 : i1
    %sub3A_22 = arith.constant 1 : i32
    %sub3A_23 = arith.subi %div3A, %sub3A_22 : i32
    %select_n3A = arith.select %and3A, %sub3A_23, %div3A : i32
    %mul3A_24 = arith.constant 2 : i32
    %mul3A_25 = arith.muli %mul3A_24, %select_n3A : i32
    %sub3A_26 = arith.subi %min3A_6, %mul3A_25 : i32
    %dma_start3A = arith.constant 0 : i32
    %dma_start3A_27 = arith.constant 0 : i32
    %dma_start3A_28 = tpu.memref_slice %arg3[%mul3A_4, %dma_start3A, %dma_start3A_27] : memref<2500x1x128xi32, #tpu.memory_space<hbm>> -> memref<1x1x128xi32, #tpu.memory_space<hbm>>
    %dma_start3A_29 = tpu.memref_squeeze %dma_start3A_28 : memref<1x1x128xi32, #tpu.memory_space<hbm>> -> memref<128xi32, #tpu.memory_space<hbm>>
    %dma_start3A_30 = arith.constant 0 : i32
    %dma_start3A_31 = tpu.memref_slice %arg3[%mul3A_4, %dma_start3A, %dma_start3A_30] : memref<2500x1x128xi32, #tpu.memory_space<hbm>> -> memref<1x1x128xi32, #tpu.memory_space<hbm>>
    %dma_start3A_32 = tpu.memref_squeeze %dma_start3A_31 : memref<1x1x128xi32, #tpu.memory_space<hbm>> -> memref<128xi32, #tpu.memory_space<hbm>>
    tpu.enqueue_dma source(%dma_start3A_32 : memref<128xi32, #tpu.memory_space<hbm>>) target(%arg7 : memref<128xi32, #tpu.memory_space<vmem>>) target_semaphore(%arg16 : memref<!tpu.dma_semaphore, #tpu.memory_space<semaphore_mem>>)
    %dma_start3A_33 = arith.constant 0 : i32
    %dma_start3A_34 = arith.constant 0 : i32
    %dma_start3A_35 = tpu.memref_slice %arg4[%mul3A_4, %dma_start3A_33, %dma_start3A_34] : memref<2500x1x128xi32, #tpu.memory_space<hbm>> -> memref<1x1x128xi32, #tpu.memory_space<hbm>>
    %dma_start3A_36 = tpu.memref_squeeze %dma_start3A_35 : memref<1x1x128xi32, #tpu.memory_space<hbm>> -> memref<128xi32, #tpu.memory_space<hbm>>
    %dma_start3A_37 = arith.constant 0 : i32
    %dma_start3A_38 = tpu.memref_slice %arg4[%mul3A_4, %dma_start3A_33, %dma_start3A_37] : memref<2500x1x128xi32, #tpu.memory_space<hbm>> -> memref<1x1x128xi32, #tpu.memory_space<hbm>>
    %dma_start3A_39 = tpu.memref_squeeze %dma_start3A_38 : memref<1x1x128xi32, #tpu.memory_space<hbm>> -> memref<128xi32, #tpu.memory_space<hbm>>
    tpu.enqueue_dma source(%dma_start3A_39 : memref<128xi32, #tpu.memory_space<hbm>>) target(%arg8 : memref<128xi32, #tpu.memory_space<vmem>>) target_semaphore(%arg16 : memref<!tpu.dma_semaphore, #tpu.memory_space<semaphore_mem>>)
    %while3A = arith.constant 0 : i32
    %while3A_40 = arith.constant 0 : i32
    %while3A_41 = arith.subi %select_n3A, %while3A_40 : i32
    %while3A_42 = arith.addi %while3A_40, %while3A_41 : i32
    %while3A_43 = arith.constant 1 : i32
    %while3A_44 = arith.divsi %while3A_41, %while3A_43 : i32
    %while3A_45 = arith.muli %while3A_44, %while3A_43 : i32
    %while3A_46 = arith.addi %while3A_40, %while3A_45 : i32
    %while3A_47 = arith.constant 1 : i32
    scf.for %while3A_70 = %while3A_40 to %while3A_46 step %while3A_47  : i32 {
      %mul3A_71 = arith.constant 2 : i32
      %mul3A_72 = arith.muli %mul3A_71, %while3A_70 : i32
      %add3A_73 = arith.addi %mul3A_4, %mul3A_72 : i32
      %add3A_74 = arith.constant 1 : i32
      %add3A_75 = arith.addi %add3A_73, %add3A_74 : i32
      %min3A_76 = arith.constant 2499 : i32
      %min3A_77 = arith.minsi %add3A_75, %min3A_76 : i32
      %add3A_78 = arith.constant 2 : i32
      %add3A_79 = arith.addi %add3A_73, %add3A_78 : i32
      %min3A_80 = arith.constant 2499 : i32
      %min3A_81 = arith.minsi %add3A_79, %min3A_80 : i32
      %dma_start3A_82 = arith.constant 0 : i32
      %dma_start3A_83 = arith.constant 0 : i32
      %dma_start3A_84 = tpu.memref_slice %arg3[%min3A_77, %dma_start3A_82, %dma_start3A_83] : memref<2500x1x128xi32, #tpu.memory_space<hbm>> -> memref<1x1x128xi32, #tpu.memory_space<hbm>>
      %dma_start3A_85 = tpu.memref_squeeze %dma_start3A_84 : memref<1x1x128xi32, #tpu.memory_space<hbm>> -> memref<128xi32, #tpu.memory_space<hbm>>
      %dma_start3A_86 = arith.constant 0 : i32
      %dma_start3A_87 = tpu.memref_slice %arg3[%min3A_77, %dma_start3A_82, %dma_start3A_86] : memref<2500x1x128xi32, #tpu.memory_space<hbm>> -> memref<1x1x128xi32, #tpu.memory_space<hbm>>
      %dma_start3A_88 = tpu.memref_squeeze %dma_start3A_87 : memref<1x1x128xi32, #tpu.memory_space<hbm>> -> memref<128xi32, #tpu.memory_space<hbm>>
      tpu.enqueue_dma source(%dma_start3A_88 : memref<128xi32, #tpu.memory_space<hbm>>) target(%arg9 : memref<128xi32, #tpu.memory_space<vmem>>) target_semaphore(%arg17 : memref<!tpu.dma_semaphore, #tpu.memory_space<semaphore_mem>>)
      %dma_start3A_89 = arith.constant 0 : i32
      %dma_start3A_90 = arith.constant 0 : i32
      %dma_start3A_91 = tpu.memref_slice %arg4[%min3A_77, %dma_start3A_89, %dma_start3A_90] : memref<2500x1x128xi32, #tpu.memory_space<hbm>> -> memref<1x1x128xi32, #tpu.memory_space<hbm>>
      %dma_start3A_92 = tpu.memref_squeeze %dma_start3A_91 : memref<1x1x128xi32, #tpu.memory_space<hbm>> -> memref<128xi32, #tpu.memory_space<hbm>>
      %dma_start3A_93 = arith.constant 0 : i32
      %dma_start3A_94 = tpu.memref_slice %arg4[%min3A_77, %dma_start3A_89, %dma_start3A_93] : memref<2500x1x128xi32, #tpu.memory_space<hbm>> -> memref<1x1x128xi32, #tpu.memory_space<hbm>>
      %dma_start3A_95 = tpu.memref_squeeze %dma_start3A_94 : memref<1x1x128xi32, #tpu.memory_space<hbm>> -> memref<128xi32, #tpu.memory_space<hbm>>
      tpu.enqueue_dma source(%dma_start3A_95 : memref<128xi32, #tpu.memory_space<hbm>>) target(%arg10 : memref<128xi32, #tpu.memory_space<vmem>>) target_semaphore(%arg17 : memref<!tpu.dma_semaphore, #tpu.memory_space<semaphore_mem>>)
      %dma_wait3A_96 = arith.constant 0 : i32
      %dma_wait3A_97 = arith.constant 0 : i32
      %dma_wait3A_98 = tpu.memref_slice %arg3[%add3A_73, %dma_wait3A_96, %dma_wait3A_97] : memref<2500x1x128xi32, #tpu.memory_space<hbm>> -> memref<1x1x128xi32, #tpu.memory_space<hbm>>
      %dma_wait3A_99 = tpu.memref_squeeze %dma_wait3A_98 : memref<1x1x128xi32, #tpu.memory_space<hbm>> -> memref<128xi32, #tpu.memory_space<hbm>>
      %dma_wait3A_100 = arith.constant 0 : i32
      %dma_wait3A_101 = tpu.memref_slice %arg3[%add3A_73, %dma_wait3A_96, %dma_wait3A_100] : memref<2500x1x128xi32, #tpu.memory_space<hbm>> -> memref<1x1x128xi32, #tpu.memory_space<hbm>>
      %dma_wait3A_102 = tpu.memref_squeeze %dma_wait3A_101 : memref<1x1x128xi32, #tpu.memory_space<hbm>> -> memref<128xi32, #tpu.memory_space<hbm>>
      tpu.wait_dma2 semaphore(%arg16 : memref<!tpu.dma_semaphore, #tpu.memory_space<semaphore_mem>>) src(%dma_wait3A_102 : memref<128xi32, #tpu.memory_space<hbm>>) dst(%arg7 : memref<128xi32, #tpu.memory_space<vmem>>)
      %dma_wait3A_103 = arith.constant 0 : i32
      %dma_wait3A_104 = arith.constant 0 : i32
      %dma_wait3A_105 = tpu.memref_slice %arg4[%add3A_73, %dma_wait3A_103, %dma_wait3A_104] : memref<2500x1x128xi32, #tpu.memory_space<hbm>> -> memref<1x1x128xi32, #tpu.memory_space<hbm>>
      %dma_wait3A_106 = tpu.memref_squeeze %dma_wait3A_105 : memref<1x1x128xi32, #tpu.memory_space<hbm>> -> memref<128xi32, #tpu.memory_space<hbm>>
      %dma_wait3A_107 = arith.constant 0 : i32
      %dma_wait3A_108 = tpu.memref_slice %arg4[%add3A_73, %dma_wait3A_103, %dma_wait3A_107] : memref<2500x1x128xi32, #tpu.memory_space<hbm>> -> memref<1x1x128xi32, #tpu.memory_space<hbm>>
      %dma_wait3A_109 = tpu.memref_squeeze %dma_wait3A_108 : memref<1x1x128xi32, #tpu.memory_space<hbm>> -> memref<128xi32, #tpu.memory_space<hbm>>
      tpu.wait_dma2 semaphore(%arg16 : memref<!tpu.dma_semaphore, #tpu.memory_space<semaphore_mem>>) src(%dma_wait3A_109 : memref<128xi32, #tpu.memory_space<hbm>>) dst(%arg8 : memref<128xi32, #tpu.memory_space<vmem>>)
      %get3A = arith.constant 0 : index
      %get3A_110 = tpu.vector_load %arg8[%get3A] {strides = array<i32>} : memref<128xi32, #tpu.memory_space<vmem>>, vector<16xi32>,
      %get3A_111 = vector.shape_cast %get3A_110 : vector<16xi32> to vector<16xi32>
      %swap3A = arith.constant 0 : index
      %swap3A_112 = tpu.vector_load %arg11[%swap3A] {strides = array<i32>} : memref<64xi32, #tpu.memory_space<vmem>>, vector<16xi32>,
      %swap3A_113 = vector.shape_cast %swap3A_112 : vector<16xi32> to vector<16xi32>
      %swap3A_114 = vector.shape_cast %get3A_111 : vector<16xi32> to vector<16xi32>
      tpu.vector_store %arg11[%swap3A], %swap3A_114 {strides = array<i32>} : memref<64xi32, #tpu.memory_space<vmem>>, vector<16xi32>,
      %get3A_115 = arith.constant 64 : index
      %get3A_116 = tpu.vector_load %arg8[%get3A_115] {strides = array<i32>} : memref<128xi32, #tpu.memory_space<vmem>>, vector<16xi32>,
      %get3A_117 = vector.shape_cast %get3A_116 : vector<16xi32> to vector<16xi32>
      %swap3A_118 = arith.constant 0 : index
      %swap3A_119 = tpu.vector_load %arg12[%swap3A_118] {strides = array<i32>} : memref<64xi32, #tpu.memory_space<vmem>>, vector<16xi32>,
      %swap3A_120 = vector.shape_cast %swap3A_119 : vector<16xi32> to vector<16xi32>
      %swap3A_121 = vector.shape_cast %get3A_117 : vector<16xi32> to vector<16xi32>
      tpu.vector_store %arg12[%swap3A_118], %swap3A_121 {strides = array<i32>} : memref<64xi32, #tpu.memory_space<vmem>>, vector<16xi32>,
      %get3A_122 = arith.constant 16 : index
      %get3A_123 = tpu.vector_load %arg8[%get3A_122] {strides = array<i32>} : memref<128xi32, #tpu.memory_space<vmem>>, vector<16xi32>,
      %get3A_124 = vector.shape_cast %get3A_123 : vector<16xi32> to vector<16xi32>
      %swap3A_125 = arith.constant 16 : index
      %swap3A_126 = tpu.vector_load %arg11[%swap3A_125] {strides = array<i32>} : memref<64xi32, #tpu.memory_space<vmem>>, vector<16xi32>,
      %swap3A_127 = vector.shape_cast %swap3A_126 : vector<16xi32> to vector<16xi32>
      %swap3A_128 = vector.shape_cast %get3A_124 : vector<16xi32> to vector<16xi32>
      tpu.vector_store %arg11[%swap3A_125], %swap3A_128 {strides = array<i32>} : memref<64xi32, #tpu.memory_space<vmem>>, vector<16xi32>,
      %get3A_129 = arith.constant 80 : index
      %get3A_130 = tpu.vector_load %arg8[%get3A_129] {strides = array<i32>} : memref<128xi32, #tpu.memory_space<vmem>>, vector<16xi32>,
      %get3A_131 = vector.shape_cast %get3A_130 : vector<16xi32> to vector<16xi32>
      %swap3A_132 = arith.constant 16 : index
      %swap3A_133 = tpu.vector_load %arg12[%swap3A_132] {strides = array<i32>} : memref<64xi32, #tpu.memory_space<vmem>>, vector<16xi32>,
      %swap3A_134 = vector.shape_cast %swap3A_133 : vector<16xi32> to vector<16xi32>
      %swap3A_135 = vector.shape_cast %get3A_131 : vector<16xi32> to vector<16xi32>
      tpu.vector_store %arg12[%swap3A_132], %swap3A_135 {strides = array<i32>} : memref<64xi32, #tpu.memory_space<vmem>>, vector<16xi32>,
      %get3A_136 = arith.constant 32 : index
      %get3A_137 = tpu.vector_load %arg8[%get3A_136] {strides = array<i32>} : memref<128xi32, #tpu.memory_space<vmem>>, vector<16xi32>,
      %get3A_138 = vector.shape_cast %get3A_137 : vector<16xi32> to vector<16xi32>
      %swap3A_139 = arith.constant 32 : index
      %swap3A_140 = tpu.vector_load %arg11[%swap3A_139] {strides = array<i32>} : memref<64xi32, #tpu.memory_space<vmem>>, vector<16xi32>,
      %swap3A_141 = vector.shape_cast %swap3A_140 : vector<16xi32> to vector<16xi32>
      %swap3A_142 = vector.shape_cast %get3A_138 : vector<16xi32> to vector<16xi32>
      tpu.vector_store %arg11[%swap3A_139], %swap3A_142 {strides = array<i32>} : memref<64xi32, #tpu.memory_space<vmem>>, vector<16xi32>,
      %get3A_143 = arith.constant 96 : index
      %get3A_144 = tpu.vector_load %arg8[%get3A_143] {strides = array<i32>} : memref<128xi32, #tpu.memory_space<vmem>>, vector<16xi32>,
      %get3A_145 = vector.shape_cast %get3A_144 : vector<16xi32> to vector<16xi32>
      %swap3A_146 = arith.constant 32 : index
      %swap3A_147 = tpu.vector_load %arg12[%swap3A_146] {strides = array<i32>} : memref<64xi32, #tpu.memory_space<vmem>>, vector<16xi32>,
      %swap3A_148 = vector.shape_cast %swap3A_147 : vector<16xi32> to vector<16xi32>
      %swap3A_149 = vector.shape_cast %get3A_145 : vector<16xi32> to vector<16xi32>
      tpu.vector_store %arg12[%swap3A_146], %swap3A_149 {strides = array<i32>} : memref<64xi32, #tpu.memory_space<vmem>>, vector<16xi32>,
      %get3A_150 = arith.constant 48 : index
      %get3A_151 = tpu.vector_load %arg8[%get3A_150] {strides = array<i32>} : memref<128xi32, #tpu.memory_space<vmem>>, vector<16xi32>,
      %get3A_152 = vector.shape_cast %get3A_151 : vector<16xi32> to vector<16xi32>
      %swap3A_153 = arith.constant 48 : index
      %swap3A_154 = tpu.vector_load %arg11[%swap3A_153] {strides = array<i32>} : memref<64xi32, #tpu.memory_space<vmem>>, vector<16xi32>,
      %swap3A_155 = vector.shape_cast %swap3A_154 : vector<16xi32> to vector<16xi32>
      %swap3A_156 = vector.shape_cast %get3A_152 : vector<16xi32> to vector<16xi32>
      tpu.vector_store %arg11[%swap3A_153], %swap3A_156 {strides = array<i32>} : memref<64xi32, #tpu.memory_space<vmem>>, vector<16xi32>,
      %get3A_157 = arith.constant 112 : index
      %get3A_158 = tpu.vector_load %arg8[%get3A_157] {strides = array<i32>} : memref<128xi32, #tpu.memory_space<vmem>>, vector<16xi32>,
      %get3A_159 = vector.shape_cast %get3A_158 : vector<16xi32> to vector<16xi32>
      %swap3A_160 = arith.constant 48 : index
      %swap3A_161 = tpu.vector_load %arg12[%swap3A_160] {strides = array<i32>} : memref<64xi32, #tpu.memory_space<vmem>>, vector<16xi32>,
      %swap3A_162 = vector.shape_cast %swap3A_161 : vector<16xi32> to vector<16xi32>
      %swap3A_163 = vector.shape_cast %get3A_159 : vector<16xi32> to vector<16xi32>
      tpu.vector_store %arg12[%swap3A_160], %swap3A_163 {strides = array<i32>} : memref<64xi32, #tpu.memory_space<vmem>>, vector<16xi32>,
      %dma_start3A_164 = arith.constant 0 : i32
      %dma_start3A_165 = tpu.memref_slice %arg7[%dma_start3A_164] : memref<128xi32, #tpu.memory_space<vmem>> -> memref<64xi32, #tpu.memory_space<vmem>>
      %dma_start3A_166 = arith.constant 0 : i32
      %dma_start3A_167 = arith.constant 0 : i32
      %dma_start3A_168 = tpu.memref_slice %arg2[%dma_start3A_166, %dma_start3A_167] : memref<10000x128xf32, #tpu.memory_space<hbm>> -> memref<10000x128xf32, #tpu.memory_space<hbm>>
      tpu.enqueue_indirect_dma source(%dma_start3A_168 : memref<10000x128xf32, #tpu.memory_space<hbm>>) target(%arg13 : memref<64x128xf32, #tpu.memory_space<vmem>>) offsets(%dma_start3A_165 : memref<64xi32, #tpu.memory_space<vmem>>) semaphore(%arg18 : memref<!tpu.dma_semaphore, #tpu.memory_space<semaphore_mem>>)
      %dma_start3A_169 = arith.constant 64 : i32
      %dma_start3A_170 = tpu.memref_slice %arg7[%dma_start3A_169] : memref<128xi32, #tpu.memory_space<vmem>> -> memref<64xi32, #tpu.memory_space<vmem>>
      %dma_start3A_171 = arith.constant 0 : i32
      %dma_start3A_172 = arith.constant 0 : i32
      %dma_start3A_173 = tpu.memref_slice %arg2[%dma_start3A_171, %dma_start3A_172] : memref<10000x128xf32, #tpu.memory_space<hbm>> -> memref<10000x128xf32, #tpu.memory_space<hbm>>
      tpu.enqueue_indirect_dma source(%dma_start3A_173 : memref<10000x128xf32, #tpu.memory_space<hbm>>) target(%arg14 : memref<64x128xf32, #tpu.memory_space<vmem>>) offsets(%dma_start3A_170 : memref<64xi32, #tpu.memory_space<vmem>>) semaphore(%arg19 : memref<!tpu.dma_semaphore, #tpu.memory_space<semaphore_mem>>)
      %dma_wait3A_174 = arith.constant 0 : i32
      %dma_wait3A_175 = tpu.memref_slice %arg7[%dma_wait3A_174] : memref<128xi32, #tpu.memory_space<vmem>> -> memref<64xi32, #tpu.memory_space<vmem>>
      %dma_wait3A_176 = arith.constant 0 : i32
      %dma_wait3A_177 = arith.constant 0 : i32
      %dma_wait3A_178 = tpu.memref_slice %arg2[%dma_wait3A_176, %dma_wait3A_177] : memref<10000x128xf32, #tpu.memory_space<hbm>> -> memref<10000x128xf32, #tpu.memory_space<hbm>>
      tpu.wait_indirect_dma semaphore(%arg18 : memref<!tpu.dma_semaphore, #tpu.memory_space<semaphore_mem>>) src(%dma_wait3A_178 : memref<10000x128xf32, #tpu.memory_space<hbm>>) dst(%arg13 : memref<64x128xf32, #tpu.memory_space<vmem>>)
      "tpu.region"() ({
        %run_scoped3A = tpu.sem_alloc : memref<!tpu.dma_semaphore, #tpu.memory_space<semaphore_mem>>
        %dma_start3A_288 = arith.constant 0 : i32
        %dma_start3A_289 = arith.constant 0 : i32
        %dma_start3A_290 = tpu.memref_slice %arg15[%dma_start3A_288, %dma_start3A_289] : memref<10000x128xf32, #tpu.memory_space<vmem_shared>> -> memref<10000x128xf32, #tpu.memory_space<vmem_shared>>
        tpu.enqueue_indirect_dma source(%arg13 : memref<64x128xf32, #tpu.memory_space<vmem>>) target(%dma_start3A_290 : memref<10000x128xf32, #tpu.memory_space<vmem_shared>>) offsets(%arg11 : memref<64xi32, #tpu.memory_space<vmem>>) semaphore(%run_scoped3A : memref<!tpu.dma_semaphore, #tpu.memory_space<semaphore_mem>>) {add = true}
        %dma_wait3A_291 = arith.constant 0 : i32
        %dma_wait3A_292 = arith.constant 0 : i32
        %dma_wait3A_293 = tpu.memref_slice %arg15[%dma_wait3A_291, %dma_wait3A_292] : memref<10000x128xf32, #tpu.memory_space<vmem_shared>> -> memref<10000x128xf32, #tpu.memory_space<vmem_shared>>
        tpu.wait_indirect_dma semaphore(%run_scoped3A : memref<!tpu.dma_semaphore, #tpu.memory_space<semaphore_mem>>) src(%arg13 : memref<64x128xf32, #tpu.memory_space<vmem>>) dst(%dma_wait3A_293 : memref<10000x128xf32, #tpu.memory_space<vmem_shared>>)
        tpu.yield
      }) : () -> ()
      %dma_wait3A_179 = arith.constant 64 : i32
      %dma_wait3A_180 = tpu.memref_slice %arg7[%dma_wait3A_179] : memref<128xi32, #tpu.memory_space<vmem>> -> memref<64xi32, #tpu.memory_space<vmem>>
      %dma_wait3A_181 = arith.constant 0 : i32
      %dma_wait3A_182 = arith.constant 0 : i32
      %dma_wait3A_183 = tpu.memref_slice %arg2[%dma_wait3A_181, %dma_wait3A_182] : memref<10000x128xf32, #tpu.memory_space<hbm>> -> memref<10000x128xf32, #tpu.memory_space<hbm>>
      tpu.wait_indirect_dma semaphore(%arg19 : memref<!tpu.dma_semaphore, #tpu.memory_space<semaphore_mem>>) src(%dma_wait3A_183 : memref<10000x128xf32, #tpu.memory_space<hbm>>) dst(%arg14 : memref<64x128xf32, #tpu.memory_space<vmem>>)
      "tpu.region"() ({
        %run_scoped3A = tpu.sem_alloc : memref<!tpu.dma_semaphore, #tpu.memory_space<semaphore_mem>>
        %dma_start3A_288 = arith.constant 0 : i32
        %dma_start3A_289 = arith.constant 0 : i32
        %dma_start3A_290 = tpu.memref_slice %arg15[%dma_start3A_288, %dma_start3A_289] : memref<10000x128xf32, #tpu.memory_space<vmem_shared>> -> memref<10000x128xf32, #tpu.memory_space<vmem_shared>>
        tpu.enqueue_indirect_dma source(%arg14 : memref<64x128xf32, #tpu.memory_space<vmem>>) target(%dma_start3A_290 : memref<10000x128xf32, #tpu.memory_space<vmem_shared>>) offsets(%arg12 : memref<64xi32, #tpu.memory_space<vmem>>) semaphore(%run_scoped3A : memref<!tpu.dma_semaphore, #tpu.memory_space<semaphore_mem>>) {add = true}
        %dma_wait3A_291 = arith.constant 0 : i32
        %dma_wait3A_292 = arith.constant 0 : i32
        %dma_wait3A_293 = tpu.memref_slice %arg15[%dma_wait3A_291, %dma_wait3A_292] : memref<10000x128xf32, #tpu.memory_space<vmem_shared>> -> memref<10000x128xf32, #tpu.memory_space<vmem_shared>>
        tpu.wait_indirect_dma semaphore(%run_scoped3A : memref<!tpu.dma_semaphore, #tpu.memory_space<semaphore_mem>>) src(%arg14 : memref<64x128xf32, #tpu.memory_space<vmem>>) dst(%dma_wait3A_293 : memref<10000x128xf32, #tpu.memory_space<vmem_shared>>)
        tpu.yield
      }) : () -> ()
      %dma_start3A_184 = arith.constant 0 : i32
      %dma_start3A_185 = arith.constant 0 : i32
      %dma_start3A_186 = tpu.memref_slice %arg3[%min3A_81, %dma_start3A_184, %dma_start3A_185] : memref<2500x1x128xi32, #tpu.memory_space<hbm>> -> memref<1x1x128xi32, #tpu.memory_space<hbm>>
      %dma_start3A_187 = tpu.memref_squeeze %dma_start3A_186 : memref<1x1x128xi32, #tpu.memory_space<hbm>> -> memref<128xi32, #tpu.memory_space<hbm>>
      %dma_start3A_188 = arith.constant 0 : i32
      %dma_start3A_189 = tpu.memref_slice %arg3[%min3A_81, %dma_start3A_184, %dma_start3A_188] : memref<2500x1x128xi32, #tpu.memory_space<hbm>> -> memref<1x1x128xi32, #tpu.memory_space<hbm>>
      %dma_start3A_190 = tpu.memref_squeeze %dma_start3A_189 : memref<1x1x128xi32, #tpu.memory_space<hbm>> -> memref<128xi32, #tpu.memory_space<hbm>>
      tpu.enqueue_dma source(%dma_start3A_190 : memref<128xi32, #tpu.memory_space<hbm>>) target(%arg7 : memref<128xi32, #tpu.memory_space<vmem>>) target_semaphore(%arg16 : memref<!tpu.dma_semaphore, #tpu.memory_space<semaphore_mem>>)
      %dma_start3A_191 = arith.constant 0 : i32
      %dma_start3A_192 = arith.constant 0 : i32
      %dma_start3A_193 = tpu.memref_slice %arg4[%min3A_81, %dma_start3A_191, %dma_start3A_192] : memref<2500x1x128xi32, #tpu.memory_space<hbm>> -> memref<1x1x128xi32, #tpu.memory_space<hbm>>
      %dma_start3A_194 = tpu.memref_squeeze %dma_start3A_193 : memref<1x1x128xi32, #tpu.memory_space<hbm>> -> memref<128xi32, #tpu.memory_space<hbm>>
      %dma_start3A_195 = arith.constant 0 : i32
      %dma_start3A_196 = tpu.memref_slice %arg4[%min3A_81, %dma_start3A_191, %dma_start3A_195] : memref<2500x1x128xi32, #tpu.memory_space<hbm>> -> memref<1x1x128xi32, #tpu.memory_space<hbm>>
      %dma_start3A_197 = tpu.memref_squeeze %dma_start3A_196 : memref<1x1x128xi32, #tpu.memory_space<hbm>> -> memref<128xi32, #tpu.memory_space<hbm>>
      tpu.enqueue_dma source(%dma_start3A_197 : memref<128xi32, #tpu.memory_space<hbm>>) target(%arg8 : memref<128xi32, #tpu.memory_space<vmem>>) target_semaphore(%arg16 : memref<!tpu.dma_semaphore, #tpu.memory_space<semaphore_mem>>)
      %dma_wait3A_198 = arith.constant 0 : i32
      %dma_wait3A_199 = arith.constant 0 : i32
      %dma_wait3A_200 = tpu.memref_slice %arg3[%min3A_77, %dma_wait3A_198, %dma_wait3A_199] : memref<2500x1x128xi32, #tpu.memory_space<hbm>> -> memref<1x1x128xi32, #tpu.memory_space<hbm>>
      %dma_wait3A_201 = tpu.memref_squeeze %dma_wait3A_200 : memref<1x1x128xi32, #tpu.memory_space<hbm>> -> memref<128xi32, #tpu.memory_space<hbm>>
      %dma_wait3A_202 = arith.constant 0 : i32
      %dma_wait3A_203 = tpu.memref_slice %arg3[%min3A_77, %dma_wait3A_198, %dma_wait3A_202] : memref<2500x1x128xi32, #tpu.memory_space<hbm>> -> memref<1x1x128xi32, #tpu.memory_space<hbm>>
      %dma_wait3A_204 = tpu.memref_squeeze %dma_wait3A_203 : memref<1x1x128xi32, #tpu.memory_space<hbm>> -> memref<128xi32, #tpu.memory_space<hbm>>
      tpu.wait_dma2 semaphore(%arg17 : memref<!tpu.dma_semaphore, #tpu.memory_space<semaphore_mem>>) src(%dma_wait3A_204 : memref<128xi32, #tpu.memory_space<hbm>>) dst(%arg9 : memref<128xi32, #tpu.memory_space<vmem>>)
      %dma_wait3A_205 = arith.constant 0 : i32
      %dma_wait3A_206 = arith.constant 0 : i32
      %dma_wait3A_207 = tpu.memref_slice %arg4[%min3A_77, %dma_wait3A_205, %dma_wait3A_206] : memref<2500x1x128xi32, #tpu.memory_space<hbm>> -> memref<1x1x128xi32, #tpu.memory_space<hbm>>
      %dma_wait3A_208 = tpu.memref_squeeze %dma_wait3A_207 : memref<1x1x128xi32, #tpu.memory_space<hbm>> -> memref<128xi32, #tpu.memory_space<hbm>>
      %dma_wait3A_209 = arith.constant 0 : i32
      %dma_wait3A_210 = tpu.memref_slice %arg4[%min3A_77, %dma_wait3A_205, %dma_wait3A_209] : memref<2500x1x128xi32, #tpu.memory_space<hbm>> -> memref<1x1x128xi32, #tpu.memory_space<hbm>>
      %dma_wait3A_211 = tpu.memref_squeeze %dma_wait3A_210 : memref<1x1x128xi32, #tpu.memory_space<hbm>> -> memref<128xi32, #tpu.memory_space<hbm>>
      tpu.wait_dma2 semaphore(%arg17 : memref<!tpu.dma_semaphore, #tpu.memory_space<semaphore_mem>>) src(%dma_wait3A_211 : memref<128xi32, #tpu.memory_space<hbm>>) dst(%arg10 : memref<128xi32, #tpu.memory_space<vmem>>)
      %get3A_212 = arith.constant 0 : index
      %get3A_213 = tpu.vector_load %arg10[%get3A_212] {strides = array<i32>} : memref<128xi32, #tpu.memory_space<vmem>>, vector<16xi32>,
      %get3A_214 = vector.shape_cast %get3A_213 : vector<16xi32> to vector<16xi32>
      %swap3A_215 = arith.constant 0 : index
      %swap3A_216 = tpu.vector_load %arg11[%swap3A_215] {strides = array<i32>} : memref<64xi32, #tpu.memory_space<vmem>>, vector<16xi32>,
      %swap3A_217 = vector.shape_cast %swap3A_216 : vector<16xi32> to vector<16xi32>
      %swap3A_218 = vector.shape_cast %get3A_214 : vector<16xi32> to vector<16xi32>
      tpu.vector_store %arg11[%swap3A_215], %swap3A_218 {strides = array<i32>} : memref<64xi32, #tpu.memory_space<vmem>>, vector<16xi32>,
      %get3A_219 = arith.constant 64 : index
      %get3A_220 = tpu.vector_load %arg10[%get3A_219] {strides = array<i32>} : memref<128xi32, #tpu.memory_space<vmem>>, vector<16xi32>,
      %get3A_221 = vector.shape_cast %get3A_220 : vector<16xi32> to vector<16xi32>
      %swap3A_222 = arith.constant 0 : index
      %swap3A_223 = tpu.vector_load %arg12[%swap3A_222] {strides = array<i32>} : memref<64xi32, #tpu.memory_space<vmem>>, vector<16xi32>,
      %swap3A_224 = vector.shape_cast %swap3A_223 : vector<16xi32> to vector<16xi32>
      %swap3A_225 = vector.shape_cast %get3A_221 : vector<16xi32> to vector<16xi32>
      tpu.vector_store %arg12[%swap3A_222], %swap3A_225 {strides = array<i32>} : memref<64xi32, #tpu.memory_space<vmem>>, vector<16xi32>,
      %get3A_226 = arith.constant 16 : index
      %get3A_227 = tpu.vector_load %arg10[%get3A_226] {strides = array<i32>} : memref<128xi32, #tpu.memory_space<vmem>>, vector<16xi32>,
      %get3A_228 = vector.shape_cast %get3A_227 : vector<16xi32> to vector<16xi32>
      %swap3A_229 = arith.constant 16 : index
      %swap3A_230 = tpu.vector_load %arg11[%swap3A_229] {strides = array<i32>} : memref<64xi32, #tpu.memory_space<vmem>>, vector<16xi32>,
      %swap3A_231 = vector.shape_cast %swap3A_230 : vector<16xi32> to vector<16xi32>
      %swap3A_232 = vector.shape_cast %get3A_228 : vector<16xi32> to vector<16xi32>
      tpu.vector_store %arg11[%swap3A_229], %swap3A_232 {strides = array<i32>} : memref<64xi32, #tpu.memory_space<vmem>>, vector<16xi32>,
      %get3A_233 = arith.constant 80 : index
      %get3A_234 = tpu.vector_load %arg10[%get3A_233] {strides = array<i32>} : memref<128xi32, #tpu.memory_space<vmem>>, vector<16xi32>,
      %get3A_235 = vector.shape_cast %get3A_234 : vector<16xi32> to vector<16xi32>
      %swap3A_236 = arith.constant 16 : index
      %swap3A_237 = tpu.vector_load %arg12[%swap3A_236] {strides = array<i32>} : memref<64xi32, #tpu.memory_space<vmem>>, vector<16xi32>,
      %swap3A_238 = vector.shape_cast %swap3A_237 : vector<16xi32> to vector<16xi32>
      %swap3A_239 = vector.shape_cast %get3A_235 : vector<16xi32> to vector<16xi32>
      tpu.vector_store %arg12[%swap3A_236], %swap3A_239 {strides = array<i32>} : memref<64xi32, #tpu.memory_space<vmem>>, vector<16xi32>,
      %get3A_240 = arith.constant 32 : index
      %get3A_241 = tpu.vector_load %arg10[%get3A_240] {strides = array<i32>} : memref<128xi32, #tpu.memory_space<vmem>>, vector<16xi32>,
      %get3A_242 = vector.shape_cast %get3A_241 : vector<16xi32> to vector<16xi32>
      %swap3A_243 = arith.constant 32 : index
      %swap3A_244 = tpu.vector_load %arg11[%swap3A_243] {strides = array<i32>} : memref<64xi32, #tpu.memory_space<vmem>>, vector<16xi32>,
      %swap3A_245 = vector.shape_cast %swap3A_244 : vector<16xi32> to vector<16xi32>
      %swap3A_246 = vector.shape_cast %get3A_242 : vector<16xi32> to vector<16xi32>
      tpu.vector_store %arg11[%swap3A_243], %swap3A_246 {strides = array<i32>} : memref<64xi32, #tpu.memory_space<vmem>>, vector<16xi32>,
      %get3A_247 = arith.constant 96 : index
      %get3A_248 = tpu.vector_load %arg10[%get3A_247] {strides = array<i32>} : memref<128xi32, #tpu.memory_space<vmem>>, vector<16xi32>,
      %get3A_249 = vector.shape_cast %get3A_248 : vector<16xi32> to vector<16xi32>
      %swap3A_250 = arith.constant 32 : index
      %swap3A_251 = tpu.vector_load %arg12[%swap3A_250] {strides = array<i32>} : memref<64xi32, #tpu.memory_space<vmem>>, vector<16xi32>,
      %swap3A_252 = vector.shape_cast %swap3A_251 : vector<16xi32> to vector<16xi32>
      %swap3A_253 = vector.shape_cast %get3A_249 : vector<16xi32> to vector<16xi32>
      tpu.vector_store %arg12[%swap3A_250], %swap3A_253 {strides = array<i32>} : memref<64xi32, #tpu.memory_space<vmem>>, vector<16xi32>,
      %get3A_254 = arith.constant 48 : index
      %get3A_255 = tpu.vector_load %arg10[%get3A_254] {strides = array<i32>} : memref<128xi32, #tpu.memory_space<vmem>>, vector<16xi32>,
      %get3A_256 = vector.shape_cast %get3A_255 : vector<16xi32> to vector<16xi32>
      %swap3A_257 = arith.constant 48 : index
      %swap3A_258 = tpu.vector_load %arg11[%swap3A_257] {strides = array<i32>} : memref<64xi32, #tpu.memory_space<vmem>>, vector<16xi32>,
      %swap3A_259 = vector.shape_cast %swap3A_258 : vector<16xi32> to vector<16xi32>
      %swap3A_260 = vector.shape_cast %get3A_256 : vector<16xi32> to vector<16xi32>
      tpu.vector_store %arg11[%swap3A_257], %swap3A_260 {strides = array<i32>} : memref<64xi32, #tpu.memory_space<vmem>>, vector<16xi32>,
      %get3A_261 = arith.constant 112 : index
      %get3A_262 = tpu.vector_load %arg10[%get3A_261] {strides = array<i32>} : memref<128xi32, #tpu.memory_space<vmem>>, vector<16xi32>,
      %get3A_263 = vector.shape_cast %get3A_262 : vector<16xi32> to vector<16xi32>
      %swap3A_264 = arith.constant 48 : index
      %swap3A_265 = tpu.vector_load %arg12[%swap3A_264] {strides = array<i32>} : memref<64xi32, #tpu.memory_space<vmem>>, vector<16xi32>,
      %swap3A_266 = vector.shape_cast %swap3A_265 : vector<16xi32> to vector<16xi32>
      %swap3A_267 = vector.shape_cast %get3A_263 : vector<16xi32> to vector<16xi32>
      tpu.vector_store %arg12[%swap3A_264], %swap3A_267 {strides = array<i32>} : memref<64xi32, #tpu.memory_space<vmem>>, vector<16xi32>,
      %dma_start3A_268 = arith.constant 0 : i32
      %dma_start3A_269 = tpu.memref_slice %arg9[%dma_start3A_268] : memref<128xi32, #tpu.memory_space<vmem>> -> memref<64xi32, #tpu.memory_space<vmem>>
      %dma_start3A_270 = arith.constant 0 : i32
      %dma_start3A_271 = arith.constant 0 : i32
      %dma_start3A_272 = tpu.memref_slice %arg2[%dma_start3A_270, %dma_start3A_271] : memref<10000x128xf32, #tpu.memory_space<hbm>> -> memref<10000x128xf32, #tpu.memory_space<hbm>>
      tpu.enqueue_indirect_dma source(%dma_start3A_272 : memref<10000x128xf32, #tpu.memory_space<hbm>>) target(%arg13 : memref<64x128xf32, #tpu.memory_space<vmem>>) offsets(%dma_start3A_269 : memref<64xi32, #tpu.memory_space<vmem>>) semaphore(%arg18 : memref<!tpu.dma_semaphore, #tpu.memory_space<semaphore_mem>>)
      %dma_start3A_273 = arith.constant 64 : i32
      %dma_start3A_274 = tpu.memref_slice %arg9[%dma_start3A_273] : memref<128xi32, #tpu.memory_space<vmem>> -> memref<64xi32, #tpu.memory_space<vmem>>
      %dma_start3A_275 = arith.constant 0 : i32
      %dma_start3A_276 = arith.constant 0 : i32
      %dma_start3A_277 = tpu.memref_slice %arg2[%dma_start3A_275, %dma_start3A_276] : memref<10000x128xf32, #tpu.memory_space<hbm>> -> memref<10000x128xf32, #tpu.memory_space<hbm>>
      tpu.enqueue_indirect_dma source(%dma_start3A_277 : memref<10000x128xf32, #tpu.memory_space<hbm>>) target(%arg14 : memref<64x128xf32, #tpu.memory_space<vmem>>) offsets(%dma_start3A_274 : memref<64xi32, #tpu.memory_space<vmem>>) semaphore(%arg19 : memref<!tpu.dma_semaphore, #tpu.memory_space<semaphore_mem>>)
      %dma_wait3A_278 = arith.constant 0 : i32
      %dma_wait3A_279 = tpu.memref_slice %arg9[%dma_wait3A_278] : memref<128xi32, #tpu.memory_space<vmem>> -> memref<64xi32, #tpu.memory_space<vmem>>
      %dma_wait3A_280 = arith.constant 0 : i32
      %dma_wait3A_281 = arith.constant 0 : i32
      %dma_wait3A_282 = tpu.memref_slice %arg2[%dma_wait3A_280, %dma_wait3A_281] : memref<10000x128xf32, #tpu.memory_space<hbm>> -> memref<10000x128xf32, #tpu.memory_space<hbm>>
      tpu.wait_indirect_dma semaphore(%arg18 : memref<!tpu.dma_semaphore, #tpu.memory_space<semaphore_mem>>) src(%dma_wait3A_282 : memref<10000x128xf32, #tpu.memory_space<hbm>>) dst(%arg13 : memref<64x128xf32, #tpu.memory_space<vmem>>)
      "tpu.region"() ({
        %run_scoped3A = tpu.sem_alloc : memref<!tpu.dma_semaphore, #tpu.memory_space<semaphore_mem>>
        %dma_start3A_288 = arith.constant 0 : i32
        %dma_start3A_289 = arith.constant 0 : i32
        %dma_start3A_290 = tpu.memref_slice %arg15[%dma_start3A_288, %dma_start3A_289] : memref<10000x128xf32, #tpu.memory_space<vmem_shared>> -> memref<10000x128xf32, #tpu.memory_space<vmem_shared>>
        tpu.enqueue_indirect_dma source(%arg13 : memref<64x128xf32, #tpu.memory_space<vmem>>) target(%dma_start3A_290 : memref<10000x128xf32, #tpu.memory_space<vmem_shared>>) offsets(%arg11 : memref<64xi32, #tpu.memory_space<vmem>>) semaphore(%run_scoped3A : memref<!tpu.dma_semaphore, #tpu.memory_space<semaphore_mem>>) {add = true}
        %dma_wait3A_291 = arith.constant 0 : i32
        %dma_wait3A_292 = arith.constant 0 : i32
        %dma_wait3A_293 = tpu.memref_slice %arg15[%dma_wait3A_291, %dma_wait3A_292] : memref<10000x128xf32, #tpu.memory_space<vmem_shared>> -> memref<10000x128xf32, #tpu.memory_space<vmem_shared>>
        tpu.wait_indirect_dma semaphore(%run_scoped3A : memref<!tpu.dma_semaphore, #tpu.memory_space<semaphore_mem>>) src(%arg13 : memref<64x128xf32, #tpu.memory_space<vmem>>) dst(%dma_wait3A_293 : memref<10000x128xf32, #tpu.memory_space<vmem_shared>>)
        tpu.yield
      }) : () -> ()
      %dma_wait3A_283 = arith.constant 64 : i32
      %dma_wait3A_284 = tpu.memref_slice %arg9[%dma_wait3A_283] : memref<128xi32, #tpu.memory_space<vmem>> -> memref<64xi32, #tpu.memory_space<vmem>>
      %dma_wait3A_285 = arith.constant 0 : i32
      %dma_wait3A_286 = arith.constant 0 : i32
      %dma_wait3A_287 = tpu.memref_slice %arg2[%dma_wait3A_285, %dma_wait3A_286] : memref<10000x128xf32, #tpu.memory_space<hbm>> -> memref<10000x128xf32, #tpu.memory_space<hbm>>
      tpu.wait_indirect_dma semaphore(%arg19 : memref<!tpu.dma_semaphore, #tpu.memory_space<semaphore_mem>>) src(%dma_wait3A_287 : memref<10000x128xf32, #tpu.memory_space<hbm>>) dst(%arg14 : memref<64x128xf32, #tpu.memory_space<vmem>>)
      "tpu.region"() ({
        %run_scoped3A = tpu.sem_alloc : memref<!tpu.dma_semaphore, #tpu.memory_space<semaphore_mem>>
        %dma_start3A_288 = arith.constant 0 : i32
        %dma_start3A_289 = arith.constant 0 : i32
        %dma_start3A_290 = tpu.memref_slice %arg15[%dma_start3A_288, %dma_start3A_289] : memref<10000x128xf32, #tpu.memory_space<vmem_shared>> -> memref<10000x128xf32, #tpu.memory_space<vmem_shared>>
        tpu.enqueue_indirect_dma source(%arg14 : memref<64x128xf32, #tpu.memory_space<vmem>>) target(%dma_start3A_290 : memref<10000x128xf32, #tpu.memory_space<vmem_shared>>) offsets(%arg12 : memref<64xi32, #tpu.memory_space<vmem>>) semaphore(%run_scoped3A : memref<!tpu.dma_semaphore, #tpu.memory_space<semaphore_mem>>) {add = true}
        %dma_wait3A_291 = arith.constant 0 : i32
        %dma_wait3A_292 = arith.constant 0 : i32
        %dma_wait3A_293 = tpu.memref_slice %arg15[%dma_wait3A_291, %dma_wait3A_292] : memref<10000x128xf32, #tpu.memory_space<vmem_shared>> -> memref<10000x128xf32, #tpu.memory_space<vmem_shared>>
        tpu.wait_indirect_dma semaphore(%run_scoped3A : memref<!tpu.dma_semaphore, #tpu.memory_space<semaphore_mem>>) src(%arg14 : memref<64x128xf32, #tpu.memory_space<vmem>>) dst(%dma_wait3A_293 : memref<10000x128xf32, #tpu.memory_space<vmem_shared>>)
        tpu.yield
      }) : () -> ()
    }
    %while3A_48 = arith.constant 1 : i32
    scf.for %while3A_70 = %while3A_46 to %while3A_42 step %while3A_48  : i32 {
      %mul3A_71 = arith.constant 2 : i32
      %mul3A_72 = arith.muli %mul3A_71, %while3A_70 : i32
      %add3A_73 = arith.addi %mul3A_4, %mul3A_72 : i32
      %add3A_74 = arith.constant 1 : i32
      %add3A_75 = arith.addi %add3A_73, %add3A_74 : i32
      %min3A_76 = arith.constant 2499 : i32
      %min3A_77 = arith.minsi %add3A_75, %min3A_76 : i32
      %add3A_78 = arith.constant 2 : i32
      %add3A_79 = arith.addi %add3A_73, %add3A_78 : i32
      %min3A_80 = arith.constant 2499 : i32
      %min3A_81 = arith.minsi %add3A_79, %min3A_80 : i32
      %dma_start3A_82 = arith.constant 0 : i32
      %dma_start3A_83 = arith.constant 0 : i32
      %dma_start3A_84 = tpu.memref_slice %arg3[%min3A_77, %dma_start3A_82, %dma_start3A_83] : memref<2500x1x128xi32, #tpu.memory_space<hbm>> -> memref<1x1x128xi32, #tpu.memory_space<hbm>>
      %dma_start3A_85 = tpu.memref_squeeze %dma_start3A_84 : memref<1x1x128xi32, #tpu.memory_space<hbm>> -> memref<128xi32, #tpu.memory_space<hbm>>
      %dma_start3A_86 = arith.constant 0 : i32
      %dma_start3A_87 = tpu.memref_slice %arg3[%min3A_77, %dma_start3A_82, %dma_start3A_86] : memref<2500x1x128xi32, #tpu.memory_space<hbm>> -> memref<1x1x128xi32, #tpu.memory_space<hbm>>
      %dma_start3A_88 = tpu.memref_squeeze %dma_start3A_87 : memref<1x1x128xi32, #tpu.memory_space<hbm>> -> memref<128xi32, #tpu.memory_space<hbm>>
      tpu.enqueue_dma source(%dma_start3A_88 : memref<128xi32, #tpu.memory_space<hbm>>) target(%arg9 : memref<128xi32, #tpu.memory_space<vmem>>) target_semaphore(%arg17 : memref<!tpu.dma_semaphore, #tpu.memory_space<semaphore_mem>>)
      %dma_start3A_89 = arith.constant 0 : i32
      %dma_start3A_90 = arith.constant 0 : i32
      %dma_start3A_91 = tpu.memref_slice %arg4[%min3A_77, %dma_start3A_89, %dma_start3A_90] : memref<2500x1x128xi32, #tpu.memory_space<hbm>> -> memref<1x1x128xi32, #tpu.memory_space<hbm>>
      %dma_start3A_92 = tpu.memref_squeeze %dma_start3A_91 : memref<1x1x128xi32, #tpu.memory_space<hbm>> -> memref<128xi32, #tpu.memory_space<hbm>>
      %dma_start3A_93 = arith.constant 0 : i32
      %dma_start3A_94 = tpu.memref_slice %arg4[%min3A_77, %dma_start3A_89, %dma_start3A_93] : memref<2500x1x128xi32, #tpu.memory_space<hbm>> -> memref<1x1x128xi32, #tpu.memory_space<hbm>>
      %dma_start3A_95 = tpu.memref_squeeze %dma_start3A_94 : memref<1x1x128xi32, #tpu.memory_space<hbm>> -> memref<128xi32, #tpu.memory_space<hbm>>
      tpu.enqueue_dma source(%dma_start3A_95 : memref<128xi32, #tpu.memory_space<hbm>>) target(%arg10 : memref<128xi32, #tpu.memory_space<vmem>>) target_semaphore(%arg17 : memref<!tpu.dma_semaphore, #tpu.memory_space<semaphore_mem>>)
      %dma_wait3A_96 = arith.constant 0 : i32
      %dma_wait3A_97 = arith.constant 0 : i32
      %dma_wait3A_98 = tpu.memref_slice %arg3[%add3A_73, %dma_wait3A_96, %dma_wait3A_97] : memref<2500x1x128xi32, #tpu.memory_space<hbm>> -> memref<1x1x128xi32, #tpu.memory_space<hbm>>
      %dma_wait3A_99 = tpu.memref_squeeze %dma_wait3A_98 : memref<1x1x128xi32, #tpu.memory_space<hbm>> -> memref<128xi32, #tpu.memory_space<hbm>>
      %dma_wait3A_100 = arith.constant 0 : i32
      %dma_wait3A_101 = tpu.memref_slice %arg3[%add3A_73, %dma_wait3A_96, %dma_wait3A_100] : memref<2500x1x128xi32, #tpu.memory_space<hbm>> -> memref<1x1x128xi32, #tpu.memory_space<hbm>>
      %dma_wait3A_102 = tpu.memref_squeeze %dma_wait3A_101 : memref<1x1x128xi32, #tpu.memory_space<hbm>> -> memref<128xi32, #tpu.memory_space<hbm>>
      tpu.wait_dma2 semaphore(%arg16 : memref<!tpu.dma_semaphore, #tpu.memory_space<semaphore_mem>>) src(%dma_wait3A_102 : memref<128xi32, #tpu.memory_space<hbm>>) dst(%arg7 : memref<128xi32, #tpu.memory_space<vmem>>)
      %dma_wait3A_103 = arith.constant 0 : i32
      %dma_wait3A_104 = arith.constant 0 : i32
      %dma_wait3A_105 = tpu.memref_slice %arg4[%add3A_73, %dma_wait3A_103, %dma_wait3A_104] : memref<2500x1x128xi32, #tpu.memory_space<hbm>> -> memref<1x1x128xi32, #tpu.memory_space<hbm>>
      %dma_wait3A_106 = tpu.memref_squeeze %dma_wait3A_105 : memref<1x1x128xi32, #tpu.memory_space<hbm>> -> memref<128xi32, #tpu.memory_space<hbm>>
      %dma_wait3A_107 = arith.constant 0 : i32
      %dma_wait3A_108 = tpu.memref_slice %arg4[%add3A_73, %dma_wait3A_103, %dma_wait3A_107] : memref<2500x1x128xi32, #tpu.memory_space<hbm>> -> memref<1x1x128xi32, #tpu.memory_space<hbm>>
      %dma_wait3A_109 = tpu.memref_squeeze %dma_wait3A_108 : memref<1x1x128xi32, #tpu.memory_space<hbm>> -> memref<128xi32, #tpu.memory_space<hbm>>
      tpu.wait_dma2 semaphore(%arg16 : memref<!tpu.dma_semaphore, #tpu.memory_space<semaphore_mem>>) src(%dma_wait3A_109 : memref<128xi32, #tpu.memory_space<hbm>>) dst(%arg8 : memref<128xi32, #tpu.memory_space<vmem>>)
      %get3A = arith.constant 0 : index
      %get3A_110 = tpu.vector_load %arg8[%get3A] {strides = array<i32>} : memref<128xi32, #tpu.memory_space<vmem>>, vector<16xi32>,
      %get3A_111 = vector.shape_cast %get3A_110 : vector<16xi32> to vector<16xi32>
      %swap3A = arith.constant 0 : index
      %swap3A_112 = tpu.vector_load %arg11[%swap3A] {strides = array<i32>} : memref<64xi32, #tpu.memory_space<vmem>>, vector<16xi32>,
      %swap3A_113 = vector.shape_cast %swap3A_112 : vector<16xi32> to vector<16xi32>
      %swap3A_114 = vector.shape_cast %get3A_111 : vector<16xi32> to vector<16xi32>
      tpu.vector_store %arg11[%swap3A], %swap3A_114 {strides = array<i32>} : memref<64xi32, #tpu.memory_space<vmem>>, vector<16xi32>,
      %get3A_115 = arith.constant 64 : index
      %get3A_116 = tpu.vector_load %arg8[%get3A_115] {strides = array<i32>} : memref<128xi32, #tpu.memory_space<vmem>>, vector<16xi32>,
      %get3A_117 = vector.shape_cast %get3A_116 : vector<16xi32> to vector<16xi32>
      %swap3A_118 = arith.constant 0 : index
      %swap3A_119 = tpu.vector_load %arg12[%swap3A_118] {strides = array<i32>} : memref<64xi32, #tpu.memory_space<vmem>>, vector<16xi32>,
      %swap3A_120 = vector.shape_cast %swap3A_119 : vector<16xi32> to vector<16xi32>
      %swap3A_121 = vector.shape_cast %get3A_117 : vector<16xi32> to vector<16xi32>
      tpu.vector_store %arg12[%swap3A_118], %swap3A_121 {strides = array<i32>} : memref<64xi32, #tpu.memory_space<vmem>>, vector<16xi32>,
      %get3A_122 = arith.constant 16 : index
      %get3A_123 = tpu.vector_load %arg8[%get3A_122] {strides = array<i32>} : memref<128xi32, #tpu.memory_space<vmem>>, vector<16xi32>,
      %get3A_124 = vector.shape_cast %get3A_123 : vector<16xi32> to vector<16xi32>
      %swap3A_125 = arith.constant 16 : index
      %swap3A_126 = tpu.vector_load %arg11[%swap3A_125] {strides = array<i32>} : memref<64xi32, #tpu.memory_space<vmem>>, vector<16xi32>,
      %swap3A_127 = vector.shape_cast %swap3A_126 : vector<16xi32> to vector<16xi32>
      %swap3A_128 = vector.shape_cast %get3A_124 : vector<16xi32> to vector<16xi32>
      tpu.vector_store %arg11[%swap3A_125], %swap3A_128 {strides = array<i32>} : memref<64xi32, #tpu.memory_space<vmem>>, vector<16xi32>,
      %get3A_129 = arith.constant 80 : index
      %get3A_130 = tpu.vector_load %arg8[%get3A_129] {strides = array<i32>} : memref<128xi32, #tpu.memory_space<vmem>>, vector<16xi32>,
      %get3A_131 = vector.shape_cast %get3A_130 : vector<16xi32> to vector<16xi32>
      %swap3A_132 = arith.constant 16 : index
      %swap3A_133 = tpu.vector_load %arg12[%swap3A_132] {strides = array<i32>} : memref<64xi32, #tpu.memory_space<vmem>>, vector<16xi32>,
      %swap3A_134 = vector.shape_cast %swap3A_133 : vector<16xi32> to vector<16xi32>
      %swap3A_135 = vector.shape_cast %get3A_131 : vector<16xi32> to vector<16xi32>
      tpu.vector_store %arg12[%swap3A_132], %swap3A_135 {strides = array<i32>} : memref<64xi32, #tpu.memory_space<vmem>>, vector<16xi32>,
      %get3A_136 = arith.constant 32 : index
      %get3A_137 = tpu.vector_load %arg8[%get3A_136] {strides = array<i32>} : memref<128xi32, #tpu.memory_space<vmem>>, vector<16xi32>,
      %get3A_138 = vector.shape_cast %get3A_137 : vector<16xi32> to vector<16xi32>
      %swap3A_139 = arith.constant 32 : index
      %swap3A_140 = tpu.vector_load %arg11[%swap3A_139] {strides = array<i32>} : memref<64xi32, #tpu.memory_space<vmem>>, vector<16xi32>,
      %swap3A_141 = vector.shape_cast %swap3A_140 : vector<16xi32> to vector<16xi32>
      %swap3A_142 = vector.shape_cast %get3A_138 : vector<16xi32> to vector<16xi32>
      tpu.vector_store %arg11[%swap3A_139], %swap3A_142 {strides = array<i32>} : memref<64xi32, #tpu.memory_space<vmem>>, vector<16xi32>,
      %get3A_143 = arith.constant 96 : index
      %get3A_144 = tpu.vector_load %arg8[%get3A_143] {strides = array<i32>} : memref<128xi32, #tpu.memory_space<vmem>>, vector<16xi32>,
      %get3A_145 = vector.shape_cast %get3A_144 : vector<16xi32> to vector<16xi32>
      %swap3A_146 = arith.constant 32 : index
      %swap3A_147 = tpu.vector_load %arg12[%swap3A_146] {strides = array<i32>} : memref<64xi32, #tpu.memory_space<vmem>>, vector<16xi32>,
      %swap3A_148 = vector.shape_cast %swap3A_147 : vector<16xi32> to vector<16xi32>
      %swap3A_149 = vector.shape_cast %get3A_145 : vector<16xi32> to vector<16xi32>
      tpu.vector_store %arg12[%swap3A_146], %swap3A_149 {strides = array<i32>} : memref<64xi32, #tpu.memory_space<vmem>>, vector<16xi32>,
      %get3A_150 = arith.constant 48 : index
      %get3A_151 = tpu.vector_load %arg8[%get3A_150] {strides = array<i32>} : memref<128xi32, #tpu.memory_space<vmem>>, vector<16xi32>,
      %get3A_152 = vector.shape_cast %get3A_151 : vector<16xi32> to vector<16xi32>
      %swap3A_153 = arith.constant 48 : index
      %swap3A_154 = tpu.vector_load %arg11[%swap3A_153] {strides = array<i32>} : memref<64xi32, #tpu.memory_space<vmem>>, vector<16xi32>,
      %swap3A_155 = vector.shape_cast %swap3A_154 : vector<16xi32> to vector<16xi32>
      %swap3A_156 = vector.shape_cast %get3A_152 : vector<16xi32> to vector<16xi32>
      tpu.vector_store %arg11[%swap3A_153], %swap3A_156 {strides = array<i32>} : memref<64xi32, #tpu.memory_space<vmem>>, vector<16xi32>,
      %get3A_157 = arith.constant 112 : index
      %get3A_158 = tpu.vector_load %arg8[%get3A_157] {strides = array<i32>} : memref<128xi32, #tpu.memory_space<vmem>>, vector<16xi32>,
      %get3A_159 = vector.shape_cast %get3A_158 : vector<16xi32> to vector<16xi32>
      %swap3A_160 = arith.constant 48 : index
      %swap3A_161 = tpu.vector_load %arg12[%swap3A_160] {strides = array<i32>} : memref<64xi32, #tpu.memory_space<vmem>>, vector<16xi32>,
      %swap3A_162 = vector.shape_cast %swap3A_161 : vector<16xi32> to vector<16xi32>
      %swap3A_163 = vector.shape_cast %get3A_159 : vector<16xi32> to vector<16xi32>
      tpu.vector_store %arg12[%swap3A_160], %swap3A_163 {strides = array<i32>} : memref<64xi32, #tpu.memory_space<vmem>>, vector<16xi32>,
      %dma_start3A_164 = arith.constant 0 : i32
      %dma_start3A_165 = tpu.memref_slice %arg7[%dma_start3A_164] : memref<128xi32, #tpu.memory_space<vmem>> -> memref<64xi32, #tpu.memory_space<vmem>>
      %dma_start3A_166 = arith.constant 0 : i32
      %dma_start3A_167 = arith.constant 0 : i32
      %dma_start3A_168 = tpu.memref_slice %arg2[%dma_start3A_166, %dma_start3A_167] : memref<10000x128xf32, #tpu.memory_space<hbm>> -> memref<10000x128xf32, #tpu.memory_space<hbm>>
      tpu.enqueue_indirect_dma source(%dma_start3A_168 : memref<10000x128xf32, #tpu.memory_space<hbm>>) target(%arg13 : memref<64x128xf32, #tpu.memory_space<vmem>>) offsets(%dma_start3A_165 : memref<64xi32, #tpu.memory_space<vmem>>) semaphore(%arg18 : memref<!tpu.dma_semaphore, #tpu.memory_space<semaphore_mem>>)
      %dma_start3A_169 = arith.constant 64 : i32
      %dma_start3A_170 = tpu.memref_slice %arg7[%dma_start3A_169] : memref<128xi32, #tpu.memory_space<vmem>> -> memref<64xi32, #tpu.memory_space<vmem>>
      %dma_start3A_171 = arith.constant 0 : i32
      %dma_start3A_172 = arith.constant 0 : i32
      %dma_start3A_173 = tpu.memref_slice %arg2[%dma_start3A_171, %dma_start3A_172] : memref<10000x128xf32, #tpu.memory_space<hbm>> -> memref<10000x128xf32, #tpu.memory_space<hbm>>
      tpu.enqueue_indirect_dma source(%dma_start3A_173 : memref<10000x128xf32, #tpu.memory_space<hbm>>) target(%arg14 : memref<64x128xf32, #tpu.memory_space<vmem>>) offsets(%dma_start3A_170 : memref<64xi32, #tpu.memory_space<vmem>>) semaphore(%arg19 : memref<!tpu.dma_semaphore, #tpu.memory_space<semaphore_mem>>)
      %dma_wait3A_174 = arith.constant 0 : i32
      %dma_wait3A_175 = tpu.memref_slice %arg7[%dma_wait3A_174] : memref<128xi32, #tpu.memory_space<vmem>> -> memref<64xi32, #tpu.memory_space<vmem>>
      %dma_wait3A_176 = arith.constant 0 : i32
      %dma_wait3A_177 = arith.constant 0 : i32
      %dma_wait3A_178 = tpu.memref_slice %arg2[%dma_wait3A_176, %dma_wait3A_177] : memref<10000x128xf32, #tpu.memory_space<hbm>> -> memref<10000x128xf32, #tpu.memory_space<hbm>>
      tpu.wait_indirect_dma semaphore(%arg18 : memref<!tpu.dma_semaphore, #tpu.memory_space<semaphore_mem>>) src(%dma_wait3A_178 : memref<10000x128xf32, #tpu.memory_space<hbm>>) dst(%arg13 : memref<64x128xf32, #tpu.memory_space<vmem>>)
      "tpu.region"() ({
        %run_scoped3A = tpu.sem_alloc : memref<!tpu.dma_semaphore, #tpu.memory_space<semaphore_mem>>
        %dma_start3A_288 = arith.constant 0 : i32
        %dma_start3A_289 = arith.constant 0 : i32
        %dma_start3A_290 = tpu.memref_slice %arg15[%dma_start3A_288, %dma_start3A_289] : memref<10000x128xf32, #tpu.memory_space<vmem_shared>> -> memref<10000x128xf32, #tpu.memory_space<vmem_shared>>
        tpu.enqueue_indirect_dma source(%arg13 : memref<64x128xf32, #tpu.memory_space<vmem>>) target(%dma_start3A_290 : memref<10000x128xf32, #tpu.memory_space<vmem_shared>>) offsets(%arg11 : memref<64xi32, #tpu.memory_space<vmem>>) semaphore(%run_scoped3A : memref<!tpu.dma_semaphore, #tpu.memory_space<semaphore_mem>>) {add = true}
        %dma_wait3A_291 = arith.constant 0 : i32
        %dma_wait3A_292 = arith.constant 0 : i32
        %dma_wait3A_293 = tpu.memref_slice %arg15[%dma_wait3A_291, %dma_wait3A_292] : memref<10000x128xf32, #tpu.memory_space<vmem_shared>> -> memref<10000x128xf32, #tpu.memory_space<vmem_shared>>
        tpu.wait_indirect_dma semaphore(%run_scoped3A : memref<!tpu.dma_semaphore, #tpu.memory_space<semaphore_mem>>) src(%arg13 : memref<64x128xf32, #tpu.memory_space<vmem>>) dst(%dma_wait3A_293 : memref<10000x128xf32, #tpu.memory_space<vmem_shared>>)
        tpu.yield
      }) : () -> ()
      %dma_wait3A_179 = arith.constant 64 : i32
      %dma_wait3A_180 = tpu.memref_slice %arg7[%dma_wait3A_179] : memref<128xi32, #tpu.memory_space<vmem>> -> memref<64xi32, #tpu.memory_space<vmem>>
      %dma_wait3A_181 = arith.constant 0 : i32
      %dma_wait3A_182 = arith.constant 0 : i32
      %dma_wait3A_183 = tpu.memref_slice %arg2[%dma_wait3A_181, %dma_wait3A_182] : memref<10000x128xf32, #tpu.memory_space<hbm>> -> memref<10000x128xf32, #tpu.memory_space<hbm>>
      tpu.wait_indirect_dma semaphore(%arg19 : memref<!tpu.dma_semaphore, #tpu.memory_space<semaphore_mem>>) src(%dma_wait3A_183 : memref<10000x128xf32, #tpu.memory_space<hbm>>) dst(%arg14 : memref<64x128xf32, #tpu.memory_space<vmem>>)
      "tpu.region"() ({
        %run_scoped3A = tpu.sem_alloc : memref<!tpu.dma_semaphore, #tpu.memory_space<semaphore_mem>>
        %dma_start3A_288 = arith.constant 0 : i32
        %dma_start3A_289 = arith.constant 0 : i32
        %dma_start3A_290 = tpu.memref_slice %arg15[%dma_start3A_288, %dma_start3A_289] : memref<10000x128xf32, #tpu.memory_space<vmem_shared>> -> memref<10000x128xf32, #tpu.memory_space<vmem_shared>>
        tpu.enqueue_indirect_dma source(%arg14 : memref<64x128xf32, #tpu.memory_space<vmem>>) target(%dma_start3A_290 : memref<10000x128xf32, #tpu.memory_space<vmem_shared>>) offsets(%arg12 : memref<64xi32, #tpu.memory_space<vmem>>) semaphore(%run_scoped3A : memref<!tpu.dma_semaphore, #tpu.memory_space<semaphore_mem>>) {add = true}
        %dma_wait3A_291 = arith.constant 0 : i32
        %dma_wait3A_292 = arith.constant 0 : i32
        %dma_wait3A_293 = tpu.memref_slice %arg15[%dma_wait3A_291, %dma_wait3A_292] : memref<10000x128xf32, #tpu.memory_space<vmem_shared>> -> memref<10000x128xf32, #tpu.memory_space<vmem_shared>>
        tpu.wait_indirect_dma semaphore(%run_scoped3A : memref<!tpu.dma_semaphore, #tpu.memory_space<semaphore_mem>>) src(%arg14 : memref<64x128xf32, #tpu.memory_space<vmem>>) dst(%dma_wait3A_293 : memref<10000x128xf32, #tpu.memory_space<vmem_shared>>)
        tpu.yield
      }) : () -> ()
      %dma_start3A_184 = arith.constant 0 : i32
      %dma_start3A_185 = arith.constant 0 : i32
      %dma_start3A_186 = tpu.memref_slice %arg3[%min3A_81, %dma_start3A_184, %dma_start3A_185] : memref<2500x1x128xi32, #tpu.memory_space<hbm>> -> memref<1x1x128xi32, #tpu.memory_space<hbm>>
      %dma_start3A_187 = tpu.memref_squeeze %dma_start3A_186 : memref<1x1x128xi32, #tpu.memory_space<hbm>> -> memref<128xi32, #tpu.memory_space<hbm>>
      %dma_start3A_188 = arith.constant 0 : i32
      %dma_start3A_189 = tpu.memref_slice %arg3[%min3A_81, %dma_start3A_184, %dma_start3A_188] : memref<2500x1x128xi32, #tpu.memory_space<hbm>> -> memref<1x1x128xi32, #tpu.memory_space<hbm>>
      %dma_start3A_190 = tpu.memref_squeeze %dma_start3A_189 : memref<1x1x128xi32, #tpu.memory_space<hbm>> -> memref<128xi32, #tpu.memory_space<hbm>>
      tpu.enqueue_dma source(%dma_start3A_190 : memref<128xi32, #tpu.memory_space<hbm>>) target(%arg7 : memref<128xi32, #tpu.memory_space<vmem>>) target_semaphore(%arg16 : memref<!tpu.dma_semaphore, #tpu.memory_space<semaphore_mem>>)
      %dma_start3A_191 = arith.constant 0 : i32
      %dma_start3A_192 = arith.constant 0 : i32
      %dma_start3A_193 = tpu.memref_slice %arg4[%min3A_81, %dma_start3A_191, %dma_start3A_192] : memref<2500x1x128xi32, #tpu.memory_space<hbm>> -> memref<1x1x128xi32, #tpu.memory_space<hbm>>
      %dma_start3A_194 = tpu.memref_squeeze %dma_start3A_193 : memref<1x1x128xi32, #tpu.memory_space<hbm>> -> memref<128xi32, #tpu.memory_space<hbm>>
      %dma_start3A_195 = arith.constant 0 : i32
      %dma_start3A_196 = tpu.memref_slice %arg4[%min3A_81, %dma_start3A_191, %dma_start3A_195] : memref<2500x1x128xi32, #tpu.memory_space<hbm>> -> memref<1x1x128xi32, #tpu.memory_space<hbm>>
      %dma_start3A_197 = tpu.memref_squeeze %dma_start3A_196 : memref<1x1x128xi32, #tpu.memory_space<hbm>> -> memref<128xi32, #tpu.memory_space<hbm>>
      tpu.enqueue_dma source(%dma_start3A_197 : memref<128xi32, #tpu.memory_space<hbm>>) target(%arg8 : memref<128xi32, #tpu.memory_space<vmem>>) target_semaphore(%arg16 : memref<!tpu.dma_semaphore, #tpu.memory_space<semaphore_mem>>)
      %dma_wait3A_198 = arith.constant 0 : i32
      %dma_wait3A_199 = arith.constant 0 : i32
      %dma_wait3A_200 = tpu.memref_slice %arg3[%min3A_77, %dma_wait3A_198, %dma_wait3A_199] : memref<2500x1x128xi32, #tpu.memory_space<hbm>> -> memref<1x1x128xi32, #tpu.memory_space<hbm>>
      %dma_wait3A_201 = tpu.memref_squeeze %dma_wait3A_200 : memref<1x1x128xi32, #tpu.memory_space<hbm>> -> memref<128xi32, #tpu.memory_space<hbm>>
      %dma_wait3A_202 = arith.constant 0 : i32
      %dma_wait3A_203 = tpu.memref_slice %arg3[%min3A_77, %dma_wait3A_198, %dma_wait3A_202] : memref<2500x1x128xi32, #tpu.memory_space<hbm>> -> memref<1x1x128xi32, #tpu.memory_space<hbm>>
      %dma_wait3A_204 = tpu.memref_squeeze %dma_wait3A_203 : memref<1x1x128xi32, #tpu.memory_space<hbm>> -> memref<128xi32, #tpu.memory_space<hbm>>
      tpu.wait_dma2 semaphore(%arg17 : memref<!tpu.dma_semaphore, #tpu.memory_space<semaphore_mem>>) src(%dma_wait3A_204 : memref<128xi32, #tpu.memory_space<hbm>>) dst(%arg9 : memref<128xi32, #tpu.memory_space<vmem>>)
      %dma_wait3A_205 = arith.constant 0 : i32
      %dma_wait3A_206 = arith.constant 0 : i32
      %dma_wait3A_207 = tpu.memref_slice %arg4[%min3A_77, %dma_wait3A_205, %dma_wait3A_206] : memref<2500x1x128xi32, #tpu.memory_space<hbm>> -> memref<1x1x128xi32, #tpu.memory_space<hbm>>
      %dma_wait3A_208 = tpu.memref_squeeze %dma_wait3A_207 : memref<1x1x128xi32, #tpu.memory_space<hbm>> -> memref<128xi32, #tpu.memory_space<hbm>>
      %dma_wait3A_209 = arith.constant 0 : i32
      %dma_wait3A_210 = tpu.memref_slice %arg4[%min3A_77, %dma_wait3A_205, %dma_wait3A_209] : memref<2500x1x128xi32, #tpu.memory_space<hbm>> -> memref<1x1x128xi32, #tpu.memory_space<hbm>>
      %dma_wait3A_211 = tpu.memref_squeeze %dma_wait3A_210 : memref<1x1x128xi32, #tpu.memory_space<hbm>> -> memref<128xi32, #tpu.memory_space<hbm>>
      tpu.wait_dma2 semaphore(%arg17 : memref<!tpu.dma_semaphore, #tpu.memory_space<semaphore_mem>>) src(%dma_wait3A_211 : memref<128xi32, #tpu.memory_space<hbm>>) dst(%arg10 : memref<128xi32, #tpu.memory_space<vmem>>)
      %get3A_212 = arith.constant 0 : index
      %get3A_213 = tpu.vector_load %arg10[%get3A_212] {strides = array<i32>} : memref<128xi32, #tpu.memory_space<vmem>>, vector<16xi32>,
      %get3A_214 = vector.shape_cast %get3A_213 : vector<16xi32> to vector<16xi32>
      %swap3A_215 = arith.constant 0 : index
      %swap3A_216 = tpu.vector_load %arg11[%swap3A_215] {strides = array<i32>} : memref<64xi32, #tpu.memory_space<vmem>>, vector<16xi32>,
      %swap3A_217 = vector.shape_cast %swap3A_216 : vector<16xi32> to vector<16xi32>
      %swap3A_218 = vector.shape_cast %get3A_214 : vector<16xi32> to vector<16xi32>
      tpu.vector_store %arg11[%swap3A_215], %swap3A_218 {strides = array<i32>} : memref<64xi32, #tpu.memory_space<vmem>>, vector<16xi32>,
      %get3A_219 = arith.constant 64 : index
      %get3A_220 = tpu.vector_load %arg10[%get3A_219] {strides = array<i32>} : memref<128xi32, #tpu.memory_space<vmem>>, vector<16xi32>,
      %get3A_221 = vector.shape_cast %get3A_220 : vector<16xi32> to vector<16xi32>
      %swap3A_222 = arith.constant 0 : index
      %swap3A_223 = tpu.vector_load %arg12[%swap3A_222] {strides = array<i32>} : memref<64xi32, #tpu.memory_space<vmem>>, vector<16xi32>,
      %swap3A_224 = vector.shape_cast %swap3A_223 : vector<16xi32> to vector<16xi32>
      %swap3A_225 = vector.shape_cast %get3A_221 : vector<16xi32> to vector<16xi32>
      tpu.vector_store %arg12[%swap3A_222], %swap3A_225 {strides = array<i32>} : memref<64xi32, #tpu.memory_space<vmem>>, vector<16xi32>,
      %get3A_226 = arith.constant 16 : index
      %get3A_227 = tpu.vector_load %arg10[%get3A_226] {strides = array<i32>} : memref<128xi32, #tpu.memory_space<vmem>>, vector<16xi32>,
      %get3A_228 = vector.shape_cast %get3A_227 : vector<16xi32> to vector<16xi32>
      %swap3A_229 = arith.constant 16 : index
      %swap3A_230 = tpu.vector_load %arg11[%swap3A_229] {strides = array<i32>} : memref<64xi32, #tpu.memory_space<vmem>>, vector<16xi32>,
      %swap3A_231 = vector.shape_cast %swap3A_230 : vector<16xi32> to vector<16xi32>
      %swap3A_232 = vector.shape_cast %get3A_228 : vector<16xi32> to vector<16xi32>
      tpu.vector_store %arg11[%swap3A_229], %swap3A_232 {strides = array<i32>} : memref<64xi32, #tpu.memory_space<vmem>>, vector<16xi32>,
      %get3A_233 = arith.constant 80 : index
      %get3A_234 = tpu.vector_load %arg10[%get3A_233] {strides = array<i32>} : memref<128xi32, #tpu.memory_space<vmem>>, vector<16xi32>,
      %get3A_235 = vector.shape_cast %get3A_234 : vector<16xi32> to vector<16xi32>
      %swap3A_236 = arith.constant 16 : index
      %swap3A_237 = tpu.vector_load %arg12[%swap3A_236] {strides = array<i32>} : memref<64xi32, #tpu.memory_space<vmem>>, vector<16xi32>,
      %swap3A_238 = vector.shape_cast %swap3A_237 : vector<16xi32> to vector<16xi32>
      %swap3A_239 = vector.shape_cast %get3A_235 : vector<16xi32> to vector<16xi32>
      tpu.vector_store %arg12[%swap3A_236], %swap3A_239 {strides = array<i32>} : memref<64xi32, #tpu.memory_space<vmem>>, vector<16xi32>,
      %get3A_240 = arith.constant 32 : index
      %get3A_241 = tpu.vector_load %arg10[%get3A_240] {strides = array<i32>} : memref<128xi32, #tpu.memory_space<vmem>>, vector<16xi32>,
      %get3A_242 = vector.shape_cast %get3A_241 : vector<16xi32> to vector<16xi32>
      %swap3A_243 = arith.constant 32 : index
      %swap3A_244 = tpu.vector_load %arg11[%swap3A_243] {strides = array<i32>} : memref<64xi32, #tpu.memory_space<vmem>>, vector<16xi32>,
      %swap3A_245 = vector.shape_cast %swap3A_244 : vector<16xi32> to vector<16xi32>
      %swap3A_246 = vector.shape_cast %get3A_242 : vector<16xi32> to vector<16xi32>
      tpu.vector_store %arg11[%swap3A_243], %swap3A_246 {strides = array<i32>} : memref<64xi32, #tpu.memory_space<vmem>>, vector<16xi32>,
      %get3A_247 = arith.constant 96 : index
      %get3A_248 = tpu.vector_load %arg10[%get3A_247] {strides = array<i32>} : memref<128xi32, #tpu.memory_space<vmem>>, vector<16xi32>,
      %get3A_249 = vector.shape_cast %get3A_248 : vector<16xi32> to vector<16xi32>
      %swap3A_250 = arith.constant 32 : index
      %swap3A_251 = tpu.vector_load %arg12[%swap3A_250] {strides = array<i32>} : memref<64xi32, #tpu.memory_space<vmem>>, vector<16xi32>,
      %swap3A_252 = vector.shape_cast %swap3A_251 : vector<16xi32> to vector<16xi32>
      %swap3A_253 = vector.shape_cast %get3A_249 : vector<16xi32> to vector<16xi32>
      tpu.vector_store %arg12[%swap3A_250], %swap3A_253 {strides = array<i32>} : memref<64xi32, #tpu.memory_space<vmem>>, vector<16xi32>,
      %get3A_254 = arith.constant 48 : index
      %get3A_255 = tpu.vector_load %arg10[%get3A_254] {strides = array<i32>} : memref<128xi32, #tpu.memory_space<vmem>>, vector<16xi32>,
      %get3A_256 = vector.shape_cast %get3A_255 : vector<16xi32> to vector<16xi32>
      %swap3A_257 = arith.constant 48 : index
      %swap3A_258 = tpu.vector_load %arg11[%swap3A_257] {strides = array<i32>} : memref<64xi32, #tpu.memory_space<vmem>>, vector<16xi32>,
      %swap3A_259 = vector.shape_cast %swap3A_258 : vector<16xi32> to vector<16xi32>
      %swap3A_260 = vector.shape_cast %get3A_256 : vector<16xi32> to vector<16xi32>
      tpu.vector_store %arg11[%swap3A_257], %swap3A_260 {strides = array<i32>} : memref<64xi32, #tpu.memory_space<vmem>>, vector<16xi32>,
      %get3A_261 = arith.constant 112 : index
      %get3A_262 = tpu.vector_load %arg10[%get3A_261] {strides = array<i32>} : memref<128xi32, #tpu.memory_space<vmem>>, vector<16xi32>,
      %get3A_263 = vector.shape_cast %get3A_262 : vector<16xi32> to vector<16xi32>
      %swap3A_264 = arith.constant 48 : index
      %swap3A_265 = tpu.vector_load %arg12[%swap3A_264] {strides = array<i32>} : memref<64xi32, #tpu.memory_space<vmem>>, vector<16xi32>,
      %swap3A_266 = vector.shape_cast %swap3A_265 : vector<16xi32> to vector<16xi32>
      %swap3A_267 = vector.shape_cast %get3A_263 : vector<16xi32> to vector<16xi32>
      tpu.vector_store %arg12[%swap3A_264], %swap3A_267 {strides = array<i32>} : memref<64xi32, #tpu.memory_space<vmem>>, vector<16xi32>,
      %dma_start3A_268 = arith.constant 0 : i32
      %dma_start3A_269 = tpu.memref_slice %arg9[%dma_start3A_268] : memref<128xi32, #tpu.memory_space<vmem>> -> memref<64xi32, #tpu.memory_space<vmem>>
      %dma_start3A_270 = arith.constant 0 : i32
      %dma_start3A_271 = arith.constant 0 : i32
      %dma_start3A_272 = tpu.memref_slice %arg2[%dma_start3A_270, %dma_start3A_271] : memref<10000x128xf32, #tpu.memory_space<hbm>> -> memref<10000x128xf32, #tpu.memory_space<hbm>>
      tpu.enqueue_indirect_dma source(%dma_start3A_272 : memref<10000x128xf32, #tpu.memory_space<hbm>>) target(%arg13 : memref<64x128xf32, #tpu.memory_space<vmem>>) offsets(%dma_start3A_269 : memref<64xi32, #tpu.memory_space<vmem>>) semaphore(%arg18 : memref<!tpu.dma_semaphore, #tpu.memory_space<semaphore_mem>>)
      %dma_start3A_273 = arith.constant 64 : i32
      %dma_start3A_274 = tpu.memref_slice %arg9[%dma_start3A_273] : memref<128xi32, #tpu.memory_space<vmem>> -> memref<64xi32, #tpu.memory_space<vmem>>
      %dma_start3A_275 = arith.constant 0 : i32
      %dma_start3A_276 = arith.constant 0 : i32
      %dma_start3A_277 = tpu.memref_slice %arg2[%dma_start3A_275, %dma_start3A_276] : memref<10000x128xf32, #tpu.memory_space<hbm>> -> memref<10000x128xf32, #tpu.memory_space<hbm>>
      tpu.enqueue_indirect_dma source(%dma_start3A_277 : memref<10000x128xf32, #tpu.memory_space<hbm>>) target(%arg14 : memref<64x128xf32, #tpu.memory_space<vmem>>) offsets(%dma_start3A_274 : memref<64xi32, #tpu.memory_space<vmem>>) semaphore(%arg19 : memref<!tpu.dma_semaphore, #tpu.memory_space<semaphore_mem>>)
      %dma_wait3A_278 = arith.constant 0 : i32
      %dma_wait3A_279 = tpu.memref_slice %arg9[%dma_wait3A_278] : memref<128xi32, #tpu.memory_space<vmem>> -> memref<64xi32, #tpu.memory_space<vmem>>
      %dma_wait3A_280 = arith.constant 0 : i32
      %dma_wait3A_281 = arith.constant 0 : i32
      %dma_wait3A_282 = tpu.memref_slice %arg2[%dma_wait3A_280, %dma_wait3A_281] : memref<10000x128xf32, #tpu.memory_space<hbm>> -> memref<10000x128xf32, #tpu.memory_space<hbm>>
      tpu.wait_indirect_dma semaphore(%arg18 : memref<!tpu.dma_semaphore, #tpu.memory_space<semaphore_mem>>) src(%dma_wait3A_282 : memref<10000x128xf32, #tpu.memory_space<hbm>>) dst(%arg13 : memref<64x128xf32, #tpu.memory_space<vmem>>)
      "tpu.region"() ({
        %run_scoped3A = tpu.sem_alloc : memref<!tpu.dma_semaphore, #tpu.memory_space<semaphore_mem>>
        %dma_start3A_288 = arith.constant 0 : i32
        %dma_start3A_289 = arith.constant 0 : i32
        %dma_start3A_290 = tpu.memref_slice %arg15[%dma_start3A_288, %dma_start3A_289] : memref<10000x128xf32, #tpu.memory_space<vmem_shared>> -> memref<10000x128xf32, #tpu.memory_space<vmem_shared>>
        tpu.enqueue_indirect_dma source(%arg13 : memref<64x128xf32, #tpu.memory_space<vmem>>) target(%dma_start3A_290 : memref<10000x128xf32, #tpu.memory_space<vmem_shared>>) offsets(%arg11 : memref<64xi32, #tpu.memory_space<vmem>>) semaphore(%run_scoped3A : memref<!tpu.dma_semaphore, #tpu.memory_space<semaphore_mem>>) {add = true}
        %dma_wait3A_291 = arith.constant 0 : i32
        %dma_wait3A_292 = arith.constant 0 : i32
        %dma_wait3A_293 = tpu.memref_slice %arg15[%dma_wait3A_291, %dma_wait3A_292] : memref<10000x128xf32, #tpu.memory_space<vmem_shared>> -> memref<10000x128xf32, #tpu.memory_space<vmem_shared>>
        tpu.wait_indirect_dma semaphore(%run_scoped3A : memref<!tpu.dma_semaphore, #tpu.memory_space<semaphore_mem>>) src(%arg13 : memref<64x128xf32, #tpu.memory_space<vmem>>) dst(%dma_wait3A_293 : memref<10000x128xf32, #tpu.memory_space<vmem_shared>>)
        tpu.yield
      }) : () -> ()
      %dma_wait3A_283 = arith.constant 64 : i32
      %dma_wait3A_284 = tpu.memref_slice %arg9[%dma_wait3A_283] : memref<128xi32, #tpu.memory_space<vmem>> -> memref<64xi32, #tpu.memory_space<vmem>>
      %dma_wait3A_285 = arith.constant 0 : i32
      %dma_wait3A_286 = arith.constant 0 : i32
      %dma_wait3A_287 = tpu.memref_slice %arg2[%dma_wait3A_285, %dma_wait3A_286] : memref<10000x128xf32, #tpu.memory_space<hbm>> -> memref<10000x128xf32, #tpu.memory_space<hbm>>
      tpu.wait_indirect_dma semaphore(%arg19 : memref<!tpu.dma_semaphore, #tpu.memory_space<semaphore_mem>>) src(%dma_wait3A_287 : memref<10000x128xf32, #tpu.memory_space<hbm>>) dst(%arg14 : memref<64x128xf32, #tpu.memory_space<vmem>>)
      "tpu.region"() ({
        %run_scoped3A = tpu.sem_alloc : memref<!tpu.dma_semaphore, #tpu.memory_space<semaphore_mem>>
        %dma_start3A_288 = arith.constant 0 : i32
        %dma_start3A_289 = arith.constant 0 : i32
        %dma_start3A_290 = tpu.memref_slice %arg15[%dma_start3A_288, %dma_start3A_289] : memref<10000x128xf32, #tpu.memory_space<vmem_shared>> -> memref<10000x128xf32, #tpu.memory_space<vmem_shared>>
        tpu.enqueue_indirect_dma source(%arg14 : memref<64x128xf32, #tpu.memory_space<vmem>>) target(%dma_start3A_290 : memref<10000x128xf32, #tpu.memory_space<vmem_shared>>) offsets(%arg12 : memref<64xi32, #tpu.memory_space<vmem>>) semaphore(%run_scoped3A : memref<!tpu.dma_semaphore, #tpu.memory_space<semaphore_mem>>) {add = true}
        %dma_wait3A_291 = arith.constant 0 : i32
        %dma_wait3A_292 = arith.constant 0 : i32
        %dma_wait3A_293 = tpu.memref_slice %arg15[%dma_wait3A_291, %dma_wait3A_292] : memref<10000x128xf32, #tpu.memory_space<vmem_shared>> -> memref<10000x128xf32, #tpu.memory_space<vmem_shared>>
        tpu.wait_indirect_dma semaphore(%run_scoped3A : memref<!tpu.dma_semaphore, #tpu.memory_space<semaphore_mem>>) src(%arg14 : memref<64x128xf32, #tpu.memory_space<vmem>>) dst(%dma_wait3A_293 : memref<10000x128xf32, #tpu.memory_space<vmem_shared>>)
        tpu.yield
      }) : () -> ()
    }
    %mul3A_49 = arith.constant 2 : i32
    %mul3A_50 = arith.muli %mul3A_49, %select_n3A : i32
    %add3A_51 = arith.addi %mul3A_4, %mul3A_50 : i32
    %min3A_52 = arith.constant 2499 : i32
    %min3A_53 = arith.minsi %add3A_51, %min3A_52 : i32
    %dma_wait3A = arith.constant 0 : i32
    %dma_wait3A_54 = arith.constant 0 : i32
    %dma_wait3A_55 = tpu.memref_slice %arg3[%min3A_53, %dma_wait3A, %dma_wait3A_54] : memref<2500x1x128xi32, #tpu.memory_space<hbm>> -> memref<1x1x128xi32, #tpu.memory_space<hbm>>
    %dma_wait3A_56 = tpu.memref_squeeze %dma_wait3A_55 : memref<1x1x128xi32, #tpu.memory_space<hbm>> -> memref<128xi32, #tpu.memory_space<hbm>>
    %dma_wait3A_57 = arith.constant 0 : i32
    %dma_wait3A_58 = tpu.memref_slice %arg3[%min3A_53, %dma_wait3A, %dma_wait3A_57] : memref<2500x1x128xi32, #tpu.memory_space<hbm>> -> memref<1x1x128xi32, #tpu.memory_space<hbm>>
    %dma_wait3A_59 = tpu.memref_squeeze %dma_wait3A_58 : memref<1x1x128xi32, #tpu.memory_space<hbm>> -> memref<128xi32, #tpu.memory_space<hbm>>
    tpu.wait_dma2 semaphore(%arg16 : memref<!tpu.dma_semaphore, #tpu.memory_space<semaphore_mem>>) src(%dma_wait3A_59 : memref<128xi32, #tpu.memory_space<hbm>>) dst(%arg7 : memref<128xi32, #tpu.memory_space<vmem>>)
    %dma_wait3A_60 = arith.constant 0 : i32
    %dma_wait3A_61 = arith.constant 0 : i32
    %dma_wait3A_62 = tpu.memref_slice %arg4[%min3A_53, %dma_wait3A_60, %dma_wait3A_61] : memref<2500x1x128xi32, #tpu.memory_space<hbm>> -> memref<1x1x128xi32, #tpu.memory_space<hbm>>
    %dma_wait3A_63 = tpu.memref_squeeze %dma_wait3A_62 : memref<1x1x128xi32, #tpu.memory_space<hbm>> -> memref<128xi32, #tpu.memory_space<hbm>>
    %dma_wait3A_64 = arith.constant 0 : i32
    %dma_wait3A_65 = tpu.memref_slice %arg4[%min3A_53, %dma_wait3A_60, %dma_wait3A_64] : memref<2500x1x128xi32, #tpu.memory_space<hbm>> -> memref<1x1x128xi32, #tpu.memory_space<hbm>>
    %dma_wait3A_66 = tpu.memref_squeeze %dma_wait3A_65 : memref<1x1x128xi32, #tpu.memory_space<hbm>> -> memref<128xi32, #tpu.memory_space<hbm>>
    tpu.wait_dma2 semaphore(%arg16 : memref<!tpu.dma_semaphore, #tpu.memory_space<semaphore_mem>>) src(%dma_wait3A_66 : memref<128xi32, #tpu.memory_space<hbm>>) dst(%arg8 : memref<128xi32, #tpu.memory_space<vmem>>)
    %eq3A = arith.constant 1 : i32
    %eq3A_67 = arith.cmpi eq, %sub3A_26, %eq3A : i32
    %convert_element_type3A = arith.extui %eq3A_67 : i1 to i32
    %cond3A = arith.constant 0 : i32
    %cond3A_68 = arith.cmpi ne, %convert_element_type3A, %cond3A : i32
    scf.if %cond3A_68 {
      %get3A = arith.constant 0 : index
      %get3A_70 = tpu.vector_load %arg8[%get3A] {strides = array<i32>} : memref<128xi32, #tpu.memory_space<vmem>>, vector<16xi32>,
      %get3A_71 = vector.shape_cast %get3A_70 : vector<16xi32> to vector<16xi32>
      %swap3A = arith.constant 0 : index
      %swap3A_72 = tpu.vector_load %arg11[%swap3A] {strides = array<i32>} : memref<64xi32, #tpu.memory_space<vmem>>, vector<16xi32>,
      %swap3A_73 = vector.shape_cast %swap3A_72 : vector<16xi32> to vector<16xi32>
      %swap3A_74 = vector.shape_cast %get3A_71 : vector<16xi32> to vector<16xi32>
      tpu.vector_store %arg11[%swap3A], %swap3A_74 {strides = array<i32>} : memref<64xi32, #tpu.memory_space<vmem>>, vector<16xi32>,
      %get3A_75 = arith.constant 64 : index
      %get3A_76 = tpu.vector_load %arg8[%get3A_75] {strides = array<i32>} : memref<128xi32, #tpu.memory_space<vmem>>, vector<16xi32>,
      %get3A_77 = vector.shape_cast %get3A_76 : vector<16xi32> to vector<16xi32>
      %swap3A_78 = arith.constant 0 : index
      %swap3A_79 = tpu.vector_load %arg12[%swap3A_78] {strides = array<i32>} : memref<64xi32, #tpu.memory_space<vmem>>, vector<16xi32>,
      %swap3A_80 = vector.shape_cast %swap3A_79 : vector<16xi32> to vector<16xi32>
      %swap3A_81 = vector.shape_cast %get3A_77 : vector<16xi32> to vector<16xi32>
      tpu.vector_store %arg12[%swap3A_78], %swap3A_81 {strides = array<i32>} : memref<64xi32, #tpu.memory_space<vmem>>, vector<16xi32>,
      %get3A_82 = arith.constant 16 : index
      %get3A_83 = tpu.vector_load %arg8[%get3A_82] {strides = array<i32>} : memref<128xi32, #tpu.memory_space<vmem>>, vector<16xi32>,
      %get3A_84 = vector.shape_cast %get3A_83 : vector<16xi32> to vector<16xi32>
      %swap3A_85 = arith.constant 16 : index
      %swap3A_86 = tpu.vector_load %arg11[%swap3A_85] {strides = array<i32>} : memref<64xi32, #tpu.memory_space<vmem>>, vector<16xi32>,
      %swap3A_87 = vector.shape_cast %swap3A_86 : vector<16xi32> to vector<16xi32>
      %swap3A_88 = vector.shape_cast %get3A_84 : vector<16xi32> to vector<16xi32>
      tpu.vector_store %arg11[%swap3A_85], %swap3A_88 {strides = array<i32>} : memref<64xi32, #tpu.memory_space<vmem>>, vector<16xi32>,
      %get3A_89 = arith.constant 80 : index
      %get3A_90 = tpu.vector_load %arg8[%get3A_89] {strides = array<i32>} : memref<128xi32, #tpu.memory_space<vmem>>, vector<16xi32>,
      %get3A_91 = vector.shape_cast %get3A_90 : vector<16xi32> to vector<16xi32>
      %swap3A_92 = arith.constant 16 : index
      %swap3A_93 = tpu.vector_load %arg12[%swap3A_92] {strides = array<i32>} : memref<64xi32, #tpu.memory_space<vmem>>, vector<16xi32>,
      %swap3A_94 = vector.shape_cast %swap3A_93 : vector<16xi32> to vector<16xi32>
      %swap3A_95 = vector.shape_cast %get3A_91 : vector<16xi32> to vector<16xi32>
      tpu.vector_store %arg12[%swap3A_92], %swap3A_95 {strides = array<i32>} : memref<64xi32, #tpu.memory_space<vmem>>, vector<16xi32>,
      %get3A_96 = arith.constant 32 : index
      %get3A_97 = tpu.vector_load %arg8[%get3A_96] {strides = array<i32>} : memref<128xi32, #tpu.memory_space<vmem>>, vector<16xi32>,
      %get3A_98 = vector.shape_cast %get3A_97 : vector<16xi32> to vector<16xi32>
      %swap3A_99 = arith.constant 32 : index
      %swap3A_100 = tpu.vector_load %arg11[%swap3A_99] {strides = array<i32>} : memref<64xi32, #tpu.memory_space<vmem>>, vector<16xi32>,
      %swap3A_101 = vector.shape_cast %swap3A_100 : vector<16xi32> to vector<16xi32>
      %swap3A_102 = vector.shape_cast %get3A_98 : vector<16xi32> to vector<16xi32>
      tpu.vector_store %arg11[%swap3A_99], %swap3A_102 {strides = array<i32>} : memref<64xi32, #tpu.memory_space<vmem>>, vector<16xi32>,
      %get3A_103 = arith.constant 96 : index
      %get3A_104 = tpu.vector_load %arg8[%get3A_103] {strides = array<i32>} : memref<128xi32, #tpu.memory_space<vmem>>, vector<16xi32>,
      %get3A_105 = vector.shape_cast %get3A_104 : vector<16xi32> to vector<16xi32>
      %swap3A_106 = arith.constant 32 : index
      %swap3A_107 = tpu.vector_load %arg12[%swap3A_106] {strides = array<i32>} : memref<64xi32, #tpu.memory_space<vmem>>, vector<16xi32>,
      %swap3A_108 = vector.shape_cast %swap3A_107 : vector<16xi32> to vector<16xi32>
      %swap3A_109 = vector.shape_cast %get3A_105 : vector<16xi32> to vector<16xi32>
      tpu.vector_store %arg12[%swap3A_106], %swap3A_109 {strides = array<i32>} : memref<64xi32, #tpu.memory_space<vmem>>, vector<16xi32>,
      %get3A_110 = arith.constant 48 : index
      %get3A_111 = tpu.vector_load %arg8[%get3A_110] {strides = array<i32>} : memref<128xi32, #tpu.memory_space<vmem>>, vector<16xi32>,
      %get3A_112 = vector.shape_cast %get3A_111 : vector<16xi32> to vector<16xi32>
      %swap3A_113 = arith.constant 48 : index
      %swap3A_114 = tpu.vector_load %arg11[%swap3A_113] {strides = array<i32>} : memref<64xi32, #tpu.memory_space<vmem>>, vector<16xi32>,
      %swap3A_115 = vector.shape_cast %swap3A_114 : vector<16xi32> to vector<16xi32>
      %swap3A_116 = vector.shape_cast %get3A_112 : vector<16xi32> to vector<16xi32>
      tpu.vector_store %arg11[%swap3A_113], %swap3A_116 {strides = array<i32>} : memref<64xi32, #tpu.memory_space<vmem>>, vector<16xi32>,
      %get3A_117 = arith.constant 112 : index
      %get3A_118 = tpu.vector_load %arg8[%get3A_117] {strides = array<i32>} : memref<128xi32, #tpu.memory_space<vmem>>, vector<16xi32>,
      %get3A_119 = vector.shape_cast %get3A_118 : vector<16xi32> to vector<16xi32>
      %swap3A_120 = arith.constant 48 : index
      %swap3A_121 = tpu.vector_load %arg12[%swap3A_120] {strides = array<i32>} : memref<64xi32, #tpu.memory_space<vmem>>, vector<16xi32>,
      %swap3A_122 = vector.shape_cast %swap3A_121 : vector<16xi32> to vector<16xi32>
      %swap3A_123 = vector.shape_cast %get3A_119 : vector<16xi32> to vector<16xi32>
      tpu.vector_store %arg12[%swap3A_120], %swap3A_123 {strides = array<i32>} : memref<64xi32, #tpu.memory_space<vmem>>, vector<16xi32>,
      %dma_start3A_124 = arith.constant 0 : i32
      %dma_start3A_125 = tpu.memref_slice %arg7[%dma_start3A_124] : memref<128xi32, #tpu.memory_space<vmem>> -> memref<64xi32, #tpu.memory_space<vmem>>
      %dma_start3A_126 = arith.constant 0 : i32
      %dma_start3A_127 = arith.constant 0 : i32
      %dma_start3A_128 = tpu.memref_slice %arg2[%dma_start3A_126, %dma_start3A_127] : memref<10000x128xf32, #tpu.memory_space<hbm>> -> memref<10000x128xf32, #tpu.memory_space<hbm>>
      tpu.enqueue_indirect_dma source(%dma_start3A_128 : memref<10000x128xf32, #tpu.memory_space<hbm>>) target(%arg13 : memref<64x128xf32, #tpu.memory_space<vmem>>) offsets(%dma_start3A_125 : memref<64xi32, #tpu.memory_space<vmem>>) semaphore(%arg18 : memref<!tpu.dma_semaphore, #tpu.memory_space<semaphore_mem>>)
      %dma_start3A_129 = arith.constant 64 : i32
      %dma_start3A_130 = tpu.memref_slice %arg7[%dma_start3A_129] : memref<128xi32, #tpu.memory_space<vmem>> -> memref<64xi32, #tpu.memory_space<vmem>>
      %dma_start3A_131 = arith.constant 0 : i32
      %dma_start3A_132 = arith.constant 0 : i32
      %dma_start3A_133 = tpu.memref_slice %arg2[%dma_start3A_131, %dma_start3A_132] : memref<10000x128xf32, #tpu.memory_space<hbm>> -> memref<10000x128xf32, #tpu.memory_space<hbm>>
      tpu.enqueue_indirect_dma source(%dma_start3A_133 : memref<10000x128xf32, #tpu.memory_space<hbm>>) target(%arg14 : memref<64x128xf32, #tpu.memory_space<vmem>>) offsets(%dma_start3A_130 : memref<64xi32, #tpu.memory_space<vmem>>) semaphore(%arg19 : memref<!tpu.dma_semaphore, #tpu.memory_space<semaphore_mem>>)
      %dma_wait3A_134 = arith.constant 0 : i32
      %dma_wait3A_135 = tpu.memref_slice %arg7[%dma_wait3A_134] : memref<128xi32, #tpu.memory_space<vmem>> -> memref<64xi32, #tpu.memory_space<vmem>>
      %dma_wait3A_136 = arith.constant 0 : i32
      %dma_wait3A_137 = arith.constant 0 : i32
      %dma_wait3A_138 = tpu.memref_slice %arg2[%dma_wait3A_136, %dma_wait3A_137] : memref<10000x128xf32, #tpu.memory_space<hbm>> -> memref<10000x128xf32, #tpu.memory_space<hbm>>
      tpu.wait_indirect_dma semaphore(%arg18 : memref<!tpu.dma_semaphore, #tpu.memory_space<semaphore_mem>>) src(%dma_wait3A_138 : memref<10000x128xf32, #tpu.memory_space<hbm>>) dst(%arg13 : memref<64x128xf32, #tpu.memory_space<vmem>>)
      "tpu.region"() ({
        %run_scoped3A = tpu.sem_alloc : memref<!tpu.dma_semaphore, #tpu.memory_space<semaphore_mem>>
        %dma_start3A_144 = arith.constant 0 : i32
        %dma_start3A_145 = arith.constant 0 : i32
        %dma_start3A_146 = tpu.memref_slice %arg15[%dma_start3A_144, %dma_start3A_145] : memref<10000x128xf32, #tpu.memory_space<vmem_shared>> -> memref<10000x128xf32, #tpu.memory_space<vmem_shared>>
        tpu.enqueue_indirect_dma source(%arg13 : memref<64x128xf32, #tpu.memory_space<vmem>>) target(%dma_start3A_146 : memref<10000x128xf32, #tpu.memory_space<vmem_shared>>) offsets(%arg11 : memref<64xi32, #tpu.memory_space<vmem>>) semaphore(%run_scoped3A : memref<!tpu.dma_semaphore, #tpu.memory_space<semaphore_mem>>) {add = true}
        %dma_wait3A_147 = arith.constant 0 : i32
        %dma_wait3A_148 = arith.constant 0 : i32
        %dma_wait3A_149 = tpu.memref_slice %arg15[%dma_wait3A_147, %dma_wait3A_148] : memref<10000x128xf32, #tpu.memory_space<vmem_shared>> -> memref<10000x128xf32, #tpu.memory_space<vmem_shared>>
        tpu.wait_indirect_dma semaphore(%run_scoped3A : memref<!tpu.dma_semaphore, #tpu.memory_space<semaphore_mem>>) src(%arg13 : memref<64x128xf32, #tpu.memory_space<vmem>>) dst(%dma_wait3A_149 : memref<10000x128xf32, #tpu.memory_space<vmem_shared>>)
        tpu.yield
      }) : () -> ()
      %dma_wait3A_139 = arith.constant 64 : i32
      %dma_wait3A_140 = tpu.memref_slice %arg7[%dma_wait3A_139] : memref<128xi32, #tpu.memory_space<vmem>> -> memref<64xi32, #tpu.memory_space<vmem>>
      %dma_wait3A_141 = arith.constant 0 : i32
      %dma_wait3A_142 = arith.constant 0 : i32
      %dma_wait3A_143 = tpu.memref_slice %arg2[%dma_wait3A_141, %dma_wait3A_142] : memref<10000x128xf32, #tpu.memory_space<hbm>> -> memref<10000x128xf32, #tpu.memory_space<hbm>>
      tpu.wait_indirect_dma semaphore(%arg19 : memref<!tpu.dma_semaphore, #tpu.memory_space<semaphore_mem>>) src(%dma_wait3A_143 : memref<10000x128xf32, #tpu.memory_space<hbm>>) dst(%arg14 : memref<64x128xf32, #tpu.memory_space<vmem>>)
      "tpu.region"() ({
        %run_scoped3A = tpu.sem_alloc : memref<!tpu.dma_semaphore, #tpu.memory_space<semaphore_mem>>
        %dma_start3A_144 = arith.constant 0 : i32
        %dma_start3A_145 = arith.constant 0 : i32
        %dma_start3A_146 = tpu.memref_slice %arg15[%dma_start3A_144, %dma_start3A_145] : memref<10000x128xf32, #tpu.memory_space<vmem_shared>> -> memref<10000x128xf32, #tpu.memory_space<vmem_shared>>
        tpu.enqueue_indirect_dma source(%arg14 : memref<64x128xf32, #tpu.memory_space<vmem>>) target(%dma_start3A_146 : memref<10000x128xf32, #tpu.memory_space<vmem_shared>>) offsets(%arg12 : memref<64xi32, #tpu.memory_space<vmem>>) semaphore(%run_scoped3A : memref<!tpu.dma_semaphore, #tpu.memory_space<semaphore_mem>>) {add = true}
        %dma_wait3A_147 = arith.constant 0 : i32
        %dma_wait3A_148 = arith.constant 0 : i32
        %dma_wait3A_149 = tpu.memref_slice %arg15[%dma_wait3A_147, %dma_wait3A_148] : memref<10000x128xf32, #tpu.memory_space<vmem_shared>> -> memref<10000x128xf32, #tpu.memory_space<vmem_shared>>
        tpu.wait_indirect_dma semaphore(%run_scoped3A : memref<!tpu.dma_semaphore, #tpu.memory_space<semaphore_mem>>) src(%arg14 : memref<64x128xf32, #tpu.memory_space<vmem>>) dst(%dma_wait3A_149 : memref<10000x128xf32, #tpu.memory_space<vmem_shared>>)
        tpu.yield
      }) : () -> ()
    } else {
    }
    %barrier3A_69 = arith.constant 0 : index
    tpu.barrier barrier_id(%barrier3A_69)
    "tpu.region"() ({
      %run_scoped3A = tpu.sem_alloc : memref<!tpu.dma_semaphore, #tpu.memory_space<semaphore_mem>>
      %dma_start3A_70 = arith.constant 0 : i32
      %dma_start3A_71 = tpu.memref_slice %arg6[%arg0, %mul3A_2, %dma_start3A_70] : memref<2x10000x128xf32, #tpu.memory_space<hbm>> -> memref<1x640x128xf32, #tpu.memory_space<hbm>>
      %dma_start3A_72 = tpu.memref_squeeze %dma_start3A_71 : memref<1x640x128xf32, #tpu.memory_space<hbm>> -> memref<640x128xf32, #tpu.memory_space<hbm>>
      %dma_start3A_73 = arith.constant 0 : i32
      %dma_start3A_74 = tpu.memref_slice %arg15[%mul3A_2, %dma_start3A_73] : memref<10000x128xf32, #tpu.memory_space<vmem_shared>> -> memref<640x128xf32, #tpu.memory_space<vmem_shared>>
      tpu.enqueue_dma source(%dma_start3A_74 : memref<640x128xf32, #tpu.memory_space<vmem_shared>>) target(%dma_start3A_72 : memref<640x128xf32, #tpu.memory_space<hbm>>) target_semaphore(%run_scoped3A : memref<!tpu.dma_semaphore, #tpu.memory_space<semaphore_mem>>)
      %dma_wait3A_75 = arith.constant 0 : i32
      %dma_wait3A_76 = tpu.memref_slice %arg6[%arg0, %mul3A_2, %dma_wait3A_75] : memref<2x10000x128xf32, #tpu.memory_space<hbm>> -> memref<1x640x128xf32, #tpu.memory_space<hbm>>
      %dma_wait3A_77 = tpu.memref_squeeze %dma_wait3A_76 : memref<1x640x128xf32, #tpu.memory_space<hbm>> -> memref<640x128xf32, #tpu.memory_space<hbm>>
      %dma_wait3A_78 = arith.constant 0 : i32
      %dma_wait3A_79 = tpu.memref_slice %arg15[%mul3A_2, %dma_wait3A_78] : memref<10000x128xf32, #tpu.memory_space<vmem_shared>> -> memref<640x128xf32, #tpu.memory_space<vmem_shared>>
      tpu.wait_dma2 semaphore(%run_scoped3A : memref<!tpu.dma_semaphore, #tpu.memory_space<semaphore_mem>>) src(%dma_wait3A_79 : memref<640x128xf32, #tpu.memory_space<vmem_shared>>) dst(%dma_wait3A_77 : memref<640x128xf32, #tpu.memory_space<hbm>>)
      tpu.yield
    }) : () -> ()
    return
  }
}

#map = affine_map<(d0, d1) -> (0, 0)>
#map1 = affine_map<(d0, d1) -> (0, 0, 0)>
module attributes {stable_mosaic.version = 14 : i64} {
  func.func @sc_mean_agg(%arg0: i32, %arg1: i32, %arg2: memref<10000x128xf32, #tpu.memory_space<hbm>>, %arg3: memref<2500x1x128xi32, #tpu.memory_space<hbm>>, %arg4: memref<2500x1x128xi32, #tpu.memory_space<hbm>>, %arg5: memref<10240x128xf32, #tpu.memory_space<hbm>>, %arg6: memref<2x10000x128xf32, #tpu.memory_space<hbm>>, %arg7: memref<128xi32, #tpu.memory_space<vmem>>, %arg8: memref<128xi32, #tpu.memory_space<vmem>>, %arg9: memref<128xi32, #tpu.memory_space<vmem>>, %arg10: memref<128xi32, #tpu.memory_space<vmem>>, %arg11: memref<64xi32, #tpu.memory_space<vmem>>, %arg12: memref<64xi32, #tpu.memory_space<vmem>>, %arg13: memref<64x128xf32, #tpu.memory_space<vmem>>, %arg14: memref<64x128xf32, #tpu.memory_space<vmem>>, %arg15: memref<10000x128xf32, #tpu.memory_space<vmem_shared>>, %arg16: memref<!tpu.dma_semaphore, #tpu.memory_space<semaphore_mem>>, %arg17: memref<!tpu.dma_semaphore, #tpu.memory_space<semaphore_mem>>, %arg18: memref<!tpu.dma_semaphore, #tpu.memory_space<semaphore_mem>>, %arg19: memref<!tpu.dma_semaphore, #tpu.memory_space<semaphore_mem>>) attributes {dimension_semantics = [#tpu.dimension_semantics<core_parallel>, #tpu.dimension_semantics<subcore_parallel>], iteration_bounds = array<i64: 2, 16>, scalar_prefetch = 0 : i64, scratch_operands = 13 : i64, tpu.core_type = #tpu.core_type<sc_vector_subcore>, window_params = [{transform_indices = #map}, {transform_indices = #map1}, {transform_indices = #map1}, {transform_indices = #map}, {transform_indices = #map1}]} {
    %mul3A = arith.constant 2 : i32
    %mul3A_0 = arith.muli %arg1, %mul3A : i32
    %add3A = arith.addi %mul3A_0, %arg0 : i32
    %mul3A_1 = arith.constant 624 : i32
    %mul3A_2 = arith.muli %arg1, %mul3A_1 : i32
    "tpu.region"() ({
      %run_scoped3A = tpu.sem_alloc : memref<!tpu.dma_semaphore, #tpu.memory_space<semaphore_mem>>
      %dma_start3A_70 = arith.constant 0 : i32
      %dma_start3A_71 = tpu.memref_slice %arg15[%mul3A_2, %dma_start3A_70] : memref<10000x128xf32, #tpu.memory_space<vmem_shared>> -> memref<640x128xf32, #tpu.memory_space<vmem_shared>>
      %dma_start3A_72 = arith.constant 0 : i32
      %dma_start3A_73 = tpu.memref_slice %arg5[%mul3A_2, %dma_start3A_72] : memref<10240x128xf32, #tpu.memory_space<hbm>> -> memref<640x128xf32, #tpu.memory_space<hbm>>
      tpu.enqueue_dma source(%dma_start3A_73 : memref<640x128xf32, #tpu.memory_space<hbm>>) target(%dma_start3A_71 : memref<640x128xf32, #tpu.memory_space<vmem_shared>>) target_semaphore(%run_scoped3A : memref<!tpu.dma_semaphore, #tpu.memory_space<semaphore_mem>>)
      %dma_wait3A_74 = arith.constant 0 : i32
      %dma_wait3A_75 = tpu.memref_slice %arg15[%mul3A_2, %dma_wait3A_74] : memref<10000x128xf32, #tpu.memory_space<vmem_shared>> -> memref<640x128xf32, #tpu.memory_space<vmem_shared>>
      %dma_wait3A_76 = arith.constant 0 : i32
      %dma_wait3A_77 = tpu.memref_slice %arg5[%mul3A_2, %dma_wait3A_76] : memref<10240x128xf32, #tpu.memory_space<hbm>> -> memref<640x128xf32, #tpu.memory_space<hbm>>
      tpu.wait_dma2 semaphore(%run_scoped3A : memref<!tpu.dma_semaphore, #tpu.memory_space<semaphore_mem>>) src(%dma_wait3A_77 : memref<640x128xf32, #tpu.memory_space<hbm>>) dst(%dma_wait3A_75 : memref<640x128xf32, #tpu.memory_space<vmem_shared>>)
      tpu.yield
    }) : () -> ()
    %barrier3A = arith.constant 0 : index
    tpu.barrier barrier_id(%barrier3A)
    %mul3A_3 = arith.constant 79 : i32
    %mul3A_4 = arith.muli %add3A, %mul3A_3 : i32
    %sub3A = arith.constant 2500 : i32
    %sub3A_5 = arith.subi %sub3A, %mul3A_4 : i32
    %min3A = arith.constant 79 : i32
    %min3A_6 = arith.minsi %min3A, %sub3A_5 : i32
    %jit3A = arith.constant 2 : i32
    %div3A = arith.divsi %min3A_6, %jit3A : i32
    %sign3A = arith.constant 0 : i32
    %sign3A_7 = arith.cmpi sgt, %min3A_6, %sign3A : i32
    %sign3A_8 = arith.extui %sign3A_7 : i1 to i32
    %sign3A_9 = arith.constant 0 : i32
    %sign3A_10 = arith.cmpi slt, %min3A_6, %sign3A_9 : i32
    %sign3A_11 = arith.extui %sign3A_10 : i1 to i32
    %sign3A_12 = arith.subi %sign3A_8, %sign3A_11 : i32
    %sign3A_13 = arith.constant 0 : i32
    %sign3A_14 = arith.cmpi sgt, %jit3A, %sign3A_13 : i32
    %sign3A_15 = arith.extui %sign3A_14 : i1 to i32
    %sign3A_16 = arith.constant 0 : i32
    %sign3A_17 = arith.cmpi slt, %jit3A, %sign3A_16 : i32
    %sign3A_18 = arith.extui %sign3A_17 : i1 to i32
    %sign3A_19 = arith.subi %sign3A_15, %sign3A_18 : i32
    %ne3A = arith.cmpi ne, %sign3A_12, %sign3A_19 : i32
    %rem3A = arith.remsi %min3A_6, %jit3A : i32
    %ne3A_20 = arith.constant 0 : i32
    %ne3A_21 = arith.cmpi ne, %rem3A, %ne3A_20 : i32
    %and3A = arith.andi %ne3A, %ne3A_21 : i1
    %sub3A_22 = arith.constant 1 : i32
    %sub3A_23 = arith.subi %div3A, %sub3A_22 : i32
    %select_n3A = arith.select %and3A, %sub3A_23, %div3A : i32
    %mul3A_24 = arith.constant 2 : i32
    %mul3A_25 = arith.muli %mul3A_24, %select_n3A : i32
    %sub3A_26 = arith.subi %min3A_6, %mul3A_25 : i32
    %dma_start3A = arith.constant 0 : i32
    %dma_start3A_27 = arith.constant 0 : i32
    %dma_start3A_28 = tpu.memref_slice %arg3[%mul3A_4, %dma_start3A, %dma_start3A_27] : memref<2500x1x128xi32, #tpu.memory_space<hbm>> -> memref<1x1x128xi32, #tpu.memory_space<hbm>>
    %dma_start3A_29 = tpu.memref_squeeze %dma_start3A_28 : memref<1x1x128xi32, #tpu.memory_space<hbm>> -> memref<128xi32, #tpu.memory_space<hbm>>
    %dma_start3A_30 = arith.constant 0 : i32
    %dma_start3A_31 = tpu.memref_slice %arg3[%mul3A_4, %dma_start3A, %dma_start3A_30] : memref<2500x1x128xi32, #tpu.memory_space<hbm>> -> memref<1x1x128xi32, #tpu.memory_space<hbm>>
    %dma_start3A_32 = tpu.memref_squeeze %dma_start3A_31 : memref<1x1x128xi32, #tpu.memory_space<hbm>> -> memref<128xi32, #tpu.memory_space<hbm>>
    tpu.enqueue_dma source(%dma_start3A_32 : memref<128xi32, #tpu.memory_space<hbm>>) target(%arg7 : memref<128xi32, #tpu.memory_space<vmem>>) target_semaphore(%arg16 : memref<!tpu.dma_semaphore, #tpu.memory_space<semaphore_mem>>)
    %dma_start3A_33 = arith.constant 0 : i32
    %dma_start3A_34 = arith.constant 0 : i32
    %dma_start3A_35 = tpu.memref_slice %arg4[%mul3A_4, %dma_start3A_33, %dma_start3A_34] : memref<2500x1x128xi32, #tpu.memory_space<hbm>> -> memref<1x1x128xi32, #tpu.memory_space<hbm>>
    %dma_start3A_36 = tpu.memref_squeeze %dma_start3A_35 : memref<1x1x128xi32, #tpu.memory_space<hbm>> -> memref<128xi32, #tpu.memory_space<hbm>>
    %dma_start3A_37 = arith.constant 0 : i32
    %dma_start3A_38 = tpu.memref_slice %arg4[%mul3A_4, %dma_start3A_33, %dma_start3A_37] : memref<2500x1x128xi32, #tpu.memory_space<hbm>> -> memref<1x1x128xi32, #tpu.memory_space<hbm>>
    %dma_start3A_39 = tpu.memref_squeeze %dma_start3A_38 : memref<1x1x128xi32, #tpu.memory_space<hbm>> -> memref<128xi32, #tpu.memory_space<hbm>>
    tpu.enqueue_dma source(%dma_start3A_39 : memref<128xi32, #tpu.memory_space<hbm>>) target(%arg8 : memref<128xi32, #tpu.memory_space<vmem>>) target_semaphore(%arg16 : memref<!tpu.dma_semaphore, #tpu.memory_space<semaphore_mem>>)
    %while3A = arith.constant 0 : i32
    %while3A_40 = arith.constant 0 : i32
    %while3A_41 = arith.subi %select_n3A, %while3A_40 : i32
    %while3A_42 = arith.addi %while3A_40, %while3A_41 : i32
    %while3A_43 = arith.constant 1 : i32
    %while3A_44 = arith.divsi %while3A_41, %while3A_43 : i32
    %while3A_45 = arith.muli %while3A_44, %while3A_43 : i32
    %while3A_46 = arith.addi %while3A_40, %while3A_45 : i32
    %while3A_47 = arith.constant 1 : i32
    scf.for %while3A_70 = %while3A_40 to %while3A_46 step %while3A_47  : i32 {
      %mul3A_71 = arith.constant 2 : i32
      %mul3A_72 = arith.muli %mul3A_71, %while3A_70 : i32
      %add3A_73 = arith.addi %mul3A_4, %mul3A_72 : i32
      %add3A_74 = arith.constant 1 : i32
      %add3A_75 = arith.addi %add3A_73, %add3A_74 : i32
      %min3A_76 = arith.constant 2499 : i32
      %min3A_77 = arith.minsi %add3A_75, %min3A_76 : i32
      %add3A_78 = arith.constant 2 : i32
      %add3A_79 = arith.addi %add3A_73, %add3A_78 : i32
      %min3A_80 = arith.constant 2499 : i32
      %min3A_81 = arith.minsi %add3A_79, %min3A_80 : i32
      %dma_start3A_82 = arith.constant 0 : i32
      %dma_start3A_83 = arith.constant 0 : i32
      %dma_start3A_84 = tpu.memref_slice %arg3[%min3A_77, %dma_start3A_82, %dma_start3A_83] : memref<2500x1x128xi32, #tpu.memory_space<hbm>> -> memref<1x1x128xi32, #tpu.memory_space<hbm>>
      %dma_start3A_85 = tpu.memref_squeeze %dma_start3A_84 : memref<1x1x128xi32, #tpu.memory_space<hbm>> -> memref<128xi32, #tpu.memory_space<hbm>>
      %dma_start3A_86 = arith.constant 0 : i32
      %dma_start3A_87 = tpu.memref_slice %arg3[%min3A_77, %dma_start3A_82, %dma_start3A_86] : memref<2500x1x128xi32, #tpu.memory_space<hbm>> -> memref<1x1x128xi32, #tpu.memory_space<hbm>>
      %dma_start3A_88 = tpu.memref_squeeze %dma_start3A_87 : memref<1x1x128xi32, #tpu.memory_space<hbm>> -> memref<128xi32, #tpu.memory_space<hbm>>
      tpu.enqueue_dma source(%dma_start3A_88 : memref<128xi32, #tpu.memory_space<hbm>>) target(%arg9 : memref<128xi32, #tpu.memory_space<vmem>>) target_semaphore(%arg17 : memref<!tpu.dma_semaphore, #tpu.memory_space<semaphore_mem>>)
      %dma_start3A_89 = arith.constant 0 : i32
      %dma_start3A_90 = arith.constant 0 : i32
      %dma_start3A_91 = tpu.memref_slice %arg4[%min3A_77, %dma_start3A_89, %dma_start3A_90] : memref<2500x1x128xi32, #tpu.memory_space<hbm>> -> memref<1x1x128xi32, #tpu.memory_space<hbm>>
      %dma_start3A_92 = tpu.memref_squeeze %dma_start3A_91 : memref<1x1x128xi32, #tpu.memory_space<hbm>> -> memref<128xi32, #tpu.memory_space<hbm>>
      %dma_start3A_93 = arith.constant 0 : i32
      %dma_start3A_94 = tpu.memref_slice %arg4[%min3A_77, %dma_start3A_89, %dma_start3A_93] : memref<2500x1x128xi32, #tpu.memory_space<hbm>> -> memref<1x1x128xi32, #tpu.memory_space<hbm>>
      %dma_start3A_95 = tpu.memref_squeeze %dma_start3A_94 : memref<1x1x128xi32, #tpu.memory_space<hbm>> -> memref<128xi32, #tpu.memory_space<hbm>>
      tpu.enqueue_dma source(%dma_start3A_95 : memref<128xi32, #tpu.memory_space<hbm>>) target(%arg10 : memref<128xi32, #tpu.memory_space<vmem>>) target_semaphore(%arg17 : memref<!tpu.dma_semaphore, #tpu.memory_space<semaphore_mem>>)
      %dma_wait3A_96 = arith.constant 0 : i32
      %dma_wait3A_97 = arith.constant 0 : i32
      %dma_wait3A_98 = tpu.memref_slice %arg3[%add3A_73, %dma_wait3A_96, %dma_wait3A_97] : memref<2500x1x128xi32, #tpu.memory_space<hbm>> -> memref<1x1x128xi32, #tpu.memory_space<hbm>>
      %dma_wait3A_99 = tpu.memref_squeeze %dma_wait3A_98 : memref<1x1x128xi32, #tpu.memory_space<hbm>> -> memref<128xi32, #tpu.memory_space<hbm>>
      %dma_wait3A_100 = arith.constant 0 : i32
      %dma_wait3A_101 = tpu.memref_slice %arg3[%add3A_73, %dma_wait3A_96, %dma_wait3A_100] : memref<2500x1x128xi32, #tpu.memory_space<hbm>> -> memref<1x1x128xi32, #tpu.memory_space<hbm>>
      %dma_wait3A_102 = tpu.memref_squeeze %dma_wait3A_101 : memref<1x1x128xi32, #tpu.memory_space<hbm>> -> memref<128xi32, #tpu.memory_space<hbm>>
      tpu.wait_dma2 semaphore(%arg16 : memref<!tpu.dma_semaphore, #tpu.memory_space<semaphore_mem>>) src(%dma_wait3A_102 : memref<128xi32, #tpu.memory_space<hbm>>) dst(%arg7 : memref<128xi32, #tpu.memory_space<vmem>>)
      %dma_wait3A_103 = arith.constant 0 : i32
      %dma_wait3A_104 = arith.constant 0 : i32
      %dma_wait3A_105 = tpu.memref_slice %arg4[%add3A_73, %dma_wait3A_103, %dma_wait3A_104] : memref<2500x1x128xi32, #tpu.memory_space<hbm>> -> memref<1x1x128xi32, #tpu.memory_space<hbm>>
      %dma_wait3A_106 = tpu.memref_squeeze %dma_wait3A_105 : memref<1x1x128xi32, #tpu.memory_space<hbm>> -> memref<128xi32, #tpu.memory_space<hbm>>
      %dma_wait3A_107 = arith.constant 0 : i32
      %dma_wait3A_108 = tpu.memref_slice %arg4[%add3A_73, %dma_wait3A_103, %dma_wait3A_107] : memref<2500x1x128xi32, #tpu.memory_space<hbm>> -> memref<1x1x128xi32, #tpu.memory_space<hbm>>
      %dma_wait3A_109 = tpu.memref_squeeze %dma_wait3A_108 : memref<1x1x128xi32, #tpu.memory_space<hbm>> -> memref<128xi32, #tpu.memory_space<hbm>>
      tpu.wait_dma2 semaphore(%arg16 : memref<!tpu.dma_semaphore, #tpu.memory_space<semaphore_mem>>) src(%dma_wait3A_109 : memref<128xi32, #tpu.memory_space<hbm>>) dst(%arg8 : memref<128xi32, #tpu.memory_space<vmem>>)
      %get3A = arith.constant 0 : index
      %get3A_110 = tpu.vector_load %arg8[%get3A] {strides = array<i32>} : memref<128xi32, #tpu.memory_space<vmem>>, vector<16xi32>,
      %get3A_111 = vector.shape_cast %get3A_110 : vector<16xi32> to vector<16xi32>
      %swap3A = arith.constant 0 : index
      %swap3A_112 = tpu.vector_load %arg11[%swap3A] {strides = array<i32>} : memref<64xi32, #tpu.memory_space<vmem>>, vector<16xi32>,
      %swap3A_113 = vector.shape_cast %swap3A_112 : vector<16xi32> to vector<16xi32>
      %swap3A_114 = vector.shape_cast %get3A_111 : vector<16xi32> to vector<16xi32>
      tpu.vector_store %arg11[%swap3A], %swap3A_114 {strides = array<i32>} : memref<64xi32, #tpu.memory_space<vmem>>, vector<16xi32>,
      %get3A_115 = arith.constant 64 : index
      %get3A_116 = tpu.vector_load %arg8[%get3A_115] {strides = array<i32>} : memref<128xi32, #tpu.memory_space<vmem>>, vector<16xi32>,
      %get3A_117 = vector.shape_cast %get3A_116 : vector<16xi32> to vector<16xi32>
      %swap3A_118 = arith.constant 0 : index
      %swap3A_119 = tpu.vector_load %arg12[%swap3A_118] {strides = array<i32>} : memref<64xi32, #tpu.memory_space<vmem>>, vector<16xi32>,
      %swap3A_120 = vector.shape_cast %swap3A_119 : vector<16xi32> to vector<16xi32>
      %swap3A_121 = vector.shape_cast %get3A_117 : vector<16xi32> to vector<16xi32>
      tpu.vector_store %arg12[%swap3A_118], %swap3A_121 {strides = array<i32>} : memref<64xi32, #tpu.memory_space<vmem>>, vector<16xi32>,
      %get3A_122 = arith.constant 16 : index
      %get3A_123 = tpu.vector_load %arg8[%get3A_122] {strides = array<i32>} : memref<128xi32, #tpu.memory_space<vmem>>, vector<16xi32>,
      %get3A_124 = vector.shape_cast %get3A_123 : vector<16xi32> to vector<16xi32>
      %swap3A_125 = arith.constant 16 : index
      %swap3A_126 = tpu.vector_load %arg11[%swap3A_125] {strides = array<i32>} : memref<64xi32, #tpu.memory_space<vmem>>, vector<16xi32>,
      %swap3A_127 = vector.shape_cast %swap3A_126 : vector<16xi32> to vector<16xi32>
      %swap3A_128 = vector.shape_cast %get3A_124 : vector<16xi32> to vector<16xi32>
      tpu.vector_store %arg11[%swap3A_125], %swap3A_128 {strides = array<i32>} : memref<64xi32, #tpu.memory_space<vmem>>, vector<16xi32>,
      %get3A_129 = arith.constant 80 : index
      %get3A_130 = tpu.vector_load %arg8[%get3A_129] {strides = array<i32>} : memref<128xi32, #tpu.memory_space<vmem>>, vector<16xi32>,
      %get3A_131 = vector.shape_cast %get3A_130 : vector<16xi32> to vector<16xi32>
      %swap3A_132 = arith.constant 16 : index
      %swap3A_133 = tpu.vector_load %arg12[%swap3A_132] {strides = array<i32>} : memref<64xi32, #tpu.memory_space<vmem>>, vector<16xi32>,
      %swap3A_134 = vector.shape_cast %swap3A_133 : vector<16xi32> to vector<16xi32>
      %swap3A_135 = vector.shape_cast %get3A_131 : vector<16xi32> to vector<16xi32>
      tpu.vector_store %arg12[%swap3A_132], %swap3A_135 {strides = array<i32>} : memref<64xi32, #tpu.memory_space<vmem>>, vector<16xi32>,
      %get3A_136 = arith.constant 32 : index
      %get3A_137 = tpu.vector_load %arg8[%get3A_136] {strides = array<i32>} : memref<128xi32, #tpu.memory_space<vmem>>, vector<16xi32>,
      %get3A_138 = vector.shape_cast %get3A_137 : vector<16xi32> to vector<16xi32>
      %swap3A_139 = arith.constant 32 : index
      %swap3A_140 = tpu.vector_load %arg11[%swap3A_139] {strides = array<i32>} : memref<64xi32, #tpu.memory_space<vmem>>, vector<16xi32>,
      %swap3A_141 = vector.shape_cast %swap3A_140 : vector<16xi32> to vector<16xi32>
      %swap3A_142 = vector.shape_cast %get3A_138 : vector<16xi32> to vector<16xi32>
      tpu.vector_store %arg11[%swap3A_139], %swap3A_142 {strides = array<i32>} : memref<64xi32, #tpu.memory_space<vmem>>, vector<16xi32>,
      %get3A_143 = arith.constant 96 : index
      %get3A_144 = tpu.vector_load %arg8[%get3A_143] {strides = array<i32>} : memref<128xi32, #tpu.memory_space<vmem>>, vector<16xi32>,
      %get3A_145 = vector.shape_cast %get3A_144 : vector<16xi32> to vector<16xi32>
      %swap3A_146 = arith.constant 32 : index
      %swap3A_147 = tpu.vector_load %arg12[%swap3A_146] {strides = array<i32>} : memref<64xi32, #tpu.memory_space<vmem>>, vector<16xi32>,
      %swap3A_148 = vector.shape_cast %swap3A_147 : vector<16xi32> to vector<16xi32>
      %swap3A_149 = vector.shape_cast %get3A_145 : vector<16xi32> to vector<16xi32>
      tpu.vector_store %arg12[%swap3A_146], %swap3A_149 {strides = array<i32>} : memref<64xi32, #tpu.memory_space<vmem>>, vector<16xi32>,
      %get3A_150 = arith.constant 48 : index
      %get3A_151 = tpu.vector_load %arg8[%get3A_150] {strides = array<i32>} : memref<128xi32, #tpu.memory_space<vmem>>, vector<16xi32>,
      %get3A_152 = vector.shape_cast %get3A_151 : vector<16xi32> to vector<16xi32>
      %swap3A_153 = arith.constant 48 : index
      %swap3A_154 = tpu.vector_load %arg11[%swap3A_153] {strides = array<i32>} : memref<64xi32, #tpu.memory_space<vmem>>, vector<16xi32>,
      %swap3A_155 = vector.shape_cast %swap3A_154 : vector<16xi32> to vector<16xi32>
      %swap3A_156 = vector.shape_cast %get3A_152 : vector<16xi32> to vector<16xi32>
      tpu.vector_store %arg11[%swap3A_153], %swap3A_156 {strides = array<i32>} : memref<64xi32, #tpu.memory_space<vmem>>, vector<16xi32>,
      %get3A_157 = arith.constant 112 : index
      %get3A_158 = tpu.vector_load %arg8[%get3A_157] {strides = array<i32>} : memref<128xi32, #tpu.memory_space<vmem>>, vector<16xi32>,
      %get3A_159 = vector.shape_cast %get3A_158 : vector<16xi32> to vector<16xi32>
      %swap3A_160 = arith.constant 48 : index
      %swap3A_161 = tpu.vector_load %arg12[%swap3A_160] {strides = array<i32>} : memref<64xi32, #tpu.memory_space<vmem>>, vector<16xi32>,
      %swap3A_162 = vector.shape_cast %swap3A_161 : vector<16xi32> to vector<16xi32>
      %swap3A_163 = vector.shape_cast %get3A_159 : vector<16xi32> to vector<16xi32>
      tpu.vector_store %arg12[%swap3A_160], %swap3A_163 {strides = array<i32>} : memref<64xi32, #tpu.memory_space<vmem>>, vector<16xi32>,
      %dma_start3A_164 = arith.constant 0 : i32
      %dma_start3A_165 = tpu.memref_slice %arg7[%dma_start3A_164] : memref<128xi32, #tpu.memory_space<vmem>> -> memref<64xi32, #tpu.memory_space<vmem>>
      %dma_start3A_166 = arith.constant 0 : i32
      %dma_start3A_167 = arith.constant 0 : i32
      %dma_start3A_168 = tpu.memref_slice %arg2[%dma_start3A_166, %dma_start3A_167] : memref<10000x128xf32, #tpu.memory_space<hbm>> -> memref<10000x128xf32, #tpu.memory_space<hbm>>
      tpu.enqueue_indirect_dma source(%dma_start3A_168 : memref<10000x128xf32, #tpu.memory_space<hbm>>) target(%arg13 : memref<64x128xf32, #tpu.memory_space<vmem>>) offsets(%dma_start3A_165 : memref<64xi32, #tpu.memory_space<vmem>>) semaphore(%arg18 : memref<!tpu.dma_semaphore, #tpu.memory_space<semaphore_mem>>)
      %dma_start3A_169 = arith.constant 64 : i32
      %dma_start3A_170 = tpu.memref_slice %arg7[%dma_start3A_169] : memref<128xi32, #tpu.memory_space<vmem>> -> memref<64xi32, #tpu.memory_space<vmem>>
      %dma_start3A_171 = arith.constant 0 : i32
      %dma_start3A_172 = arith.constant 0 : i32
      %dma_start3A_173 = tpu.memref_slice %arg2[%dma_start3A_171, %dma_start3A_172] : memref<10000x128xf32, #tpu.memory_space<hbm>> -> memref<10000x128xf32, #tpu.memory_space<hbm>>
      tpu.enqueue_indirect_dma source(%dma_start3A_173 : memref<10000x128xf32, #tpu.memory_space<hbm>>) target(%arg14 : memref<64x128xf32, #tpu.memory_space<vmem>>) offsets(%dma_start3A_170 : memref<64xi32, #tpu.memory_space<vmem>>) semaphore(%arg19 : memref<!tpu.dma_semaphore, #tpu.memory_space<semaphore_mem>>)
      %dma_wait3A_174 = arith.constant 0 : i32
      %dma_wait3A_175 = tpu.memref_slice %arg7[%dma_wait3A_174] : memref<128xi32, #tpu.memory_space<vmem>> -> memref<64xi32, #tpu.memory_space<vmem>>
      %dma_wait3A_176 = arith.constant 0 : i32
      %dma_wait3A_177 = arith.constant 0 : i32
      %dma_wait3A_178 = tpu.memref_slice %arg2[%dma_wait3A_176, %dma_wait3A_177] : memref<10000x128xf32, #tpu.memory_space<hbm>> -> memref<10000x128xf32, #tpu.memory_space<hbm>>
      tpu.wait_indirect_dma semaphore(%arg18 : memref<!tpu.dma_semaphore, #tpu.memory_space<semaphore_mem>>) src(%dma_wait3A_178 : memref<10000x128xf32, #tpu.memory_space<hbm>>) dst(%arg13 : memref<64x128xf32, #tpu.memory_space<vmem>>)
      "tpu.region"() ({
        %run_scoped3A = tpu.sem_alloc : memref<!tpu.dma_semaphore, #tpu.memory_space<semaphore_mem>>
        %dma_start3A_288 = arith.constant 0 : i32
        %dma_start3A_289 = arith.constant 0 : i32
        %dma_start3A_290 = tpu.memref_slice %arg15[%dma_start3A_288, %dma_start3A_289] : memref<10000x128xf32, #tpu.memory_space<vmem_shared>> -> memref<10000x128xf32, #tpu.memory_space<vmem_shared>>
        tpu.enqueue_indirect_dma source(%arg13 : memref<64x128xf32, #tpu.memory_space<vmem>>) target(%dma_start3A_290 : memref<10000x128xf32, #tpu.memory_space<vmem_shared>>) offsets(%arg11 : memref<64xi32, #tpu.memory_space<vmem>>) semaphore(%run_scoped3A : memref<!tpu.dma_semaphore, #tpu.memory_space<semaphore_mem>>) {add = true}
        %dma_wait3A_291 = arith.constant 0 : i32
        %dma_wait3A_292 = arith.constant 0 : i32
        %dma_wait3A_293 = tpu.memref_slice %arg15[%dma_wait3A_291, %dma_wait3A_292] : memref<10000x128xf32, #tpu.memory_space<vmem_shared>> -> memref<10000x128xf32, #tpu.memory_space<vmem_shared>>
        tpu.wait_indirect_dma semaphore(%run_scoped3A : memref<!tpu.dma_semaphore, #tpu.memory_space<semaphore_mem>>) src(%arg13 : memref<64x128xf32, #tpu.memory_space<vmem>>) dst(%dma_wait3A_293 : memref<10000x128xf32, #tpu.memory_space<vmem_shared>>)
        tpu.yield
      }) : () -> ()
      %dma_wait3A_179 = arith.constant 64 : i32
      %dma_wait3A_180 = tpu.memref_slice %arg7[%dma_wait3A_179] : memref<128xi32, #tpu.memory_space<vmem>> -> memref<64xi32, #tpu.memory_space<vmem>>
      %dma_wait3A_181 = arith.constant 0 : i32
      %dma_wait3A_182 = arith.constant 0 : i32
      %dma_wait3A_183 = tpu.memref_slice %arg2[%dma_wait3A_181, %dma_wait3A_182] : memref<10000x128xf32, #tpu.memory_space<hbm>> -> memref<10000x128xf32, #tpu.memory_space<hbm>>
      tpu.wait_indirect_dma semaphore(%arg19 : memref<!tpu.dma_semaphore, #tpu.memory_space<semaphore_mem>>) src(%dma_wait3A_183 : memref<10000x128xf32, #tpu.memory_space<hbm>>) dst(%arg14 : memref<64x128xf32, #tpu.memory_space<vmem>>)
      "tpu.region"() ({
        %run_scoped3A = tpu.sem_alloc : memref<!tpu.dma_semaphore, #tpu.memory_space<semaphore_mem>>
        %dma_start3A_288 = arith.constant 0 : i32
        %dma_start3A_289 = arith.constant 0 : i32
        %dma_start3A_290 = tpu.memref_slice %arg15[%dma_start3A_288, %dma_start3A_289] : memref<10000x128xf32, #tpu.memory_space<vmem_shared>> -> memref<10000x128xf32, #tpu.memory_space<vmem_shared>>
        tpu.enqueue_indirect_dma source(%arg14 : memref<64x128xf32, #tpu.memory_space<vmem>>) target(%dma_start3A_290 : memref<10000x128xf32, #tpu.memory_space<vmem_shared>>) offsets(%arg12 : memref<64xi32, #tpu.memory_space<vmem>>) semaphore(%run_scoped3A : memref<!tpu.dma_semaphore, #tpu.memory_space<semaphore_mem>>) {add = true}
        %dma_wait3A_291 = arith.constant 0 : i32
        %dma_wait3A_292 = arith.constant 0 : i32
        %dma_wait3A_293 = tpu.memref_slice %arg15[%dma_wait3A_291, %dma_wait3A_292] : memref<10000x128xf32, #tpu.memory_space<vmem_shared>> -> memref<10000x128xf32, #tpu.memory_space<vmem_shared>>
        tpu.wait_indirect_dma semaphore(%run_scoped3A : memref<!tpu.dma_semaphore, #tpu.memory_space<semaphore_mem>>) src(%arg14 : memref<64x128xf32, #tpu.memory_space<vmem>>) dst(%dma_wait3A_293 : memref<10000x128xf32, #tpu.memory_space<vmem_shared>>)
        tpu.yield
      }) : () -> ()
      %dma_start3A_184 = arith.constant 0 : i32
      %dma_start3A_185 = arith.constant 0 : i32
      %dma_start3A_186 = tpu.memref_slice %arg3[%min3A_81, %dma_start3A_184, %dma_start3A_185] : memref<2500x1x128xi32, #tpu.memory_space<hbm>> -> memref<1x1x128xi32, #tpu.memory_space<hbm>>
      %dma_start3A_187 = tpu.memref_squeeze %dma_start3A_186 : memref<1x1x128xi32, #tpu.memory_space<hbm>> -> memref<128xi32, #tpu.memory_space<hbm>>
      %dma_start3A_188 = arith.constant 0 : i32
      %dma_start3A_189 = tpu.memref_slice %arg3[%min3A_81, %dma_start3A_184, %dma_start3A_188] : memref<2500x1x128xi32, #tpu.memory_space<hbm>> -> memref<1x1x128xi32, #tpu.memory_space<hbm>>
      %dma_start3A_190 = tpu.memref_squeeze %dma_start3A_189 : memref<1x1x128xi32, #tpu.memory_space<hbm>> -> memref<128xi32, #tpu.memory_space<hbm>>
      tpu.enqueue_dma source(%dma_start3A_190 : memref<128xi32, #tpu.memory_space<hbm>>) target(%arg7 : memref<128xi32, #tpu.memory_space<vmem>>) target_semaphore(%arg16 : memref<!tpu.dma_semaphore, #tpu.memory_space<semaphore_mem>>)
      %dma_start3A_191 = arith.constant 0 : i32
      %dma_start3A_192 = arith.constant 0 : i32
      %dma_start3A_193 = tpu.memref_slice %arg4[%min3A_81, %dma_start3A_191, %dma_start3A_192] : memref<2500x1x128xi32, #tpu.memory_space<hbm>> -> memref<1x1x128xi32, #tpu.memory_space<hbm>>
      %dma_start3A_194 = tpu.memref_squeeze %dma_start3A_193 : memref<1x1x128xi32, #tpu.memory_space<hbm>> -> memref<128xi32, #tpu.memory_space<hbm>>
      %dma_start3A_195 = arith.constant 0 : i32
      %dma_start3A_196 = tpu.memref_slice %arg4[%min3A_81, %dma_start3A_191, %dma_start3A_195] : memref<2500x1x128xi32, #tpu.memory_space<hbm>> -> memref<1x1x128xi32, #tpu.memory_space<hbm>>
      %dma_start3A_197 = tpu.memref_squeeze %dma_start3A_196 : memref<1x1x128xi32, #tpu.memory_space<hbm>> -> memref<128xi32, #tpu.memory_space<hbm>>
      tpu.enqueue_dma source(%dma_start3A_197 : memref<128xi32, #tpu.memory_space<hbm>>) target(%arg8 : memref<128xi32, #tpu.memory_space<vmem>>) target_semaphore(%arg16 : memref<!tpu.dma_semaphore, #tpu.memory_space<semaphore_mem>>)
      %dma_wait3A_198 = arith.constant 0 : i32
      %dma_wait3A_199 = arith.constant 0 : i32
      %dma_wait3A_200 = tpu.memref_slice %arg3[%min3A_77, %dma_wait3A_198, %dma_wait3A_199] : memref<2500x1x128xi32, #tpu.memory_space<hbm>> -> memref<1x1x128xi32, #tpu.memory_space<hbm>>
      %dma_wait3A_201 = tpu.memref_squeeze %dma_wait3A_200 : memref<1x1x128xi32, #tpu.memory_space<hbm>> -> memref<128xi32, #tpu.memory_space<hbm>>
      %dma_wait3A_202 = arith.constant 0 : i32
      %dma_wait3A_203 = tpu.memref_slice %arg3[%min3A_77, %dma_wait3A_198, %dma_wait3A_202] : memref<2500x1x128xi32, #tpu.memory_space<hbm>> -> memref<1x1x128xi32, #tpu.memory_space<hbm>>
      %dma_wait3A_204 = tpu.memref_squeeze %dma_wait3A_203 : memref<1x1x128xi32, #tpu.memory_space<hbm>> -> memref<128xi32, #tpu.memory_space<hbm>>
      tpu.wait_dma2 semaphore(%arg17 : memref<!tpu.dma_semaphore, #tpu.memory_space<semaphore_mem>>) src(%dma_wait3A_204 : memref<128xi32, #tpu.memory_space<hbm>>) dst(%arg9 : memref<128xi32, #tpu.memory_space<vmem>>)
      %dma_wait3A_205 = arith.constant 0 : i32
      %dma_wait3A_206 = arith.constant 0 : i32
      %dma_wait3A_207 = tpu.memref_slice %arg4[%min3A_77, %dma_wait3A_205, %dma_wait3A_206] : memref<2500x1x128xi32, #tpu.memory_space<hbm>> -> memref<1x1x128xi32, #tpu.memory_space<hbm>>
      %dma_wait3A_208 = tpu.memref_squeeze %dma_wait3A_207 : memref<1x1x128xi32, #tpu.memory_space<hbm>> -> memref<128xi32, #tpu.memory_space<hbm>>
      %dma_wait3A_209 = arith.constant 0 : i32
      %dma_wait3A_210 = tpu.memref_slice %arg4[%min3A_77, %dma_wait3A_205, %dma_wait3A_209] : memref<2500x1x128xi32, #tpu.memory_space<hbm>> -> memref<1x1x128xi32, #tpu.memory_space<hbm>>
      %dma_wait3A_211 = tpu.memref_squeeze %dma_wait3A_210 : memref<1x1x128xi32, #tpu.memory_space<hbm>> -> memref<128xi32, #tpu.memory_space<hbm>>
      tpu.wait_dma2 semaphore(%arg17 : memref<!tpu.dma_semaphore, #tpu.memory_space<semaphore_mem>>) src(%dma_wait3A_211 : memref<128xi32, #tpu.memory_space<hbm>>) dst(%arg10 : memref<128xi32, #tpu.memory_space<vmem>>)
      %get3A_212 = arith.constant 0 : index
      %get3A_213 = tpu.vector_load %arg10[%get3A_212] {strides = array<i32>} : memref<128xi32, #tpu.memory_space<vmem>>, vector<16xi32>,
      %get3A_214 = vector.shape_cast %get3A_213 : vector<16xi32> to vector<16xi32>
      %swap3A_215 = arith.constant 0 : index
      %swap3A_216 = tpu.vector_load %arg11[%swap3A_215] {strides = array<i32>} : memref<64xi32, #tpu.memory_space<vmem>>, vector<16xi32>,
      %swap3A_217 = vector.shape_cast %swap3A_216 : vector<16xi32> to vector<16xi32>
      %swap3A_218 = vector.shape_cast %get3A_214 : vector<16xi32> to vector<16xi32>
      tpu.vector_store %arg11[%swap3A_215], %swap3A_218 {strides = array<i32>} : memref<64xi32, #tpu.memory_space<vmem>>, vector<16xi32>,
      %get3A_219 = arith.constant 64 : index
      %get3A_220 = tpu.vector_load %arg10[%get3A_219] {strides = array<i32>} : memref<128xi32, #tpu.memory_space<vmem>>, vector<16xi32>,
      %get3A_221 = vector.shape_cast %get3A_220 : vector<16xi32> to vector<16xi32>
      %swap3A_222 = arith.constant 0 : index
      %swap3A_223 = tpu.vector_load %arg12[%swap3A_222] {strides = array<i32>} : memref<64xi32, #tpu.memory_space<vmem>>, vector<16xi32>,
      %swap3A_224 = vector.shape_cast %swap3A_223 : vector<16xi32> to vector<16xi32>
      %swap3A_225 = vector.shape_cast %get3A_221 : vector<16xi32> to vector<16xi32>
      tpu.vector_store %arg12[%swap3A_222], %swap3A_225 {strides = array<i32>} : memref<64xi32, #tpu.memory_space<vmem>>, vector<16xi32>,
      %get3A_226 = arith.constant 16 : index
      %get3A_227 = tpu.vector_load %arg10[%get3A_226] {strides = array<i32>} : memref<128xi32, #tpu.memory_space<vmem>>, vector<16xi32>,
      %get3A_228 = vector.shape_cast %get3A_227 : vector<16xi32> to vector<16xi32>
      %swap3A_229 = arith.constant 16 : index
      %swap3A_230 = tpu.vector_load %arg11[%swap3A_229] {strides = array<i32>} : memref<64xi32, #tpu.memory_space<vmem>>, vector<16xi32>,
      %swap3A_231 = vector.shape_cast %swap3A_230 : vector<16xi32> to vector<16xi32>
      %swap3A_232 = vector.shape_cast %get3A_228 : vector<16xi32> to vector<16xi32>
      tpu.vector_store %arg11[%swap3A_229], %swap3A_232 {strides = array<i32>} : memref<64xi32, #tpu.memory_space<vmem>>, vector<16xi32>,
      %get3A_233 = arith.constant 80 : index
      %get3A_234 = tpu.vector_load %arg10[%get3A_233] {strides = array<i32>} : memref<128xi32, #tpu.memory_space<vmem>>, vector<16xi32>,
      %get3A_235 = vector.shape_cast %get3A_234 : vector<16xi32> to vector<16xi32>
      %swap3A_236 = arith.constant 16 : index
      %swap3A_237 = tpu.vector_load %arg12[%swap3A_236] {strides = array<i32>} : memref<64xi32, #tpu.memory_space<vmem>>, vector<16xi32>,
      %swap3A_238 = vector.shape_cast %swap3A_237 : vector<16xi32> to vector<16xi32>
      %swap3A_239 = vector.shape_cast %get3A_235 : vector<16xi32> to vector<16xi32>
      tpu.vector_store %arg12[%swap3A_236], %swap3A_239 {strides = array<i32>} : memref<64xi32, #tpu.memory_space<vmem>>, vector<16xi32>,
      %get3A_240 = arith.constant 32 : index
      %get3A_241 = tpu.vector_load %arg10[%get3A_240] {strides = array<i32>} : memref<128xi32, #tpu.memory_space<vmem>>, vector<16xi32>,
      %get3A_242 = vector.shape_cast %get3A_241 : vector<16xi32> to vector<16xi32>
      %swap3A_243 = arith.constant 32 : index
      %swap3A_244 = tpu.vector_load %arg11[%swap3A_243] {strides = array<i32>} : memref<64xi32, #tpu.memory_space<vmem>>, vector<16xi32>,
      %swap3A_245 = vector.shape_cast %swap3A_244 : vector<16xi32> to vector<16xi32>
      %swap3A_246 = vector.shape_cast %get3A_242 : vector<16xi32> to vector<16xi32>
      tpu.vector_store %arg11[%swap3A_243], %swap3A_246 {strides = array<i32>} : memref<64xi32, #tpu.memory_space<vmem>>, vector<16xi32>,
      %get3A_247 = arith.constant 96 : index
      %get3A_248 = tpu.vector_load %arg10[%get3A_247] {strides = array<i32>} : memref<128xi32, #tpu.memory_space<vmem>>, vector<16xi32>,
      %get3A_249 = vector.shape_cast %get3A_248 : vector<16xi32> to vector<16xi32>
      %swap3A_250 = arith.constant 32 : index
      %swap3A_251 = tpu.vector_load %arg12[%swap3A_250] {strides = array<i32>} : memref<64xi32, #tpu.memory_space<vmem>>, vector<16xi32>,
      %swap3A_252 = vector.shape_cast %swap3A_251 : vector<16xi32> to vector<16xi32>
      %swap3A_253 = vector.shape_cast %get3A_249 : vector<16xi32> to vector<16xi32>
      tpu.vector_store %arg12[%swap3A_250], %swap3A_253 {strides = array<i32>} : memref<64xi32, #tpu.memory_space<vmem>>, vector<16xi32>,
      %get3A_254 = arith.constant 48 : index
      %get3A_255 = tpu.vector_load %arg10[%get3A_254] {strides = array<i32>} : memref<128xi32, #tpu.memory_space<vmem>>, vector<16xi32>,
      %get3A_256 = vector.shape_cast %get3A_255 : vector<16xi32> to vector<16xi32>
      %swap3A_257 = arith.constant 48 : index
      %swap3A_258 = tpu.vector_load %arg11[%swap3A_257] {strides = array<i32>} : memref<64xi32, #tpu.memory_space<vmem>>, vector<16xi32>,
      %swap3A_259 = vector.shape_cast %swap3A_258 : vector<16xi32> to vector<16xi32>
      %swap3A_260 = vector.shape_cast %get3A_256 : vector<16xi32> to vector<16xi32>
      tpu.vector_store %arg11[%swap3A_257], %swap3A_260 {strides = array<i32>} : memref<64xi32, #tpu.memory_space<vmem>>, vector<16xi32>,
      %get3A_261 = arith.constant 112 : index
      %get3A_262 = tpu.vector_load %arg10[%get3A_261] {strides = array<i32>} : memref<128xi32, #tpu.memory_space<vmem>>, vector<16xi32>,
      %get3A_263 = vector.shape_cast %get3A_262 : vector<16xi32> to vector<16xi32>
      %swap3A_264 = arith.constant 48 : index
      %swap3A_265 = tpu.vector_load %arg12[%swap3A_264] {strides = array<i32>} : memref<64xi32, #tpu.memory_space<vmem>>, vector<16xi32>,
      %swap3A_266 = vector.shape_cast %swap3A_265 : vector<16xi32> to vector<16xi32>
      %swap3A_267 = vector.shape_cast %get3A_263 : vector<16xi32> to vector<16xi32>
      tpu.vector_store %arg12[%swap3A_264], %swap3A_267 {strides = array<i32>} : memref<64xi32, #tpu.memory_space<vmem>>, vector<16xi32>,
      %dma_start3A_268 = arith.constant 0 : i32
      %dma_start3A_269 = tpu.memref_slice %arg9[%dma_start3A_268] : memref<128xi32, #tpu.memory_space<vmem>> -> memref<64xi32, #tpu.memory_space<vmem>>
      %dma_start3A_270 = arith.constant 0 : i32
      %dma_start3A_271 = arith.constant 0 : i32
      %dma_start3A_272 = tpu.memref_slice %arg2[%dma_start3A_270, %dma_start3A_271] : memref<10000x128xf32, #tpu.memory_space<hbm>> -> memref<10000x128xf32, #tpu.memory_space<hbm>>
      tpu.enqueue_indirect_dma source(%dma_start3A_272 : memref<10000x128xf32, #tpu.memory_space<hbm>>) target(%arg13 : memref<64x128xf32, #tpu.memory_space<vmem>>) offsets(%dma_start3A_269 : memref<64xi32, #tpu.memory_space<vmem>>) semaphore(%arg18 : memref<!tpu.dma_semaphore, #tpu.memory_space<semaphore_mem>>)
      %dma_start3A_273 = arith.constant 64 : i32
      %dma_start3A_274 = tpu.memref_slice %arg9[%dma_start3A_273] : memref<128xi32, #tpu.memory_space<vmem>> -> memref<64xi32, #tpu.memory_space<vmem>>
      %dma_start3A_275 = arith.constant 0 : i32
      %dma_start3A_276 = arith.constant 0 : i32
      %dma_start3A_277 = tpu.memref_slice %arg2[%dma_start3A_275, %dma_start3A_276] : memref<10000x128xf32, #tpu.memory_space<hbm>> -> memref<10000x128xf32, #tpu.memory_space<hbm>>
      tpu.enqueue_indirect_dma source(%dma_start3A_277 : memref<10000x128xf32, #tpu.memory_space<hbm>>) target(%arg14 : memref<64x128xf32, #tpu.memory_space<vmem>>) offsets(%dma_start3A_274 : memref<64xi32, #tpu.memory_space<vmem>>) semaphore(%arg19 : memref<!tpu.dma_semaphore, #tpu.memory_space<semaphore_mem>>)
      %dma_wait3A_278 = arith.constant 0 : i32
      %dma_wait3A_279 = tpu.memref_slice %arg9[%dma_wait3A_278] : memref<128xi32, #tpu.memory_space<vmem>> -> memref<64xi32, #tpu.memory_space<vmem>>
      %dma_wait3A_280 = arith.constant 0 : i32
      %dma_wait3A_281 = arith.constant 0 : i32
      %dma_wait3A_282 = tpu.memref_slice %arg2[%dma_wait3A_280, %dma_wait3A_281] : memref<10000x128xf32, #tpu.memory_space<hbm>> -> memref<10000x128xf32, #tpu.memory_space<hbm>>
      tpu.wait_indirect_dma semaphore(%arg18 : memref<!tpu.dma_semaphore, #tpu.memory_space<semaphore_mem>>) src(%dma_wait3A_282 : memref<10000x128xf32, #tpu.memory_space<hbm>>) dst(%arg13 : memref<64x128xf32, #tpu.memory_space<vmem>>)
      "tpu.region"() ({
        %run_scoped3A = tpu.sem_alloc : memref<!tpu.dma_semaphore, #tpu.memory_space<semaphore_mem>>
        %dma_start3A_288 = arith.constant 0 : i32
        %dma_start3A_289 = arith.constant 0 : i32
        %dma_start3A_290 = tpu.memref_slice %arg15[%dma_start3A_288, %dma_start3A_289] : memref<10000x128xf32, #tpu.memory_space<vmem_shared>> -> memref<10000x128xf32, #tpu.memory_space<vmem_shared>>
        tpu.enqueue_indirect_dma source(%arg13 : memref<64x128xf32, #tpu.memory_space<vmem>>) target(%dma_start3A_290 : memref<10000x128xf32, #tpu.memory_space<vmem_shared>>) offsets(%arg11 : memref<64xi32, #tpu.memory_space<vmem>>) semaphore(%run_scoped3A : memref<!tpu.dma_semaphore, #tpu.memory_space<semaphore_mem>>) {add = true}
        %dma_wait3A_291 = arith.constant 0 : i32
        %dma_wait3A_292 = arith.constant 0 : i32
        %dma_wait3A_293 = tpu.memref_slice %arg15[%dma_wait3A_291, %dma_wait3A_292] : memref<10000x128xf32, #tpu.memory_space<vmem_shared>> -> memref<10000x128xf32, #tpu.memory_space<vmem_shared>>
        tpu.wait_indirect_dma semaphore(%run_scoped3A : memref<!tpu.dma_semaphore, #tpu.memory_space<semaphore_mem>>) src(%arg13 : memref<64x128xf32, #tpu.memory_space<vmem>>) dst(%dma_wait3A_293 : memref<10000x128xf32, #tpu.memory_space<vmem_shared>>)
        tpu.yield
      }) : () -> ()
      %dma_wait3A_283 = arith.constant 64 : i32
      %dma_wait3A_284 = tpu.memref_slice %arg9[%dma_wait3A_283] : memref<128xi32, #tpu.memory_space<vmem>> -> memref<64xi32, #tpu.memory_space<vmem>>
      %dma_wait3A_285 = arith.constant 0 : i32
      %dma_wait3A_286 = arith.constant 0 : i32
      %dma_wait3A_287 = tpu.memref_slice %arg2[%dma_wait3A_285, %dma_wait3A_286] : memref<10000x128xf32, #tpu.memory_space<hbm>> -> memref<10000x128xf32, #tpu.memory_space<hbm>>
      tpu.wait_indirect_dma semaphore(%arg19 : memref<!tpu.dma_semaphore, #tpu.memory_space<semaphore_mem>>) src(%dma_wait3A_287 : memref<10000x128xf32, #tpu.memory_space<hbm>>) dst(%arg14 : memref<64x128xf32, #tpu.memory_space<vmem>>)
      "tpu.region"() ({
        %run_scoped3A = tpu.sem_alloc : memref<!tpu.dma_semaphore, #tpu.memory_space<semaphore_mem>>
        %dma_start3A_288 = arith.constant 0 : i32
        %dma_start3A_289 = arith.constant 0 : i32
        %dma_start3A_290 = tpu.memref_slice %arg15[%dma_start3A_288, %dma_start3A_289] : memref<10000x128xf32, #tpu.memory_space<vmem_shared>> -> memref<10000x128xf32, #tpu.memory_space<vmem_shared>>
        tpu.enqueue_indirect_dma source(%arg14 : memref<64x128xf32, #tpu.memory_space<vmem>>) target(%dma_start3A_290 : memref<10000x128xf32, #tpu.memory_space<vmem_shared>>) offsets(%arg12 : memref<64xi32, #tpu.memory_space<vmem>>) semaphore(%run_scoped3A : memref<!tpu.dma_semaphore, #tpu.memory_space<semaphore_mem>>) {add = true}
        %dma_wait3A_291 = arith.constant 0 : i32
        %dma_wait3A_292 = arith.constant 0 : i32
        %dma_wait3A_293 = tpu.memref_slice %arg15[%dma_wait3A_291, %dma_wait3A_292] : memref<10000x128xf32, #tpu.memory_space<vmem_shared>> -> memref<10000x128xf32, #tpu.memory_space<vmem_shared>>
        tpu.wait_indirect_dma semaphore(%run_scoped3A : memref<!tpu.dma_semaphore, #tpu.memory_space<semaphore_mem>>) src(%arg14 : memref<64x128xf32, #tpu.memory_space<vmem>>) dst(%dma_wait3A_293 : memref<10000x128xf32, #tpu.memory_space<vmem_shared>>)
        tpu.yield
      }) : () -> ()
    }
    %while3A_48 = arith.constant 1 : i32
    scf.for %while3A_70 = %while3A_46 to %while3A_42 step %while3A_48  : i32 {
      %mul3A_71 = arith.constant 2 : i32
      %mul3A_72 = arith.muli %mul3A_71, %while3A_70 : i32
      %add3A_73 = arith.addi %mul3A_4, %mul3A_72 : i32
      %add3A_74 = arith.constant 1 : i32
      %add3A_75 = arith.addi %add3A_73, %add3A_74 : i32
      %min3A_76 = arith.constant 2499 : i32
      %min3A_77 = arith.minsi %add3A_75, %min3A_76 : i32
      %add3A_78 = arith.constant 2 : i32
      %add3A_79 = arith.addi %add3A_73, %add3A_78 : i32
      %min3A_80 = arith.constant 2499 : i32
      %min3A_81 = arith.minsi %add3A_79, %min3A_80 : i32
      %dma_start3A_82 = arith.constant 0 : i32
      %dma_start3A_83 = arith.constant 0 : i32
      %dma_start3A_84 = tpu.memref_slice %arg3[%min3A_77, %dma_start3A_82, %dma_start3A_83] : memref<2500x1x128xi32, #tpu.memory_space<hbm>> -> memref<1x1x128xi32, #tpu.memory_space<hbm>>
      %dma_start3A_85 = tpu.memref_squeeze %dma_start3A_84 : memref<1x1x128xi32, #tpu.memory_space<hbm>> -> memref<128xi32, #tpu.memory_space<hbm>>
      %dma_start3A_86 = arith.constant 0 : i32
      %dma_start3A_87 = tpu.memref_slice %arg3[%min3A_77, %dma_start3A_82, %dma_start3A_86] : memref<2500x1x128xi32, #tpu.memory_space<hbm>> -> memref<1x1x128xi32, #tpu.memory_space<hbm>>
      %dma_start3A_88 = tpu.memref_squeeze %dma_start3A_87 : memref<1x1x128xi32, #tpu.memory_space<hbm>> -> memref<128xi32, #tpu.memory_space<hbm>>
      tpu.enqueue_dma source(%dma_start3A_88 : memref<128xi32, #tpu.memory_space<hbm>>) target(%arg9 : memref<128xi32, #tpu.memory_space<vmem>>) target_semaphore(%arg17 : memref<!tpu.dma_semaphore, #tpu.memory_space<semaphore_mem>>)
      %dma_start3A_89 = arith.constant 0 : i32
      %dma_start3A_90 = arith.constant 0 : i32
      %dma_start3A_91 = tpu.memref_slice %arg4[%min3A_77, %dma_start3A_89, %dma_start3A_90] : memref<2500x1x128xi32, #tpu.memory_space<hbm>> -> memref<1x1x128xi32, #tpu.memory_space<hbm>>
      %dma_start3A_92 = tpu.memref_squeeze %dma_start3A_91 : memref<1x1x128xi32, #tpu.memory_space<hbm>> -> memref<128xi32, #tpu.memory_space<hbm>>
      %dma_start3A_93 = arith.constant 0 : i32
      %dma_start3A_94 = tpu.memref_slice %arg4[%min3A_77, %dma_start3A_89, %dma_start3A_93] : memref<2500x1x128xi32, #tpu.memory_space<hbm>> -> memref<1x1x128xi32, #tpu.memory_space<hbm>>
      %dma_start3A_95 = tpu.memref_squeeze %dma_start3A_94 : memref<1x1x128xi32, #tpu.memory_space<hbm>> -> memref<128xi32, #tpu.memory_space<hbm>>
      tpu.enqueue_dma source(%dma_start3A_95 : memref<128xi32, #tpu.memory_space<hbm>>) target(%arg10 : memref<128xi32, #tpu.memory_space<vmem>>) target_semaphore(%arg17 : memref<!tpu.dma_semaphore, #tpu.memory_space<semaphore_mem>>)
      %dma_wait3A_96 = arith.constant 0 : i32
      %dma_wait3A_97 = arith.constant 0 : i32
      %dma_wait3A_98 = tpu.memref_slice %arg3[%add3A_73, %dma_wait3A_96, %dma_wait3A_97] : memref<2500x1x128xi32, #tpu.memory_space<hbm>> -> memref<1x1x128xi32, #tpu.memory_space<hbm>>
      %dma_wait3A_99 = tpu.memref_squeeze %dma_wait3A_98 : memref<1x1x128xi32, #tpu.memory_space<hbm>> -> memref<128xi32, #tpu.memory_space<hbm>>
      %dma_wait3A_100 = arith.constant 0 : i32
      %dma_wait3A_101 = tpu.memref_slice %arg3[%add3A_73, %dma_wait3A_96, %dma_wait3A_100] : memref<2500x1x128xi32, #tpu.memory_space<hbm>> -> memref<1x1x128xi32, #tpu.memory_space<hbm>>
      %dma_wait3A_102 = tpu.memref_squeeze %dma_wait3A_101 : memref<1x1x128xi32, #tpu.memory_space<hbm>> -> memref<128xi32, #tpu.memory_space<hbm>>
      tpu.wait_dma2 semaphore(%arg16 : memref<!tpu.dma_semaphore, #tpu.memory_space<semaphore_mem>>) src(%dma_wait3A_102 : memref<128xi32, #tpu.memory_space<hbm>>) dst(%arg7 : memref<128xi32, #tpu.memory_space<vmem>>)
      %dma_wait3A_103 = arith.constant 0 : i32
      %dma_wait3A_104 = arith.constant 0 : i32
      %dma_wait3A_105 = tpu.memref_slice %arg4[%add3A_73, %dma_wait3A_103, %dma_wait3A_104] : memref<2500x1x128xi32, #tpu.memory_space<hbm>> -> memref<1x1x128xi32, #tpu.memory_space<hbm>>
      %dma_wait3A_106 = tpu.memref_squeeze %dma_wait3A_105 : memref<1x1x128xi32, #tpu.memory_space<hbm>> -> memref<128xi32, #tpu.memory_space<hbm>>
      %dma_wait3A_107 = arith.constant 0 : i32
      %dma_wait3A_108 = tpu.memref_slice %arg4[%add3A_73, %dma_wait3A_103, %dma_wait3A_107] : memref<2500x1x128xi32, #tpu.memory_space<hbm>> -> memref<1x1x128xi32, #tpu.memory_space<hbm>>
      %dma_wait3A_109 = tpu.memref_squeeze %dma_wait3A_108 : memref<1x1x128xi32, #tpu.memory_space<hbm>> -> memref<128xi32, #tpu.memory_space<hbm>>
      tpu.wait_dma2 semaphore(%arg16 : memref<!tpu.dma_semaphore, #tpu.memory_space<semaphore_mem>>) src(%dma_wait3A_109 : memref<128xi32, #tpu.memory_space<hbm>>) dst(%arg8 : memref<128xi32, #tpu.memory_space<vmem>>)
      %get3A = arith.constant 0 : index
      %get3A_110 = tpu.vector_load %arg8[%get3A] {strides = array<i32>} : memref<128xi32, #tpu.memory_space<vmem>>, vector<16xi32>,
      %get3A_111 = vector.shape_cast %get3A_110 : vector<16xi32> to vector<16xi32>
      %swap3A = arith.constant 0 : index
      %swap3A_112 = tpu.vector_load %arg11[%swap3A] {strides = array<i32>} : memref<64xi32, #tpu.memory_space<vmem>>, vector<16xi32>,
      %swap3A_113 = vector.shape_cast %swap3A_112 : vector<16xi32> to vector<16xi32>
      %swap3A_114 = vector.shape_cast %get3A_111 : vector<16xi32> to vector<16xi32>
      tpu.vector_store %arg11[%swap3A], %swap3A_114 {strides = array<i32>} : memref<64xi32, #tpu.memory_space<vmem>>, vector<16xi32>,
      %get3A_115 = arith.constant 64 : index
      %get3A_116 = tpu.vector_load %arg8[%get3A_115] {strides = array<i32>} : memref<128xi32, #tpu.memory_space<vmem>>, vector<16xi32>,
      %get3A_117 = vector.shape_cast %get3A_116 : vector<16xi32> to vector<16xi32>
      %swap3A_118 = arith.constant 0 : index
      %swap3A_119 = tpu.vector_load %arg12[%swap3A_118] {strides = array<i32>} : memref<64xi32, #tpu.memory_space<vmem>>, vector<16xi32>,
      %swap3A_120 = vector.shape_cast %swap3A_119 : vector<16xi32> to vector<16xi32>
      %swap3A_121 = vector.shape_cast %get3A_117 : vector<16xi32> to vector<16xi32>
      tpu.vector_store %arg12[%swap3A_118], %swap3A_121 {strides = array<i32>} : memref<64xi32, #tpu.memory_space<vmem>>, vector<16xi32>,
      %get3A_122 = arith.constant 16 : index
      %get3A_123 = tpu.vector_load %arg8[%get3A_122] {strides = array<i32>} : memref<128xi32, #tpu.memory_space<vmem>>, vector<16xi32>,
      %get3A_124 = vector.shape_cast %get3A_123 : vector<16xi32> to vector<16xi32>
      %swap3A_125 = arith.constant 16 : index
      %swap3A_126 = tpu.vector_load %arg11[%swap3A_125] {strides = array<i32>} : memref<64xi32, #tpu.memory_space<vmem>>, vector<16xi32>,
      %swap3A_127 = vector.shape_cast %swap3A_126 : vector<16xi32> to vector<16xi32>
      %swap3A_128 = vector.shape_cast %get3A_124 : vector<16xi32> to vector<16xi32>
      tpu.vector_store %arg11[%swap3A_125], %swap3A_128 {strides = array<i32>} : memref<64xi32, #tpu.memory_space<vmem>>, vector<16xi32>,
      %get3A_129 = arith.constant 80 : index
      %get3A_130 = tpu.vector_load %arg8[%get3A_129] {strides = array<i32>} : memref<128xi32, #tpu.memory_space<vmem>>, vector<16xi32>,
      %get3A_131 = vector.shape_cast %get3A_130 : vector<16xi32> to vector<16xi32>
      %swap3A_132 = arith.constant 16 : index
      %swap3A_133 = tpu.vector_load %arg12[%swap3A_132] {strides = array<i32>} : memref<64xi32, #tpu.memory_space<vmem>>, vector<16xi32>,
      %swap3A_134 = vector.shape_cast %swap3A_133 : vector<16xi32> to vector<16xi32>
      %swap3A_135 = vector.shape_cast %get3A_131 : vector<16xi32> to vector<16xi32>
      tpu.vector_store %arg12[%swap3A_132], %swap3A_135 {strides = array<i32>} : memref<64xi32, #tpu.memory_space<vmem>>, vector<16xi32>,
      %get3A_136 = arith.constant 32 : index
      %get3A_137 = tpu.vector_load %arg8[%get3A_136] {strides = array<i32>} : memref<128xi32, #tpu.memory_space<vmem>>, vector<16xi32>,
      %get3A_138 = vector.shape_cast %get3A_137 : vector<16xi32> to vector<16xi32>
      %swap3A_139 = arith.constant 32 : index
      %swap3A_140 = tpu.vector_load %arg11[%swap3A_139] {strides = array<i32>} : memref<64xi32, #tpu.memory_space<vmem>>, vector<16xi32>,
      %swap3A_141 = vector.shape_cast %swap3A_140 : vector<16xi32> to vector<16xi32>
      %swap3A_142 = vector.shape_cast %get3A_138 : vector<16xi32> to vector<16xi32>
      tpu.vector_store %arg11[%swap3A_139], %swap3A_142 {strides = array<i32>} : memref<64xi32, #tpu.memory_space<vmem>>, vector<16xi32>,
      %get3A_143 = arith.constant 96 : index
      %get3A_144 = tpu.vector_load %arg8[%get3A_143] {strides = array<i32>} : memref<128xi32, #tpu.memory_space<vmem>>, vector<16xi32>,
      %get3A_145 = vector.shape_cast %get3A_144 : vector<16xi32> to vector<16xi32>
      %swap3A_146 = arith.constant 32 : index
      %swap3A_147 = tpu.vector_load %arg12[%swap3A_146] {strides = array<i32>} : memref<64xi32, #tpu.memory_space<vmem>>, vector<16xi32>,
      %swap3A_148 = vector.shape_cast %swap3A_147 : vector<16xi32> to vector<16xi32>
      %swap3A_149 = vector.shape_cast %get3A_145 : vector<16xi32> to vector<16xi32>
      tpu.vector_store %arg12[%swap3A_146], %swap3A_149 {strides = array<i32>} : memref<64xi32, #tpu.memory_space<vmem>>, vector<16xi32>,
      %get3A_150 = arith.constant 48 : index
      %get3A_151 = tpu.vector_load %arg8[%get3A_150] {strides = array<i32>} : memref<128xi32, #tpu.memory_space<vmem>>, vector<16xi32>,
      %get3A_152 = vector.shape_cast %get3A_151 : vector<16xi32> to vector<16xi32>
      %swap3A_153 = arith.constant 48 : index
      %swap3A_154 = tpu.vector_load %arg11[%swap3A_153] {strides = array<i32>} : memref<64xi32, #tpu.memory_space<vmem>>, vector<16xi32>,
      %swap3A_155 = vector.shape_cast %swap3A_154 : vector<16xi32> to vector<16xi32>
      %swap3A_156 = vector.shape_cast %get3A_152 : vector<16xi32> to vector<16xi32>
      tpu.vector_store %arg11[%swap3A_153], %swap3A_156 {strides = array<i32>} : memref<64xi32, #tpu.memory_space<vmem>>, vector<16xi32>,
      %get3A_157 = arith.constant 112 : index
      %get3A_158 = tpu.vector_load %arg8[%get3A_157] {strides = array<i32>} : memref<128xi32, #tpu.memory_space<vmem>>, vector<16xi32>,
      %get3A_159 = vector.shape_cast %get3A_158 : vector<16xi32> to vector<16xi32>
      %swap3A_160 = arith.constant 48 : index
      %swap3A_161 = tpu.vector_load %arg12[%swap3A_160] {strides = array<i32>} : memref<64xi32, #tpu.memory_space<vmem>>, vector<16xi32>,
      %swap3A_162 = vector.shape_cast %swap3A_161 : vector<16xi32> to vector<16xi32>
      %swap3A_163 = vector.shape_cast %get3A_159 : vector<16xi32> to vector<16xi32>
      tpu.vector_store %arg12[%swap3A_160], %swap3A_163 {strides = array<i32>} : memref<64xi32, #tpu.memory_space<vmem>>, vector<16xi32>,
      %dma_start3A_164 = arith.constant 0 : i32
      %dma_start3A_165 = tpu.memref_slice %arg7[%dma_start3A_164] : memref<128xi32, #tpu.memory_space<vmem>> -> memref<64xi32, #tpu.memory_space<vmem>>
      %dma_start3A_166 = arith.constant 0 : i32
      %dma_start3A_167 = arith.constant 0 : i32
      %dma_start3A_168 = tpu.memref_slice %arg2[%dma_start3A_166, %dma_start3A_167] : memref<10000x128xf32, #tpu.memory_space<hbm>> -> memref<10000x128xf32, #tpu.memory_space<hbm>>
      tpu.enqueue_indirect_dma source(%dma_start3A_168 : memref<10000x128xf32, #tpu.memory_space<hbm>>) target(%arg13 : memref<64x128xf32, #tpu.memory_space<vmem>>) offsets(%dma_start3A_165 : memref<64xi32, #tpu.memory_space<vmem>>) semaphore(%arg18 : memref<!tpu.dma_semaphore, #tpu.memory_space<semaphore_mem>>)
      %dma_start3A_169 = arith.constant 64 : i32
      %dma_start3A_170 = tpu.memref_slice %arg7[%dma_start3A_169] : memref<128xi32, #tpu.memory_space<vmem>> -> memref<64xi32, #tpu.memory_space<vmem>>
      %dma_start3A_171 = arith.constant 0 : i32
      %dma_start3A_172 = arith.constant 0 : i32
      %dma_start3A_173 = tpu.memref_slice %arg2[%dma_start3A_171, %dma_start3A_172] : memref<10000x128xf32, #tpu.memory_space<hbm>> -> memref<10000x128xf32, #tpu.memory_space<hbm>>
      tpu.enqueue_indirect_dma source(%dma_start3A_173 : memref<10000x128xf32, #tpu.memory_space<hbm>>) target(%arg14 : memref<64x128xf32, #tpu.memory_space<vmem>>) offsets(%dma_start3A_170 : memref<64xi32, #tpu.memory_space<vmem>>) semaphore(%arg19 : memref<!tpu.dma_semaphore, #tpu.memory_space<semaphore_mem>>)
      %dma_wait3A_174 = arith.constant 0 : i32
      %dma_wait3A_175 = tpu.memref_slice %arg7[%dma_wait3A_174] : memref<128xi32, #tpu.memory_space<vmem>> -> memref<64xi32, #tpu.memory_space<vmem>>
      %dma_wait3A_176 = arith.constant 0 : i32
      %dma_wait3A_177 = arith.constant 0 : i32
      %dma_wait3A_178 = tpu.memref_slice %arg2[%dma_wait3A_176, %dma_wait3A_177] : memref<10000x128xf32, #tpu.memory_space<hbm>> -> memref<10000x128xf32, #tpu.memory_space<hbm>>
      tpu.wait_indirect_dma semaphore(%arg18 : memref<!tpu.dma_semaphore, #tpu.memory_space<semaphore_mem>>) src(%dma_wait3A_178 : memref<10000x128xf32, #tpu.memory_space<hbm>>) dst(%arg13 : memref<64x128xf32, #tpu.memory_space<vmem>>)
      "tpu.region"() ({
        %run_scoped3A = tpu.sem_alloc : memref<!tpu.dma_semaphore, #tpu.memory_space<semaphore_mem>>
        %dma_start3A_288 = arith.constant 0 : i32
        %dma_start3A_289 = arith.constant 0 : i32
        %dma_start3A_290 = tpu.memref_slice %arg15[%dma_start3A_288, %dma_start3A_289] : memref<10000x128xf32, #tpu.memory_space<vmem_shared>> -> memref<10000x128xf32, #tpu.memory_space<vmem_shared>>
        tpu.enqueue_indirect_dma source(%arg13 : memref<64x128xf32, #tpu.memory_space<vmem>>) target(%dma_start3A_290 : memref<10000x128xf32, #tpu.memory_space<vmem_shared>>) offsets(%arg11 : memref<64xi32, #tpu.memory_space<vmem>>) semaphore(%run_scoped3A : memref<!tpu.dma_semaphore, #tpu.memory_space<semaphore_mem>>) {add = true}
        %dma_wait3A_291 = arith.constant 0 : i32
        %dma_wait3A_292 = arith.constant 0 : i32
        %dma_wait3A_293 = tpu.memref_slice %arg15[%dma_wait3A_291, %dma_wait3A_292] : memref<10000x128xf32, #tpu.memory_space<vmem_shared>> -> memref<10000x128xf32, #tpu.memory_space<vmem_shared>>
        tpu.wait_indirect_dma semaphore(%run_scoped3A : memref<!tpu.dma_semaphore, #tpu.memory_space<semaphore_mem>>) src(%arg13 : memref<64x128xf32, #tpu.memory_space<vmem>>) dst(%dma_wait3A_293 : memref<10000x128xf32, #tpu.memory_space<vmem_shared>>)
        tpu.yield
      }) : () -> ()
      %dma_wait3A_179 = arith.constant 64 : i32
      %dma_wait3A_180 = tpu.memref_slice %arg7[%dma_wait3A_179] : memref<128xi32, #tpu.memory_space<vmem>> -> memref<64xi32, #tpu.memory_space<vmem>>
      %dma_wait3A_181 = arith.constant 0 : i32
      %dma_wait3A_182 = arith.constant 0 : i32
      %dma_wait3A_183 = tpu.memref_slice %arg2[%dma_wait3A_181, %dma_wait3A_182] : memref<10000x128xf32, #tpu.memory_space<hbm>> -> memref<10000x128xf32, #tpu.memory_space<hbm>>
      tpu.wait_indirect_dma semaphore(%arg19 : memref<!tpu.dma_semaphore, #tpu.memory_space<semaphore_mem>>) src(%dma_wait3A_183 : memref<10000x128xf32, #tpu.memory_space<hbm>>) dst(%arg14 : memref<64x128xf32, #tpu.memory_space<vmem>>)
      "tpu.region"() ({
        %run_scoped3A = tpu.sem_alloc : memref<!tpu.dma_semaphore, #tpu.memory_space<semaphore_mem>>
        %dma_start3A_288 = arith.constant 0 : i32
        %dma_start3A_289 = arith.constant 0 : i32
        %dma_start3A_290 = tpu.memref_slice %arg15[%dma_start3A_288, %dma_start3A_289] : memref<10000x128xf32, #tpu.memory_space<vmem_shared>> -> memref<10000x128xf32, #tpu.memory_space<vmem_shared>>
        tpu.enqueue_indirect_dma source(%arg14 : memref<64x128xf32, #tpu.memory_space<vmem>>) target(%dma_start3A_290 : memref<10000x128xf32, #tpu.memory_space<vmem_shared>>) offsets(%arg12 : memref<64xi32, #tpu.memory_space<vmem>>) semaphore(%run_scoped3A : memref<!tpu.dma_semaphore, #tpu.memory_space<semaphore_mem>>) {add = true}
        %dma_wait3A_291 = arith.constant 0 : i32
        %dma_wait3A_292 = arith.constant 0 : i32
        %dma_wait3A_293 = tpu.memref_slice %arg15[%dma_wait3A_291, %dma_wait3A_292] : memref<10000x128xf32, #tpu.memory_space<vmem_shared>> -> memref<10000x128xf32, #tpu.memory_space<vmem_shared>>
        tpu.wait_indirect_dma semaphore(%run_scoped3A : memref<!tpu.dma_semaphore, #tpu.memory_space<semaphore_mem>>) src(%arg14 : memref<64x128xf32, #tpu.memory_space<vmem>>) dst(%dma_wait3A_293 : memref<10000x128xf32, #tpu.memory_space<vmem_shared>>)
        tpu.yield
      }) : () -> ()
      %dma_start3A_184 = arith.constant 0 : i32
      %dma_start3A_185 = arith.constant 0 : i32
      %dma_start3A_186 = tpu.memref_slice %arg3[%min3A_81, %dma_start3A_184, %dma_start3A_185] : memref<2500x1x128xi32, #tpu.memory_space<hbm>> -> memref<1x1x128xi32, #tpu.memory_space<hbm>>
      %dma_start3A_187 = tpu.memref_squeeze %dma_start3A_186 : memref<1x1x128xi32, #tpu.memory_space<hbm>> -> memref<128xi32, #tpu.memory_space<hbm>>
      %dma_start3A_188 = arith.constant 0 : i32
      %dma_start3A_189 = tpu.memref_slice %arg3[%min3A_81, %dma_start3A_184, %dma_start3A_188] : memref<2500x1x128xi32, #tpu.memory_space<hbm>> -> memref<1x1x128xi32, #tpu.memory_space<hbm>>
      %dma_start3A_190 = tpu.memref_squeeze %dma_start3A_189 : memref<1x1x128xi32, #tpu.memory_space<hbm>> -> memref<128xi32, #tpu.memory_space<hbm>>
      tpu.enqueue_dma source(%dma_start3A_190 : memref<128xi32, #tpu.memory_space<hbm>>) target(%arg7 : memref<128xi32, #tpu.memory_space<vmem>>) target_semaphore(%arg16 : memref<!tpu.dma_semaphore, #tpu.memory_space<semaphore_mem>>)
      %dma_start3A_191 = arith.constant 0 : i32
      %dma_start3A_192 = arith.constant 0 : i32
      %dma_start3A_193 = tpu.memref_slice %arg4[%min3A_81, %dma_start3A_191, %dma_start3A_192] : memref<2500x1x128xi32, #tpu.memory_space<hbm>> -> memref<1x1x128xi32, #tpu.memory_space<hbm>>
      %dma_start3A_194 = tpu.memref_squeeze %dma_start3A_193 : memref<1x1x128xi32, #tpu.memory_space<hbm>> -> memref<128xi32, #tpu.memory_space<hbm>>
      %dma_start3A_195 = arith.constant 0 : i32
      %dma_start3A_196 = tpu.memref_slice %arg4[%min3A_81, %dma_start3A_191, %dma_start3A_195] : memref<2500x1x128xi32, #tpu.memory_space<hbm>> -> memref<1x1x128xi32, #tpu.memory_space<hbm>>
      %dma_start3A_197 = tpu.memref_squeeze %dma_start3A_196 : memref<1x1x128xi32, #tpu.memory_space<hbm>> -> memref<128xi32, #tpu.memory_space<hbm>>
      tpu.enqueue_dma source(%dma_start3A_197 : memref<128xi32, #tpu.memory_space<hbm>>) target(%arg8 : memref<128xi32, #tpu.memory_space<vmem>>) target_semaphore(%arg16 : memref<!tpu.dma_semaphore, #tpu.memory_space<semaphore_mem>>)
      %dma_wait3A_198 = arith.constant 0 : i32
      %dma_wait3A_199 = arith.constant 0 : i32
      %dma_wait3A_200 = tpu.memref_slice %arg3[%min3A_77, %dma_wait3A_198, %dma_wait3A_199] : memref<2500x1x128xi32, #tpu.memory_space<hbm>> -> memref<1x1x128xi32, #tpu.memory_space<hbm>>
      %dma_wait3A_201 = tpu.memref_squeeze %dma_wait3A_200 : memref<1x1x128xi32, #tpu.memory_space<hbm>> -> memref<128xi32, #tpu.memory_space<hbm>>
      %dma_wait3A_202 = arith.constant 0 : i32
      %dma_wait3A_203 = tpu.memref_slice %arg3[%min3A_77, %dma_wait3A_198, %dma_wait3A_202] : memref<2500x1x128xi32, #tpu.memory_space<hbm>> -> memref<1x1x128xi32, #tpu.memory_space<hbm>>
      %dma_wait3A_204 = tpu.memref_squeeze %dma_wait3A_203 : memref<1x1x128xi32, #tpu.memory_space<hbm>> -> memref<128xi32, #tpu.memory_space<hbm>>
      tpu.wait_dma2 semaphore(%arg17 : memref<!tpu.dma_semaphore, #tpu.memory_space<semaphore_mem>>) src(%dma_wait3A_204 : memref<128xi32, #tpu.memory_space<hbm>>) dst(%arg9 : memref<128xi32, #tpu.memory_space<vmem>>)
      %dma_wait3A_205 = arith.constant 0 : i32
      %dma_wait3A_206 = arith.constant 0 : i32
      %dma_wait3A_207 = tpu.memref_slice %arg4[%min3A_77, %dma_wait3A_205, %dma_wait3A_206] : memref<2500x1x128xi32, #tpu.memory_space<hbm>> -> memref<1x1x128xi32, #tpu.memory_space<hbm>>
      %dma_wait3A_208 = tpu.memref_squeeze %dma_wait3A_207 : memref<1x1x128xi32, #tpu.memory_space<hbm>> -> memref<128xi32, #tpu.memory_space<hbm>>
      %dma_wait3A_209 = arith.constant 0 : i32
      %dma_wait3A_210 = tpu.memref_slice %arg4[%min3A_77, %dma_wait3A_205, %dma_wait3A_209] : memref<2500x1x128xi32, #tpu.memory_space<hbm>> -> memref<1x1x128xi32, #tpu.memory_space<hbm>>
      %dma_wait3A_211 = tpu.memref_squeeze %dma_wait3A_210 : memref<1x1x128xi32, #tpu.memory_space<hbm>> -> memref<128xi32, #tpu.memory_space<hbm>>
      tpu.wait_dma2 semaphore(%arg17 : memref<!tpu.dma_semaphore, #tpu.memory_space<semaphore_mem>>) src(%dma_wait3A_211 : memref<128xi32, #tpu.memory_space<hbm>>) dst(%arg10 : memref<128xi32, #tpu.memory_space<vmem>>)
      %get3A_212 = arith.constant 0 : index
      %get3A_213 = tpu.vector_load %arg10[%get3A_212] {strides = array<i32>} : memref<128xi32, #tpu.memory_space<vmem>>, vector<16xi32>,
      %get3A_214 = vector.shape_cast %get3A_213 : vector<16xi32> to vector<16xi32>
      %swap3A_215 = arith.constant 0 : index
      %swap3A_216 = tpu.vector_load %arg11[%swap3A_215] {strides = array<i32>} : memref<64xi32, #tpu.memory_space<vmem>>, vector<16xi32>,
      %swap3A_217 = vector.shape_cast %swap3A_216 : vector<16xi32> to vector<16xi32>
      %swap3A_218 = vector.shape_cast %get3A_214 : vector<16xi32> to vector<16xi32>
      tpu.vector_store %arg11[%swap3A_215], %swap3A_218 {strides = array<i32>} : memref<64xi32, #tpu.memory_space<vmem>>, vector<16xi32>,
      %get3A_219 = arith.constant 64 : index
      %get3A_220 = tpu.vector_load %arg10[%get3A_219] {strides = array<i32>} : memref<128xi32, #tpu.memory_space<vmem>>, vector<16xi32>,
      %get3A_221 = vector.shape_cast %get3A_220 : vector<16xi32> to vector<16xi32>
      %swap3A_222 = arith.constant 0 : index
      %swap3A_223 = tpu.vector_load %arg12[%swap3A_222] {strides = array<i32>} : memref<64xi32, #tpu.memory_space<vmem>>, vector<16xi32>,
      %swap3A_224 = vector.shape_cast %swap3A_223 : vector<16xi32> to vector<16xi32>
      %swap3A_225 = vector.shape_cast %get3A_221 : vector<16xi32> to vector<16xi32>
      tpu.vector_store %arg12[%swap3A_222], %swap3A_225 {strides = array<i32>} : memref<64xi32, #tpu.memory_space<vmem>>, vector<16xi32>,
      %get3A_226 = arith.constant 16 : index
      %get3A_227 = tpu.vector_load %arg10[%get3A_226] {strides = array<i32>} : memref<128xi32, #tpu.memory_space<vmem>>, vector<16xi32>,
      %get3A_228 = vector.shape_cast %get3A_227 : vector<16xi32> to vector<16xi32>
      %swap3A_229 = arith.constant 16 : index
      %swap3A_230 = tpu.vector_load %arg11[%swap3A_229] {strides = array<i32>} : memref<64xi32, #tpu.memory_space<vmem>>, vector<16xi32>,
      %swap3A_231 = vector.shape_cast %swap3A_230 : vector<16xi32> to vector<16xi32>
      %swap3A_232 = vector.shape_cast %get3A_228 : vector<16xi32> to vector<16xi32>
      tpu.vector_store %arg11[%swap3A_229], %swap3A_232 {strides = array<i32>} : memref<64xi32, #tpu.memory_space<vmem>>, vector<16xi32>,
      %get3A_233 = arith.constant 80 : index
      %get3A_234 = tpu.vector_load %arg10[%get3A_233] {strides = array<i32>} : memref<128xi32, #tpu.memory_space<vmem>>, vector<16xi32>,
      %get3A_235 = vector.shape_cast %get3A_234 : vector<16xi32> to vector<16xi32>
      %swap3A_236 = arith.constant 16 : index
      %swap3A_237 = tpu.vector_load %arg12[%swap3A_236] {strides = array<i32>} : memref<64xi32, #tpu.memory_space<vmem>>, vector<16xi32>,
      %swap3A_238 = vector.shape_cast %swap3A_237 : vector<16xi32> to vector<16xi32>
      %swap3A_239 = vector.shape_cast %get3A_235 : vector<16xi32> to vector<16xi32>
      tpu.vector_store %arg12[%swap3A_236], %swap3A_239 {strides = array<i32>} : memref<64xi32, #tpu.memory_space<vmem>>, vector<16xi32>,
      %get3A_240 = arith.constant 32 : index
      %get3A_241 = tpu.vector_load %arg10[%get3A_240] {strides = array<i32>} : memref<128xi32, #tpu.memory_space<vmem>>, vector<16xi32>,
      %get3A_242 = vector.shape_cast %get3A_241 : vector<16xi32> to vector<16xi32>
      %swap3A_243 = arith.constant 32 : index
      %swap3A_244 = tpu.vector_load %arg11[%swap3A_243] {strides = array<i32>} : memref<64xi32, #tpu.memory_space<vmem>>, vector<16xi32>,
      %swap3A_245 = vector.shape_cast %swap3A_244 : vector<16xi32> to vector<16xi32>
      %swap3A_246 = vector.shape_cast %get3A_242 : vector<16xi32> to vector<16xi32>
      tpu.vector_store %arg11[%swap3A_243], %swap3A_246 {strides = array<i32>} : memref<64xi32, #tpu.memory_space<vmem>>, vector<16xi32>,
      %get3A_247 = arith.constant 96 : index
      %get3A_248 = tpu.vector_load %arg10[%get3A_247] {strides = array<i32>} : memref<128xi32, #tpu.memory_space<vmem>>, vector<16xi32>,
      %get3A_249 = vector.shape_cast %get3A_248 : vector<16xi32> to vector<16xi32>
      %swap3A_250 = arith.constant 32 : index
      %swap3A_251 = tpu.vector_load %arg12[%swap3A_250] {strides = array<i32>} : memref<64xi32, #tpu.memory_space<vmem>>, vector<16xi32>,
      %swap3A_252 = vector.shape_cast %swap3A_251 : vector<16xi32> to vector<16xi32>
      %swap3A_253 = vector.shape_cast %get3A_249 : vector<16xi32> to vector<16xi32>
      tpu.vector_store %arg12[%swap3A_250], %swap3A_253 {strides = array<i32>} : memref<64xi32, #tpu.memory_space<vmem>>, vector<16xi32>,
      %get3A_254 = arith.constant 48 : index
      %get3A_255 = tpu.vector_load %arg10[%get3A_254] {strides = array<i32>} : memref<128xi32, #tpu.memory_space<vmem>>, vector<16xi32>,
      %get3A_256 = vector.shape_cast %get3A_255 : vector<16xi32> to vector<16xi32>
      %swap3A_257 = arith.constant 48 : index
      %swap3A_258 = tpu.vector_load %arg11[%swap3A_257] {strides = array<i32>} : memref<64xi32, #tpu.memory_space<vmem>>, vector<16xi32>,
      %swap3A_259 = vector.shape_cast %swap3A_258 : vector<16xi32> to vector<16xi32>
      %swap3A_260 = vector.shape_cast %get3A_256 : vector<16xi32> to vector<16xi32>
      tpu.vector_store %arg11[%swap3A_257], %swap3A_260 {strides = array<i32>} : memref<64xi32, #tpu.memory_space<vmem>>, vector<16xi32>,
      %get3A_261 = arith.constant 112 : index
      %get3A_262 = tpu.vector_load %arg10[%get3A_261] {strides = array<i32>} : memref<128xi32, #tpu.memory_space<vmem>>, vector<16xi32>,
      %get3A_263 = vector.shape_cast %get3A_262 : vector<16xi32> to vector<16xi32>
      %swap3A_264 = arith.constant 48 : index
      %swap3A_265 = tpu.vector_load %arg12[%swap3A_264] {strides = array<i32>} : memref<64xi32, #tpu.memory_space<vmem>>, vector<16xi32>,
      %swap3A_266 = vector.shape_cast %swap3A_265 : vector<16xi32> to vector<16xi32>
      %swap3A_267 = vector.shape_cast %get3A_263 : vector<16xi32> to vector<16xi32>
      tpu.vector_store %arg12[%swap3A_264], %swap3A_267 {strides = array<i32>} : memref<64xi32, #tpu.memory_space<vmem>>, vector<16xi32>,
      %dma_start3A_268 = arith.constant 0 : i32
      %dma_start3A_269 = tpu.memref_slice %arg9[%dma_start3A_268] : memref<128xi32, #tpu.memory_space<vmem>> -> memref<64xi32, #tpu.memory_space<vmem>>
      %dma_start3A_270 = arith.constant 0 : i32
      %dma_start3A_271 = arith.constant 0 : i32
      %dma_start3A_272 = tpu.memref_slice %arg2[%dma_start3A_270, %dma_start3A_271] : memref<10000x128xf32, #tpu.memory_space<hbm>> -> memref<10000x128xf32, #tpu.memory_space<hbm>>
      tpu.enqueue_indirect_dma source(%dma_start3A_272 : memref<10000x128xf32, #tpu.memory_space<hbm>>) target(%arg13 : memref<64x128xf32, #tpu.memory_space<vmem>>) offsets(%dma_start3A_269 : memref<64xi32, #tpu.memory_space<vmem>>) semaphore(%arg18 : memref<!tpu.dma_semaphore, #tpu.memory_space<semaphore_mem>>)
      %dma_start3A_273 = arith.constant 64 : i32
      %dma_start3A_274 = tpu.memref_slice %arg9[%dma_start3A_273] : memref<128xi32, #tpu.memory_space<vmem>> -> memref<64xi32, #tpu.memory_space<vmem>>
      %dma_start3A_275 = arith.constant 0 : i32
      %dma_start3A_276 = arith.constant 0 : i32
      %dma_start3A_277 = tpu.memref_slice %arg2[%dma_start3A_275, %dma_start3A_276] : memref<10000x128xf32, #tpu.memory_space<hbm>> -> memref<10000x128xf32, #tpu.memory_space<hbm>>
      tpu.enqueue_indirect_dma source(%dma_start3A_277 : memref<10000x128xf32, #tpu.memory_space<hbm>>) target(%arg14 : memref<64x128xf32, #tpu.memory_space<vmem>>) offsets(%dma_start3A_274 : memref<64xi32, #tpu.memory_space<vmem>>) semaphore(%arg19 : memref<!tpu.dma_semaphore, #tpu.memory_space<semaphore_mem>>)
      %dma_wait3A_278 = arith.constant 0 : i32
      %dma_wait3A_279 = tpu.memref_slice %arg9[%dma_wait3A_278] : memref<128xi32, #tpu.memory_space<vmem>> -> memref<64xi32, #tpu.memory_space<vmem>>
      %dma_wait3A_280 = arith.constant 0 : i32
      %dma_wait3A_281 = arith.constant 0 : i32
      %dma_wait3A_282 = tpu.memref_slice %arg2[%dma_wait3A_280, %dma_wait3A_281] : memref<10000x128xf32, #tpu.memory_space<hbm>> -> memref<10000x128xf32, #tpu.memory_space<hbm>>
      tpu.wait_indirect_dma semaphore(%arg18 : memref<!tpu.dma_semaphore, #tpu.memory_space<semaphore_mem>>) src(%dma_wait3A_282 : memref<10000x128xf32, #tpu.memory_space<hbm>>) dst(%arg13 : memref<64x128xf32, #tpu.memory_space<vmem>>)
      "tpu.region"() ({
        %run_scoped3A = tpu.sem_alloc : memref<!tpu.dma_semaphore, #tpu.memory_space<semaphore_mem>>
        %dma_start3A_288 = arith.constant 0 : i32
        %dma_start3A_289 = arith.constant 0 : i32
        %dma_start3A_290 = tpu.memref_slice %arg15[%dma_start3A_288, %dma_start3A_289] : memref<10000x128xf32, #tpu.memory_space<vmem_shared>> -> memref<10000x128xf32, #tpu.memory_space<vmem_shared>>
        tpu.enqueue_indirect_dma source(%arg13 : memref<64x128xf32, #tpu.memory_space<vmem>>) target(%dma_start3A_290 : memref<10000x128xf32, #tpu.memory_space<vmem_shared>>) offsets(%arg11 : memref<64xi32, #tpu.memory_space<vmem>>) semaphore(%run_scoped3A : memref<!tpu.dma_semaphore, #tpu.memory_space<semaphore_mem>>) {add = true}
        %dma_wait3A_291 = arith.constant 0 : i32
        %dma_wait3A_292 = arith.constant 0 : i32
        %dma_wait3A_293 = tpu.memref_slice %arg15[%dma_wait3A_291, %dma_wait3A_292] : memref<10000x128xf32, #tpu.memory_space<vmem_shared>> -> memref<10000x128xf32, #tpu.memory_space<vmem_shared>>
        tpu.wait_indirect_dma semaphore(%run_scoped3A : memref<!tpu.dma_semaphore, #tpu.memory_space<semaphore_mem>>) src(%arg13 : memref<64x128xf32, #tpu.memory_space<vmem>>) dst(%dma_wait3A_293 : memref<10000x128xf32, #tpu.memory_space<vmem_shared>>)
        tpu.yield
      }) : () -> ()
      %dma_wait3A_283 = arith.constant 64 : i32
      %dma_wait3A_284 = tpu.memref_slice %arg9[%dma_wait3A_283] : memref<128xi32, #tpu.memory_space<vmem>> -> memref<64xi32, #tpu.memory_space<vmem>>
      %dma_wait3A_285 = arith.constant 0 : i32
      %dma_wait3A_286 = arith.constant 0 : i32
      %dma_wait3A_287 = tpu.memref_slice %arg2[%dma_wait3A_285, %dma_wait3A_286] : memref<10000x128xf32, #tpu.memory_space<hbm>> -> memref<10000x128xf32, #tpu.memory_space<hbm>>
      tpu.wait_indirect_dma semaphore(%arg19 : memref<!tpu.dma_semaphore, #tpu.memory_space<semaphore_mem>>) src(%dma_wait3A_287 : memref<10000x128xf32, #tpu.memory_space<hbm>>) dst(%arg14 : memref<64x128xf32, #tpu.memory_space<vmem>>)
      "tpu.region"() ({
        %run_scoped3A = tpu.sem_alloc : memref<!tpu.dma_semaphore, #tpu.memory_space<semaphore_mem>>
        %dma_start3A_288 = arith.constant 0 : i32
        %dma_start3A_289 = arith.constant 0 : i32
        %dma_start3A_290 = tpu.memref_slice %arg15[%dma_start3A_288, %dma_start3A_289] : memref<10000x128xf32, #tpu.memory_space<vmem_shared>> -> memref<10000x128xf32, #tpu.memory_space<vmem_shared>>
        tpu.enqueue_indirect_dma source(%arg14 : memref<64x128xf32, #tpu.memory_space<vmem>>) target(%dma_start3A_290 : memref<10000x128xf32, #tpu.memory_space<vmem_shared>>) offsets(%arg12 : memref<64xi32, #tpu.memory_space<vmem>>) semaphore(%run_scoped3A : memref<!tpu.dma_semaphore, #tpu.memory_space<semaphore_mem>>) {add = true}
        %dma_wait3A_291 = arith.constant 0 : i32
        %dma_wait3A_292 = arith.constant 0 : i32
        %dma_wait3A_293 = tpu.memref_slice %arg15[%dma_wait3A_291, %dma_wait3A_292] : memref<10000x128xf32, #tpu.memory_space<vmem_shared>> -> memref<10000x128xf32, #tpu.memory_space<vmem_shared>>
        tpu.wait_indirect_dma semaphore(%run_scoped3A : memref<!tpu.dma_semaphore, #tpu.memory_space<semaphore_mem>>) src(%arg14 : memref<64x128xf32, #tpu.memory_space<vmem>>) dst(%dma_wait3A_293 : memref<10000x128xf32, #tpu.memory_space<vmem_shared>>)
        tpu.yield
      }) : () -> ()
    }
    %mul3A_49 = arith.constant 2 : i32
    %mul3A_50 = arith.muli %mul3A_49, %select_n3A : i32
    %add3A_51 = arith.addi %mul3A_4, %mul3A_50 : i32
    %min3A_52 = arith.constant 2499 : i32
    %min3A_53 = arith.minsi %add3A_51, %min3A_52 : i32
    %dma_wait3A = arith.constant 0 : i32
    %dma_wait3A_54 = arith.constant 0 : i32
    %dma_wait3A_55 = tpu.memref_slice %arg3[%min3A_53, %dma_wait3A, %dma_wait3A_54] : memref<2500x1x128xi32, #tpu.memory_space<hbm>> -> memref<1x1x128xi32, #tpu.memory_space<hbm>>
    %dma_wait3A_56 = tpu.memref_squeeze %dma_wait3A_55 : memref<1x1x128xi32, #tpu.memory_space<hbm>> -> memref<128xi32, #tpu.memory_space<hbm>>
    %dma_wait3A_57 = arith.constant 0 : i32
    %dma_wait3A_58 = tpu.memref_slice %arg3[%min3A_53, %dma_wait3A, %dma_wait3A_57] : memref<2500x1x128xi32, #tpu.memory_space<hbm>> -> memref<1x1x128xi32, #tpu.memory_space<hbm>>
    %dma_wait3A_59 = tpu.memref_squeeze %dma_wait3A_58 : memref<1x1x128xi32, #tpu.memory_space<hbm>> -> memref<128xi32, #tpu.memory_space<hbm>>
    tpu.wait_dma2 semaphore(%arg16 : memref<!tpu.dma_semaphore, #tpu.memory_space<semaphore_mem>>) src(%dma_wait3A_59 : memref<128xi32, #tpu.memory_space<hbm>>) dst(%arg7 : memref<128xi32, #tpu.memory_space<vmem>>)
    %dma_wait3A_60 = arith.constant 0 : i32
    %dma_wait3A_61 = arith.constant 0 : i32
    %dma_wait3A_62 = tpu.memref_slice %arg4[%min3A_53, %dma_wait3A_60, %dma_wait3A_61] : memref<2500x1x128xi32, #tpu.memory_space<hbm>> -> memref<1x1x128xi32, #tpu.memory_space<hbm>>
    %dma_wait3A_63 = tpu.memref_squeeze %dma_wait3A_62 : memref<1x1x128xi32, #tpu.memory_space<hbm>> -> memref<128xi32, #tpu.memory_space<hbm>>
    %dma_wait3A_64 = arith.constant 0 : i32
    %dma_wait3A_65 = tpu.memref_slice %arg4[%min3A_53, %dma_wait3A_60, %dma_wait3A_64] : memref<2500x1x128xi32, #tpu.memory_space<hbm>> -> memref<1x1x128xi32, #tpu.memory_space<hbm>>
    %dma_wait3A_66 = tpu.memref_squeeze %dma_wait3A_65 : memref<1x1x128xi32, #tpu.memory_space<hbm>> -> memref<128xi32, #tpu.memory_space<hbm>>
    tpu.wait_dma2 semaphore(%arg16 : memref<!tpu.dma_semaphore, #tpu.memory_space<semaphore_mem>>) src(%dma_wait3A_66 : memref<128xi32, #tpu.memory_space<hbm>>) dst(%arg8 : memref<128xi32, #tpu.memory_space<vmem>>)
    %eq3A = arith.constant 1 : i32
    %eq3A_67 = arith.cmpi eq, %sub3A_26, %eq3A : i32
    %convert_element_type3A = arith.extui %eq3A_67 : i1 to i32
    %cond3A = arith.constant 0 : i32
    %cond3A_68 = arith.cmpi ne, %convert_element_type3A, %cond3A : i32
    scf.if %cond3A_68 {
      %get3A = arith.constant 0 : index
      %get3A_70 = tpu.vector_load %arg8[%get3A] {strides = array<i32>} : memref<128xi32, #tpu.memory_space<vmem>>, vector<16xi32>,
      %get3A_71 = vector.shape_cast %get3A_70 : vector<16xi32> to vector<16xi32>
      %swap3A = arith.constant 0 : index
      %swap3A_72 = tpu.vector_load %arg11[%swap3A] {strides = array<i32>} : memref<64xi32, #tpu.memory_space<vmem>>, vector<16xi32>,
      %swap3A_73 = vector.shape_cast %swap3A_72 : vector<16xi32> to vector<16xi32>
      %swap3A_74 = vector.shape_cast %get3A_71 : vector<16xi32> to vector<16xi32>
      tpu.vector_store %arg11[%swap3A], %swap3A_74 {strides = array<i32>} : memref<64xi32, #tpu.memory_space<vmem>>, vector<16xi32>,
      %get3A_75 = arith.constant 64 : index
      %get3A_76 = tpu.vector_load %arg8[%get3A_75] {strides = array<i32>} : memref<128xi32, #tpu.memory_space<vmem>>, vector<16xi32>,
      %get3A_77 = vector.shape_cast %get3A_76 : vector<16xi32> to vector<16xi32>
      %swap3A_78 = arith.constant 0 : index
      %swap3A_79 = tpu.vector_load %arg12[%swap3A_78] {strides = array<i32>} : memref<64xi32, #tpu.memory_space<vmem>>, vector<16xi32>,
      %swap3A_80 = vector.shape_cast %swap3A_79 : vector<16xi32> to vector<16xi32>
      %swap3A_81 = vector.shape_cast %get3A_77 : vector<16xi32> to vector<16xi32>
      tpu.vector_store %arg12[%swap3A_78], %swap3A_81 {strides = array<i32>} : memref<64xi32, #tpu.memory_space<vmem>>, vector<16xi32>,
      %get3A_82 = arith.constant 16 : index
      %get3A_83 = tpu.vector_load %arg8[%get3A_82] {strides = array<i32>} : memref<128xi32, #tpu.memory_space<vmem>>, vector<16xi32>,
      %get3A_84 = vector.shape_cast %get3A_83 : vector<16xi32> to vector<16xi32>
      %swap3A_85 = arith.constant 16 : index
      %swap3A_86 = tpu.vector_load %arg11[%swap3A_85] {strides = array<i32>} : memref<64xi32, #tpu.memory_space<vmem>>, vector<16xi32>,
      %swap3A_87 = vector.shape_cast %swap3A_86 : vector<16xi32> to vector<16xi32>
      %swap3A_88 = vector.shape_cast %get3A_84 : vector<16xi32> to vector<16xi32>
      tpu.vector_store %arg11[%swap3A_85], %swap3A_88 {strides = array<i32>} : memref<64xi32, #tpu.memory_space<vmem>>, vector<16xi32>,
      %get3A_89 = arith.constant 80 : index
      %get3A_90 = tpu.vector_load %arg8[%get3A_89] {strides = array<i32>} : memref<128xi32, #tpu.memory_space<vmem>>, vector<16xi32>,
      %get3A_91 = vector.shape_cast %get3A_90 : vector<16xi32> to vector<16xi32>
      %swap3A_92 = arith.constant 16 : index
      %swap3A_93 = tpu.vector_load %arg12[%swap3A_92] {strides = array<i32>} : memref<64xi32, #tpu.memory_space<vmem>>, vector<16xi32>,
      %swap3A_94 = vector.shape_cast %swap3A_93 : vector<16xi32> to vector<16xi32>
      %swap3A_95 = vector.shape_cast %get3A_91 : vector<16xi32> to vector<16xi32>
      tpu.vector_store %arg12[%swap3A_92], %swap3A_95 {strides = array<i32>} : memref<64xi32, #tpu.memory_space<vmem>>, vector<16xi32>,
      %get3A_96 = arith.constant 32 : index
      %get3A_97 = tpu.vector_load %arg8[%get3A_96] {strides = array<i32>} : memref<128xi32, #tpu.memory_space<vmem>>, vector<16xi32>,
      %get3A_98 = vector.shape_cast %get3A_97 : vector<16xi32> to vector<16xi32>
      %swap3A_99 = arith.constant 32 : index
      %swap3A_100 = tpu.vector_load %arg11[%swap3A_99] {strides = array<i32>} : memref<64xi32, #tpu.memory_space<vmem>>, vector<16xi32>,
      %swap3A_101 = vector.shape_cast %swap3A_100 : vector<16xi32> to vector<16xi32>
      %swap3A_102 = vector.shape_cast %get3A_98 : vector<16xi32> to vector<16xi32>
      tpu.vector_store %arg11[%swap3A_99], %swap3A_102 {strides = array<i32>} : memref<64xi32, #tpu.memory_space<vmem>>, vector<16xi32>,
      %get3A_103 = arith.constant 96 : index
      %get3A_104 = tpu.vector_load %arg8[%get3A_103] {strides = array<i32>} : memref<128xi32, #tpu.memory_space<vmem>>, vector<16xi32>,
      %get3A_105 = vector.shape_cast %get3A_104 : vector<16xi32> to vector<16xi32>
      %swap3A_106 = arith.constant 32 : index
      %swap3A_107 = tpu.vector_load %arg12[%swap3A_106] {strides = array<i32>} : memref<64xi32, #tpu.memory_space<vmem>>, vector<16xi32>,
      %swap3A_108 = vector.shape_cast %swap3A_107 : vector<16xi32> to vector<16xi32>
      %swap3A_109 = vector.shape_cast %get3A_105 : vector<16xi32> to vector<16xi32>
      tpu.vector_store %arg12[%swap3A_106], %swap3A_109 {strides = array<i32>} : memref<64xi32, #tpu.memory_space<vmem>>, vector<16xi32>,
      %get3A_110 = arith.constant 48 : index
      %get3A_111 = tpu.vector_load %arg8[%get3A_110] {strides = array<i32>} : memref<128xi32, #tpu.memory_space<vmem>>, vector<16xi32>,
      %get3A_112 = vector.shape_cast %get3A_111 : vector<16xi32> to vector<16xi32>
      %swap3A_113 = arith.constant 48 : index
      %swap3A_114 = tpu.vector_load %arg11[%swap3A_113] {strides = array<i32>} : memref<64xi32, #tpu.memory_space<vmem>>, vector<16xi32>,
      %swap3A_115 = vector.shape_cast %swap3A_114 : vector<16xi32> to vector<16xi32>
      %swap3A_116 = vector.shape_cast %get3A_112 : vector<16xi32> to vector<16xi32>
      tpu.vector_store %arg11[%swap3A_113], %swap3A_116 {strides = array<i32>} : memref<64xi32, #tpu.memory_space<vmem>>, vector<16xi32>,
      %get3A_117 = arith.constant 112 : index
      %get3A_118 = tpu.vector_load %arg8[%get3A_117] {strides = array<i32>} : memref<128xi32, #tpu.memory_space<vmem>>, vector<16xi32>,
      %get3A_119 = vector.shape_cast %get3A_118 : vector<16xi32> to vector<16xi32>
      %swap3A_120 = arith.constant 48 : index
      %swap3A_121 = tpu.vector_load %arg12[%swap3A_120] {strides = array<i32>} : memref<64xi32, #tpu.memory_space<vmem>>, vector<16xi32>,
      %swap3A_122 = vector.shape_cast %swap3A_121 : vector<16xi32> to vector<16xi32>
      %swap3A_123 = vector.shape_cast %get3A_119 : vector<16xi32> to vector<16xi32>
      tpu.vector_store %arg12[%swap3A_120], %swap3A_123 {strides = array<i32>} : memref<64xi32, #tpu.memory_space<vmem>>, vector<16xi32>,
      %dma_start3A_124 = arith.constant 0 : i32
      %dma_start3A_125 = tpu.memref_slice %arg7[%dma_start3A_124] : memref<128xi32, #tpu.memory_space<vmem>> -> memref<64xi32, #tpu.memory_space<vmem>>
      %dma_start3A_126 = arith.constant 0 : i32
      %dma_start3A_127 = arith.constant 0 : i32
      %dma_start3A_128 = tpu.memref_slice %arg2[%dma_start3A_126, %dma_start3A_127] : memref<10000x128xf32, #tpu.memory_space<hbm>> -> memref<10000x128xf32, #tpu.memory_space<hbm>>
      tpu.enqueue_indirect_dma source(%dma_start3A_128 : memref<10000x128xf32, #tpu.memory_space<hbm>>) target(%arg13 : memref<64x128xf32, #tpu.memory_space<vmem>>) offsets(%dma_start3A_125 : memref<64xi32, #tpu.memory_space<vmem>>) semaphore(%arg18 : memref<!tpu.dma_semaphore, #tpu.memory_space<semaphore_mem>>)
      %dma_start3A_129 = arith.constant 64 : i32
      %dma_start3A_130 = tpu.memref_slice %arg7[%dma_start3A_129] : memref<128xi32, #tpu.memory_space<vmem>> -> memref<64xi32, #tpu.memory_space<vmem>>
      %dma_start3A_131 = arith.constant 0 : i32
      %dma_start3A_132 = arith.constant 0 : i32
      %dma_start3A_133 = tpu.memref_slice %arg2[%dma_start3A_131, %dma_start3A_132] : memref<10000x128xf32, #tpu.memory_space<hbm>> -> memref<10000x128xf32, #tpu.memory_space<hbm>>
      tpu.enqueue_indirect_dma source(%dma_start3A_133 : memref<10000x128xf32, #tpu.memory_space<hbm>>) target(%arg14 : memref<64x128xf32, #tpu.memory_space<vmem>>) offsets(%dma_start3A_130 : memref<64xi32, #tpu.memory_space<vmem>>) semaphore(%arg19 : memref<!tpu.dma_semaphore, #tpu.memory_space<semaphore_mem>>)
      %dma_wait3A_134 = arith.constant 0 : i32
      %dma_wait3A_135 = tpu.memref_slice %arg7[%dma_wait3A_134] : memref<128xi32, #tpu.memory_space<vmem>> -> memref<64xi32, #tpu.memory_space<vmem>>
      %dma_wait3A_136 = arith.constant 0 : i32
      %dma_wait3A_137 = arith.constant 0 : i32
      %dma_wait3A_138 = tpu.memref_slice %arg2[%dma_wait3A_136, %dma_wait3A_137] : memref<10000x128xf32, #tpu.memory_space<hbm>> -> memref<10000x128xf32, #tpu.memory_space<hbm>>
      tpu.wait_indirect_dma semaphore(%arg18 : memref<!tpu.dma_semaphore, #tpu.memory_space<semaphore_mem>>) src(%dma_wait3A_138 : memref<10000x128xf32, #tpu.memory_space<hbm>>) dst(%arg13 : memref<64x128xf32, #tpu.memory_space<vmem>>)
      "tpu.region"() ({
        %run_scoped3A = tpu.sem_alloc : memref<!tpu.dma_semaphore, #tpu.memory_space<semaphore_mem>>
        %dma_start3A_144 = arith.constant 0 : i32
        %dma_start3A_145 = arith.constant 0 : i32
        %dma_start3A_146 = tpu.memref_slice %arg15[%dma_start3A_144, %dma_start3A_145] : memref<10000x128xf32, #tpu.memory_space<vmem_shared>> -> memref<10000x128xf32, #tpu.memory_space<vmem_shared>>
        tpu.enqueue_indirect_dma source(%arg13 : memref<64x128xf32, #tpu.memory_space<vmem>>) target(%dma_start3A_146 : memref<10000x128xf32, #tpu.memory_space<vmem_shared>>) offsets(%arg11 : memref<64xi32, #tpu.memory_space<vmem>>) semaphore(%run_scoped3A : memref<!tpu.dma_semaphore, #tpu.memory_space<semaphore_mem>>) {add = true}
        %dma_wait3A_147 = arith.constant 0 : i32
        %dma_wait3A_148 = arith.constant 0 : i32
        %dma_wait3A_149 = tpu.memref_slice %arg15[%dma_wait3A_147, %dma_wait3A_148] : memref<10000x128xf32, #tpu.memory_space<vmem_shared>> -> memref<10000x128xf32, #tpu.memory_space<vmem_shared>>
        tpu.wait_indirect_dma semaphore(%run_scoped3A : memref<!tpu.dma_semaphore, #tpu.memory_space<semaphore_mem>>) src(%arg13 : memref<64x128xf32, #tpu.memory_space<vmem>>) dst(%dma_wait3A_149 : memref<10000x128xf32, #tpu.memory_space<vmem_shared>>)
        tpu.yield
      }) : () -> ()
      %dma_wait3A_139 = arith.constant 64 : i32
      %dma_wait3A_140 = tpu.memref_slice %arg7[%dma_wait3A_139] : memref<128xi32, #tpu.memory_space<vmem>> -> memref<64xi32, #tpu.memory_space<vmem>>
      %dma_wait3A_141 = arith.constant 0 : i32
      %dma_wait3A_142 = arith.constant 0 : i32
      %dma_wait3A_143 = tpu.memref_slice %arg2[%dma_wait3A_141, %dma_wait3A_142] : memref<10000x128xf32, #tpu.memory_space<hbm>> -> memref<10000x128xf32, #tpu.memory_space<hbm>>
      tpu.wait_indirect_dma semaphore(%arg19 : memref<!tpu.dma_semaphore, #tpu.memory_space<semaphore_mem>>) src(%dma_wait3A_143 : memref<10000x128xf32, #tpu.memory_space<hbm>>) dst(%arg14 : memref<64x128xf32, #tpu.memory_space<vmem>>)
      "tpu.region"() ({
        %run_scoped3A = tpu.sem_alloc : memref<!tpu.dma_semaphore, #tpu.memory_space<semaphore_mem>>
        %dma_start3A_144 = arith.constant 0 : i32
        %dma_start3A_145 = arith.constant 0 : i32
        %dma_start3A_146 = tpu.memref_slice %arg15[%dma_start3A_144, %dma_start3A_145] : memref<10000x128xf32, #tpu.memory_space<vmem_shared>> -> memref<10000x128xf32, #tpu.memory_space<vmem_shared>>
        tpu.enqueue_indirect_dma source(%arg14 : memref<64x128xf32, #tpu.memory_space<vmem>>) target(%dma_start3A_146 : memref<10000x128xf32, #tpu.memory_space<vmem_shared>>) offsets(%arg12 : memref<64xi32, #tpu.memory_space<vmem>>) semaphore(%run_scoped3A : memref<!tpu.dma_semaphore, #tpu.memory_space<semaphore_mem>>) {add = true}
        %dma_wait3A_147 = arith.constant 0 : i32
        %dma_wait3A_148 = arith.constant 0 : i32
        %dma_wait3A_149 = tpu.memref_slice %arg15[%dma_wait3A_147, %dma_wait3A_148] : memref<10000x128xf32, #tpu.memory_space<vmem_shared>> -> memref<10000x128xf32, #tpu.memory_space<vmem_shared>>
        tpu.wait_indirect_dma semaphore(%run_scoped3A : memref<!tpu.dma_semaphore, #tpu.memory_space<semaphore_mem>>) src(%arg14 : memref<64x128xf32, #tpu.memory_space<vmem>>) dst(%dma_wait3A_149 : memref<10000x128xf32, #tpu.memory_space<vmem_shared>>)
        tpu.yield
      }) : () -> ()
    } else {
    }
    %barrier3A_69 = arith.constant 0 : index
    tpu.barrier barrier_id(%barrier3A_69)
    "tpu.region"() ({
      %run_scoped3A = tpu.sem_alloc : memref<!tpu.dma_semaphore, #tpu.memory_space<semaphore_mem>>
      %dma_start3A_70 = arith.constant 0 : i32
      %dma_start3A_71 = tpu.memref_slice %arg6[%arg0, %mul3A_2, %dma_start3A_70] : memref<2x10000x128xf32, #tpu.memory_space<hbm>> -> memref<1x640x128xf32, #tpu.memory_space<hbm>>
      %dma_start3A_72 = tpu.memref_squeeze %dma_start3A_71 : memref<1x640x128xf32, #tpu.memory_space<hbm>> -> memref<640x128xf32, #tpu.memory_space<hbm>>
      %dma_start3A_73 = arith.constant 0 : i32
      %dma_start3A_74 = tpu.memref_slice %arg15[%mul3A_2, %dma_start3A_73] : memref<10000x128xf32, #tpu.memory_space<vmem_shared>> -> memref<640x128xf32, #tpu.memory_space<vmem_shared>>
      tpu.enqueue_dma source(%dma_start3A_74 : memref<640x128xf32, #tpu.memory_space<vmem_shared>>) target(%dma_start3A_72 : memref<640x128xf32, #tpu.memory_space<hbm>>) target_semaphore(%run_scoped3A : memref<!tpu.dma_semaphore, #tpu.memory_space<semaphore_mem>>)
      %dma_wait3A_75 = arith.constant 0 : i32
      %dma_wait3A_76 = tpu.memref_slice %arg6[%arg0, %mul3A_2, %dma_wait3A_75] : memref<2x10000x128xf32, #tpu.memory_space<hbm>> -> memref<1x640x128xf32, #tpu.memory_space<hbm>>
      %dma_wait3A_77 = tpu.memref_squeeze %dma_wait3A_76 : memref<1x640x128xf32, #tpu.memory_space<hbm>> -> memref<640x128xf32, #tpu.memory_space<hbm>>
      %dma_wait3A_78 = arith.constant 0 : i32
      %dma_wait3A_79 = tpu.memref_slice %arg15[%mul3A_2, %dma_wait3A_78] : memref<10000x128xf32, #tpu.memory_space<vmem_shared>> -> memref<640x128xf32, #tpu.memory_space<vmem_shared>>
      tpu.wait_dma2 semaphore(%run_scoped3A : memref<!tpu.dma_semaphore, #tpu.memory_space<semaphore_mem>>) src(%dma_wait3A_79 : memref<640x128xf32, #tpu.memory_space<vmem_shared>>) dst(%dma_wait3A_77 : memref<640x128xf32, #tpu.memory_space<hbm>>)
      tpu.yield
    }) : () -> ()
    return
  }
}

module attributes {stable_mosaic.version = 14 : i64} {
  func.func @_final_body(%arg0: i32, %arg1: memref<2x1000x128xf32, #tpu.memory_space<vmem>>, %arg2: memref<2x1000x128xf32, #tpu.memory_space<vmem>>, %arg3: memref<128x128xf32, #tpu.memory_space<vmem>>, %arg4: memref<1x128xf32, #tpu.memory_space<vmem>>, %arg5: memref<128x64xf32, #tpu.memory_space<vmem>>, %arg6: memref<1x64xf32, #tpu.memory_space<vmem>>, %arg7: memref<1000x64xf32, #tpu.memory_space<vmem>>) attributes {dimension_semantics = [#tpu.dimension_semantics<arbitrary>], iteration_bounds = array<i64: 10>, scalar_prefetch = 0 : i64, scratch_operands = 0 : i64, tpu.core_type = #tpu.core_type<tc>, window_params = [{transform_indices = @transform_0, window_bounds = array<i64: 2, 1000, 128>}, {transform_indices = @transform_1, window_bounds = array<i64: 2, 1000, 128>}, {pipeline_mode = #tpu.pipeline_mode<synchronous>, transform_indices = @transform_2, window_bounds = array<i64: 128, 128>}, {pipeline_mode = #tpu.pipeline_mode<synchronous>, transform_indices = @transform_3, window_bounds = array<i64: 1, 128>}, {pipeline_mode = #tpu.pipeline_mode<synchronous>, transform_indices = @transform_4, window_bounds = array<i64: 128, 64>}, {pipeline_mode = #tpu.pipeline_mode<synchronous>, transform_indices = @transform_5, window_bounds = array<i64: 1, 64>}, {transform_indices = @transform_6, window_bounds = array<i64: 1000, 64>}]} {
    %get3A = arith.constant 0 : index
    %get3A_0 = arith.constant 0 : index
    %get3A_1 = arith.constant 0 : index
    %get3A_2 = vector.load %arg1[%get3A, %get3A_0, %get3A_1] : memref<2x1000x128xf32, #tpu.memory_space<vmem>>, vector<1x1000x128xf32>
    %get3A_3 = vector.shape_cast %get3A_2 : vector<1x1000x128xf32> to vector<1000x128xf32>
    %get3A_4 = arith.constant 1 : index
    %get3A_5 = arith.constant 0 : index
    %get3A_6 = arith.constant 0 : index
    %get3A_7 = vector.load %arg1[%get3A_4, %get3A_5, %get3A_6] : memref<2x1000x128xf32, #tpu.memory_space<vmem>>, vector<1x1000x128xf32>
    %get3A_8 = vector.shape_cast %get3A_7 : vector<1x1000x128xf32> to vector<1000x128xf32>
    %add3A = arith.addf %get3A_3, %get3A_8 : vector<1000x128xf32>
    %get3A_9 = arith.constant 0 : index
    %get3A_10 = arith.constant 0 : index
    %get3A_11 = arith.constant 0 : index
    %get3A_12 = vector.load %arg2[%get3A_9, %get3A_10, %get3A_11] : memref<2x1000x128xf32, #tpu.memory_space<vmem>>, vector<1x1000x1xf32>
    %get3A_13 = vector.shape_cast %get3A_12 : vector<1x1000x1xf32> to vector<1000x1xf32>
    %get3A_14 = arith.constant 1 : index
    %get3A_15 = arith.constant 0 : index
    %get3A_16 = arith.constant 0 : index
    %get3A_17 = vector.load %arg2[%get3A_14, %get3A_15, %get3A_16] : memref<2x1000x128xf32, #tpu.memory_space<vmem>>, vector<1x1000x1xf32>
    %get3A_18 = vector.shape_cast %get3A_17 : vector<1x1000x1xf32> to vector<1000x1xf32>
    %add3A_19 = arith.addf %get3A_13, %get3A_18 : vector<1000x1xf32>
    %max3A = arith.constant 1.000000e+00 : f32
    %max3A_20 = vector.broadcast %max3A : f32 to vector<1000x1xf32>
    %max3A_21 = arith.maximumf %add3A_19, %max3A_20 : vector<1000x1xf32>
    %div3A = arith.constant 1.000000e+00 : f32
    %div3A_22 = vector.broadcast %div3A : f32 to vector<1000x1xf32>
    %div3A_23 = arith.divf %div3A_22, %max3A_21 : vector<1000x1xf32>
    %mul3A = vector.broadcast %div3A_23 : vector<1000x1xf32> to vector<1000x128xf32>
    %mul3A_24 = arith.mulf %add3A, %mul3A : vector<1000x128xf32>
    %get3A_25 = arith.constant 0 : index
    %get3A_26 = arith.constant 0 : index
    %get3A_27 = vector.load %arg3[%get3A_25, %get3A_26] : memref<128x128xf32, #tpu.memory_space<vmem>>, vector<128x128xf32>
    %dot_general3A = arith.constant dense<0.000000e+00> : vector<1000x128xf32>
    %dot_general3A_28 = tpu.matmul %mul3A_24, %get3A_27, %dot_general3A {dimension_numbers = #tpu.dot_dimension_numbers<[1], [0], [0], [1], [0, 0, 1, 1], [], []>, transpose_lhs_hint = false} : vector<1000x128xf32>, vector<128x128xf32>, vector<1000x128xf32> -> vector<1000x128xf32>
    %get3A_29 = arith.constant 0 : index
    %get3A_30 = arith.constant 0 : index
    %get3A_31 = vector.load %arg4[%get3A_29, %get3A_30] : memref<1x128xf32, #tpu.memory_space<vmem>>, vector<1x128xf32>
    %add3A_32 = vector.broadcast %get3A_31 : vector<1x128xf32> to vector<1000x128xf32>
    %add3A_33 = arith.addf %dot_general3A_28, %add3A_32 : vector<1000x128xf32>
    %max3A_34 = arith.constant 0.000000e+00 : f32
    %max3A_35 = vector.broadcast %max3A_34 : f32 to vector<1000x128xf32>
    %max3A_36 = arith.maximumf %add3A_33, %max3A_35 : vector<1000x128xf32>
    %get3A_37 = arith.constant 0 : index
    %get3A_38 = arith.constant 0 : index
    %get3A_39 = vector.load %arg5[%get3A_37, %get3A_38] : memref<128x64xf32, #tpu.memory_space<vmem>>, vector<128x64xf32>
    %dot_general3A_40 = arith.constant dense<0.000000e+00> : vector<1000x64xf32>
    %dot_general3A_41 = tpu.matmul %max3A_36, %get3A_39, %dot_general3A_40 {dimension_numbers = #tpu.dot_dimension_numbers<[1], [0], [0], [1], [0, 0, 1, 1], [], []>, transpose_lhs_hint = false} : vector<1000x128xf32>, vector<128x64xf32>, vector<1000x64xf32> -> vector<1000x64xf32>
    %get3A_42 = arith.constant 0 : index
    %get3A_43 = arith.constant 0 : index
    %get3A_44 = vector.load %arg6[%get3A_42, %get3A_43] : memref<1x64xf32, #tpu.memory_space<vmem>>, vector<1x64xf32>
    %add3A_45 = vector.broadcast %get3A_44 : vector<1x64xf32> to vector<1000x64xf32>
    %add3A_46 = arith.addf %dot_general3A_41, %add3A_45 : vector<1000x64xf32>
    %swap3A = arith.constant 0 : index
    %swap3A_47 = arith.constant 0 : index
    %swap3A_48 = vector.load %arg7[%swap3A, %swap3A_47] : memref<1000x64xf32, #tpu.memory_space<vmem>>, vector<1000x64xf32>
    tpu.vector_store %arg7[%swap3A, %swap3A_47], %add3A_46 {strides = array<i32>} : memref<1000x64xf32, #tpu.memory_space<vmem>>, vector<1000x64xf32>,
    return
  }
  func.func @transform_0(%arg0: i32) -> (i32, i32, i32) {
    %c0_i32 = arith.constant 0 : i32
    %c0_i32_0 = arith.constant 0 : i32
    %c0_i32_1 = arith.constant 0 : i32
    return %c0_i32, %arg0, %c0_i32_0 : i32, i32, i32
  }
  func.func @transform_1(%arg0: i32) -> (i32, i32, i32) {
    %c0_i32 = arith.constant 0 : i32
    %c0_i32_0 = arith.constant 0 : i32
    %c0_i32_1 = arith.constant 0 : i32
    return %c0_i32, %arg0, %c0_i32_0 : i32, i32, i32
  }
  func.func @transform_2(%arg0: i32) -> (i32, i32) {
    %c0_i32 = arith.constant 0 : i32
    %c0_i32_0 = arith.constant 0 : i32
    %c0_i32_1 = arith.constant 0 : i32
    return %c0_i32, %c0_i32_0 : i32, i32
  }
  func.func @transform_3(%arg0: i32) -> (i32, i32) {
    %c0_i32 = arith.constant 0 : i32
    %c0_i32_0 = arith.constant 0 : i32
    %c0_i32_1 = arith.constant 0 : i32
    return %c0_i32, %c0_i32_0 : i32, i32
  }
  func.func @transform_4(%arg0: i32) -> (i32, i32) {
    %c0_i32 = arith.constant 0 : i32
    %c0_i32_0 = arith.constant 0 : i32
    %c0_i32_1 = arith.constant 0 : i32
    return %c0_i32, %c0_i32_0 : i32, i32
  }
  func.func @transform_5(%arg0: i32) -> (i32, i32) {
    %c0_i32 = arith.constant 0 : i32
    %c0_i32_0 = arith.constant 0 : i32
    %c0_i32_1 = arith.constant 0 : i32
    return %c0_i32, %c0_i32_0 : i32, i32
  }
  func.func @transform_6(%arg0: i32) -> (i32, i32) {
    %c0_i32 = arith.constant 0 : i32
    %c0_i32_0 = arith.constant 0 : i32
    return %arg0, %c0_i32 : i32, i32
  }
}

module attributes {stable_mosaic.version = 14 : i64} {
  func.func @_mid_body(%arg0: i32, %arg1: memref<2x1000x128xf32, #tpu.memory_space<vmem>>, %arg2: memref<2x1000x128xf32, #tpu.memory_space<vmem>>, %arg3: memref<128x128xf32, #tpu.memory_space<vmem>>, %arg4: memref<1x128xf32, #tpu.memory_space<vmem>>, %arg5: memref<128x128xf32, #tpu.memory_space<vmem>>, %arg6: memref<1x128xf32, #tpu.memory_space<vmem>>, %arg7: memref<1000x128xf32, #tpu.memory_space<vmem>>) attributes {dimension_semantics = [#tpu.dimension_semantics<arbitrary>], iteration_bounds = array<i64: 10>, scalar_prefetch = 0 : i64, scratch_operands = 0 : i64, tpu.core_type = #tpu.core_type<tc>, window_params = [{transform_indices = @transform_0, window_bounds = array<i64: 2, 1000, 128>}, {transform_indices = @transform_1, window_bounds = array<i64: 2, 1000, 128>}, {pipeline_mode = #tpu.pipeline_mode<synchronous>, transform_indices = @transform_2, window_bounds = array<i64: 128, 128>}, {pipeline_mode = #tpu.pipeline_mode<synchronous>, transform_indices = @transform_3, window_bounds = array<i64: 1, 128>}, {pipeline_mode = #tpu.pipeline_mode<synchronous>, transform_indices = @transform_4, window_bounds = array<i64: 128, 128>}, {pipeline_mode = #tpu.pipeline_mode<synchronous>, transform_indices = @transform_5, window_bounds = array<i64: 1, 128>}, {transform_indices = @transform_6, window_bounds = array<i64: 1000, 128>}]} {
    %get3A = arith.constant 0 : index
    %get3A_0 = arith.constant 0 : index
    %get3A_1 = arith.constant 0 : index
    %get3A_2 = vector.load %arg1[%get3A, %get3A_0, %get3A_1] : memref<2x1000x128xf32, #tpu.memory_space<vmem>>, vector<1x1000x128xf32>
    %get3A_3 = vector.shape_cast %get3A_2 : vector<1x1000x128xf32> to vector<1000x128xf32>
    %get3A_4 = arith.constant 1 : index
    %get3A_5 = arith.constant 0 : index
    %get3A_6 = arith.constant 0 : index
    %get3A_7 = vector.load %arg1[%get3A_4, %get3A_5, %get3A_6] : memref<2x1000x128xf32, #tpu.memory_space<vmem>>, vector<1x1000x128xf32>
    %get3A_8 = vector.shape_cast %get3A_7 : vector<1x1000x128xf32> to vector<1000x128xf32>
    %add3A = arith.addf %get3A_3, %get3A_8 : vector<1000x128xf32>
    %get3A_9 = arith.constant 0 : index
    %get3A_10 = arith.constant 0 : index
    %get3A_11 = arith.constant 0 : index
    %get3A_12 = vector.load %arg2[%get3A_9, %get3A_10, %get3A_11] : memref<2x1000x128xf32, #tpu.memory_space<vmem>>, vector<1x1000x1xf32>
    %get3A_13 = vector.shape_cast %get3A_12 : vector<1x1000x1xf32> to vector<1000x1xf32>
    %get3A_14 = arith.constant 1 : index
    %get3A_15 = arith.constant 0 : index
    %get3A_16 = arith.constant 0 : index
    %get3A_17 = vector.load %arg2[%get3A_14, %get3A_15, %get3A_16] : memref<2x1000x128xf32, #tpu.memory_space<vmem>>, vector<1x1000x1xf32>
    %get3A_18 = vector.shape_cast %get3A_17 : vector<1x1000x1xf32> to vector<1000x1xf32>
    %add3A_19 = arith.addf %get3A_13, %get3A_18 : vector<1000x1xf32>
    %max3A = arith.constant 1.000000e+00 : f32
    %max3A_20 = vector.broadcast %max3A : f32 to vector<1000x1xf32>
    %max3A_21 = arith.maximumf %add3A_19, %max3A_20 : vector<1000x1xf32>
    %div3A = arith.constant 1.000000e+00 : f32
    %div3A_22 = vector.broadcast %div3A : f32 to vector<1000x1xf32>
    %div3A_23 = arith.divf %div3A_22, %max3A_21 : vector<1000x1xf32>
    %mul3A = vector.broadcast %div3A_23 : vector<1000x1xf32> to vector<1000x128xf32>
    %mul3A_24 = arith.mulf %add3A, %mul3A : vector<1000x128xf32>
    %get3A_25 = arith.constant 0 : index
    %get3A_26 = arith.constant 0 : index
    %get3A_27 = arith.constant 0 : index
    %get3A_28 = vector.load %arg2[%get3A_25, %get3A_26, %get3A_27] : memref<2x1000x128xf32, #tpu.memory_space<vmem>>, vector<1x1000x1xf32>
    %get3A_29 = vector.shape_cast %get3A_28 : vector<1x1000x1xf32> to vector<1000x1xf32>
    %get3A_30 = arith.constant 1 : index
    %get3A_31 = arith.constant 0 : index
    %get3A_32 = arith.constant 0 : index
    %get3A_33 = vector.load %arg2[%get3A_30, %get3A_31, %get3A_32] : memref<2x1000x128xf32, #tpu.memory_space<vmem>>, vector<1x1000x1xf32>
    %get3A_34 = vector.shape_cast %get3A_33 : vector<1x1000x1xf32> to vector<1000x1xf32>
    %add3A_35 = arith.addf %get3A_29, %get3A_34 : vector<1000x1xf32>
    %gt3A = arith.constant 0.000000e+00 : f32
    %gt3A_36 = vector.broadcast %gt3A : f32 to vector<1000x1xf32>
    %gt3A_37 = arith.cmpf ogt, %add3A_35, %gt3A_36 : vector<1000x1xf32>
    %jit3A = arith.constant 1.000000e+00 : f32
    %jit3A_38 = arith.constant 0.000000e+00 : f32
    %broadcast_in_dim3A = vector.broadcast %jit3A : f32 to vector<1000x1xf32>
    %broadcast_in_dim3A_39 = vector.broadcast %jit3A_38 : f32 to vector<1000x1xf32>
    %select_n3A = arith.select %gt3A_37, %broadcast_in_dim3A, %broadcast_in_dim3A_39 : vector<1000x1xi1>, vector<1000x1xf32>
    %get3A_40 = arith.constant 0 : index
    %get3A_41 = arith.constant 0 : index
    %get3A_42 = vector.load %arg3[%get3A_40, %get3A_41] : memref<128x128xf32, #tpu.memory_space<vmem>>, vector<128x128xf32>
    %dot_general3A = arith.constant dense<0.000000e+00> : vector<1000x128xf32>
    %dot_general3A_43 = tpu.matmul %mul3A_24, %get3A_42, %dot_general3A {dimension_numbers = #tpu.dot_dimension_numbers<[1], [0], [0], [1], [0, 0, 1, 1], [], []>, transpose_lhs_hint = false} : vector<1000x128xf32>, vector<128x128xf32>, vector<1000x128xf32> -> vector<1000x128xf32>
    %get3A_44 = arith.constant 0 : index
    %get3A_45 = arith.constant 0 : index
    %get3A_46 = vector.load %arg4[%get3A_44, %get3A_45] : memref<1x128xf32, #tpu.memory_space<vmem>>, vector<1x128xf32>
    %mul3A_47 = vector.broadcast %get3A_46 : vector<1x128xf32> to vector<1000x128xf32>
    %mul3A_48 = vector.broadcast %select_n3A : vector<1000x1xf32> to vector<1000x128xf32>
    %mul3A_49 = arith.mulf %mul3A_47, %mul3A_48 : vector<1000x128xf32>
    %add3A_50 = arith.addf %dot_general3A_43, %mul3A_49 : vector<1000x128xf32>
    %get3A_51 = arith.constant 0 : index
    %get3A_52 = arith.constant 0 : index
    %get3A_53 = vector.load %arg5[%get3A_51, %get3A_52] : memref<128x128xf32, #tpu.memory_space<vmem>>, vector<128x128xf32>
    %dot_general3A_54 = arith.constant dense<0.000000e+00> : vector<1000x128xf32>
    %dot_general3A_55 = tpu.matmul %add3A_50, %get3A_53, %dot_general3A_54 {dimension_numbers = #tpu.dot_dimension_numbers<[1], [0], [0], [1], [0, 0, 1, 1], [], []>, transpose_lhs_hint = false} : vector<1000x128xf32>, vector<128x128xf32>, vector<1000x128xf32> -> vector<1000x128xf32>
    %get3A_56 = arith.constant 0 : index
    %get3A_57 = arith.constant 0 : index
    %get3A_58 = vector.load %arg6[%get3A_56, %get3A_57] : memref<1x128xf32, #tpu.memory_space<vmem>>, vector<1x128xf32>
    %add3A_59 = vector.broadcast %get3A_58 : vector<1x128xf32> to vector<1000x128xf32>
    %add3A_60 = arith.addf %dot_general3A_55, %add3A_59 : vector<1000x128xf32>
    %max3A_61 = arith.constant 0.000000e+00 : f32
    %max3A_62 = vector.broadcast %max3A_61 : f32 to vector<1000x128xf32>
    %max3A_63 = arith.maximumf %add3A_60, %max3A_62 : vector<1000x128xf32>
    %swap3A = arith.constant 0 : index
    %swap3A_64 = arith.constant 0 : index
    %swap3A_65 = vector.load %arg7[%swap3A, %swap3A_64] : memref<1000x128xf32, #tpu.memory_space<vmem>>, vector<1000x128xf32>
    tpu.vector_store %arg7[%swap3A, %swap3A_64], %max3A_63 {strides = array<i32>} : memref<1000x128xf32, #tpu.memory_space<vmem>>, vector<1000x128xf32>,
    return
  }
  func.func @transform_0(%arg0: i32) -> (i32, i32, i32) {
    %c0_i32 = arith.constant 0 : i32
    %c0_i32_0 = arith.constant 0 : i32
    %c0_i32_1 = arith.constant 0 : i32
    return %c0_i32, %arg0, %c0_i32_0 : i32, i32, i32
  }
  func.func @transform_1(%arg0: i32) -> (i32, i32, i32) {
    %c0_i32 = arith.constant 0 : i32
    %c0_i32_0 = arith.constant 0 : i32
    %c0_i32_1 = arith.constant 0 : i32
    return %c0_i32, %arg0, %c0_i32_0 : i32, i32, i32
  }
  func.func @transform_2(%arg0: i32) -> (i32, i32) {
    %c0_i32 = arith.constant 0 : i32
    %c0_i32_0 = arith.constant 0 : i32
    %c0_i32_1 = arith.constant 0 : i32
    return %c0_i32, %c0_i32_0 : i32, i32
  }
  func.func @transform_3(%arg0: i32) -> (i32, i32) {
    %c0_i32 = arith.constant 0 : i32
    %c0_i32_0 = arith.constant 0 : i32
    %c0_i32_1 = arith.constant 0 : i32
    return %c0_i32, %c0_i32_0 : i32, i32
  }
  func.func @transform_4(%arg0: i32) -> (i32, i32) {
    %c0_i32 = arith.constant 0 : i32
    %c0_i32_0 = arith.constant 0 : i32
    %c0_i32_1 = arith.constant 0 : i32
    return %c0_i32, %c0_i32_0 : i32, i32
  }
  func.func @transform_5(%arg0: i32) -> (i32, i32) {
    %c0_i32 = arith.constant 0 : i32
    %c0_i32_0 = arith.constant 0 : i32
    %c0_i32_1 = arith.constant 0 : i32
    return %c0_i32, %c0_i32_0 : i32, i32
  }
  func.func @transform_6(%arg0: i32) -> (i32, i32) {
    %c0_i32 = arith.constant 0 : i32
    %c0_i32_0 = arith.constant 0 : i32
    return %arg0, %c0_i32 : i32, i32
  }
}

</mosaic_0001>

<sc_bundles>
// kernel: sc_degree.3.cloned.1.call-start
scs
__scs_entry_jumppad:
0x0: {  	(pc) =	sbr.rel $0x88, $3  }
0x1: {  	(tag) =	ssettag $0x0;
	lr =	simm.s32 $0x1  }
0x2: {  	[smem:$0x3F97] =	sst lr;
	_ =	strace $0xD0000000  }
0x3: {  	_ = 	snop  }
0x4: {  	_ = 	snop  }
0x5: {  	_ = 	snop  }
0x6: {  	_ = 	snop  }
0x7: {  	_ = 	snop  }
__scs_overlays_trampoline_lowered:
0x8: {  	[smem:$0x3FA6] =	sst s0  }
0x9: {  	[smem:$0x3FA7] =	sst s1  }
0xa: {  	[smem:$0x3FA8] =	sst s2  }
0xb: {  	[smem:$0x3FA9] =	sst s3  }
0xc: {  	[smem:$0x3FAA] =	sst s4  }
0xd: {  	[smem:$0x3FAB] =	sst s5  }
0xe: {  	[smem:$0x3FAC] =	sst s6  }
0xf: {  	[smem:$0x3FAD] =	sst s7  }
0x10: {  	[smem:$0x3FAE] =	sst s8  }
0x11: {  	[smem:$0x3FAF] =	sst s9;
	s0 =	simm.s32 @!p0 $0x0  }
0x12: {  	s1 =	sld [smem:$0x3F95];
	s0 =	simm.s32 @p0 $0x1  }
0x13: {  	[smem:$0x3FB0] =	sst s0;
	s0 =	simm.s32 @!p1 $0x0  }
0x14: {  	s2 =	sld [smem:$0x3F94];
	s0 =	simm.s32 @p1 $0x1  }
0x15: {  	[smem:$0x3FB1] =	sst s0;
	s0 =	simm.s32 @!p2 $0x0  }
0x16: {  	s3 =	sld [smem:$0x3FDB];
	s0 =	simm.s32 @p2 $0x1  }
0x17: {  	s4 =	simm.s32 $0x1BF5;
	[smem:$0x3FB3] =	sst s0  }
0x18: {  	s0 =	sld [smem:$0x3F96];
	_ =	swait.ge [sflag:s4], $0x0  }
0x19: {  	s7 =	sld [smem:$0x3F97]  }
0x1a: {  	s8 =	sadd.s32 $0xFFFFE003, lr  }
0x1b: {  	s9 =	sadd.s32 $0xFFFFFEF7, lr;
	s5 =	simm.s32 $0xFFFFFFFF;
	p2 =	slt.u32 s8, $0xFFFFF086  }
0x1c: {  	p1 =	slt.u32 s9, $0xF7A;
	s5 =	simm.s32 @!p2 $0x0  }
0x1d: {  	s5 =	simm.s32 @p1 $0x1;
	p0 =	seq.s32 s7, s2  }
0x1e: {  	s7 =	smul.u32 @!p0 $0xF7A, s2;
	p2 =	seq.s32 @!p0 s5, $0x0  }
0x1f: {  	s9 =	smul.u32 $0xF7A, s1;
	s8 =	simm.s32 @!p0 $0x1BF5;
	p2 =	por !p2, p0  }
0x20: {  	[sflag:s8] =	ssyncset.s32 @!p0 $0xFFFFF086;
	s6 =	sadd.s32 @!p0 s3, s7;
	s7 =	simm.s32 @!p0 $0x108  }
0x21: {  	s3 =	sadd.s32 s3, s9;
	s6 =	sadd.s32 @!p0 $0x88, s6;
	s7 =	simm.s32 @p2 $0x1082  }
0x22: {  	[simem:s7], [sflag:s8] =	dma.local @!p0 [hbm:s6], $0xF7A  }
0x23: {  	s9 =	sor.u32 $0xD0000000, s2;
	s6 =	simm.s32 $0x108;
	_ =	swait.ge @!p0 [sflag:s8], $0x0  }
0x24: {  	s3 =	sadd.s32 $0x88, s3;
	s6 =	simm.s32 @!p1 $0x1082;
	[sflag:s4] =	ssyncset.s32 $0xFFFFF086  }
0x25: {  	[simem:s6], [sflag:s4] =	dma.local [hbm:s3], $0xF7A  }
0x26: {  	[smem:$0x3F97] =	sst s1;
	(tag) =	ssettag s2;
	_ =	strace s9  }
0x27: {  	s1 =	sld [smem:$0x3FA7]  }
0x28: {  	s2 =	sld [smem:$0x3FA8]  }
0x29: {  	s4 =	sld [smem:$0x3FAA]  }
0x2a: {  	p0 =	seq.s32 s5, $0x0;
	s5 =	sld [smem:$0x3FAB]  }
0x2b: {  	s6 =	sld [smem:$0x3FAC]  }
0x2c: {  	s7 =	sld [smem:$0x3FAD]  }
0x2d: {  	s3 =	simm.s32 $0x108;
	s8 =	sld [smem:$0x3FAE]  }
0x2e: {  	s3 =	simm.s32 @!p0 $0x1082;
	s9 =	sld [smem:$0x3FAF]  }
0x2f: {  	lr =	sadd.s32 s0, s3;
	s0 =	sld [smem:$0x3FA6]  }
0x30: {  	s3 =	sld [smem:$0x3FA9]  }
0x31: {  	[smem:$0x3FB2] =	sst s10  }
0x32: {  	s10 =	sld [smem:$0x3FB0];
	_ =	sdelay $0x3  }
0x33: {  	p0 =	seq.s32 s10, $0x1;
	s10 =	sld [smem:$0x3FB2];
	_ =	sdelay $0x3  }
0x34: {  	[smem:$0x3FB2] =	sst s10  }
0x35: {  	s10 =	sld [smem:$0x3FB1];
	_ =	sdelay $0x3  }
0x36: {  	p1 =	seq.s32 s10, $0x1;
	s10 =	sld [smem:$0x3FB2];
	_ =	sdelay $0x3  }
0x37: {  	[smem:$0x3FB2] =	sst s10  }
0x38: {  	s10 =	sld [smem:$0x3FB3]  }
0x39: {  	_ = 	snop;
	(pc) =	sbr.ind lr, $3  }
0x3a: {  	_ = 	snop  }
0x3b: {  	_ = 	snop  }
0x3c: {  	p2 =	seq.s32 s10, $0x1;
	s10 =	sld [smem:$0x3FB2]  }
0x3d: {  	_ =	shalt  }
0x3e: {  	_ =	shalt  }
0x3f: {  	_ =	shalt  }
0x40: {  	_ =	shalt  }
0x41: {  	_ =	shalt  }
0x42: {  	_ =	shalt  }
0x43: {  	_ =	shalt  }
0x44: {  	_ =	shalt  }
0x45: {  	_ =	shalt  }
0x46: {  	_ =	shalt  }
0x47: {  	_ =	shalt  }
0x48: {  	_ =	shalt  }
0x49: {  	_ =	shalt  }
0x4a: {  	_ =	shalt  }
0x4b: {  	_ =	shalt  }
0x4c: {  	_ =	shalt  }
0x4d: {  	_ =	shalt  }
0x4e: {  	_ =	shalt  }
0x4f: {  	_ =	shalt  }
0x50: {  	_ =	shalt  }
0x51: {  	_ =	shalt  }
0x52: {  	_ =	shalt  }
0x53: {  	_ =	shalt  }
0x54: {  	_ =	shalt  }
0x55: {  	_ =	shalt  }
0x56: {  	_ =	shalt  }
0x57: {  	_ =	shalt  }
0x58: {  	_ =	shalt  }
0x59: {  	_ =	shalt  }
0x5a: {  	_ =	shalt  }
0x5b: {  	_ =	shalt  }
0x5c: {  	_ =	shalt  }
0x5d: {  	_ =	shalt  }
0x5e: {  	_ =	shalt  }
0x5f: {  	_ =	shalt  }
0x60: {  	_ =	shalt  }
0x61: {  	_ =	shalt  }
0x62: {  	_ =	shalt  }
0x63: {  	_ =	shalt  }
0x64: {  	_ =	shalt  }
0x65: {  	_ =	shalt  }
0x66: {  	_ =	shalt  }
0x67: {  	_ =	shalt  }
0x68: {  	_ =	shalt  }
0x69: {  	_ =	shalt  }
0x6a: {  	_ =	shalt  }
0x6b: {  	_ =	shalt  }
0x6c: {  	_ =	shalt  }
0x6d: {  	_ =	shalt  }
0x6e: {  	_ =	shalt  }
0x6f: {  	_ =	shalt  }
0x70: {  	_ =	shalt  }
0x71: {  	_ =	shalt  }
0x72: {  	_ =	shalt  }
0x73: {  	_ =	shalt  }
0x74: {  	_ =	shalt  }
0x75: {  	_ =	shalt  }
0x76: {  	_ =	shalt  }
0x77: {  	_ =	shalt  }
0x78: {  	_ =	shalt  }
0x79: {  	_ =	shalt  }
0x7a: {  	_ =	shalt  }
0x7b: {  	_ =	shalt  }
0x7c: {  	_ =	shalt  }
0x7d: {  	_ =	shalt  }
0x7e: {  	_ =	shalt  }
0x7f: {  	_ =	shalt  }
0x80: {  	_ =	shalt  }
0x81: {  	_ =	shalt  }
0x82: {  	_ =	shalt  }
0x83: {  	_ =	shalt  }
0x84: {  	_ =	shalt  }
0x85: {  	_ =	shalt  }
0x86: {  	_ =	shalt  }
0x87: {  	_ =	shalt  }
.Lfunc_end0:
.L_simem_size_0:
called_computation_lowered:
.L_overlay_start_0:
0x88: {  	s2 =	sld [smem:$0x3FD9]  }
0x89: {  	s3 =	sld [smem:$0x3FFE];
	_ =	sdelay $0x1  }
0x8a: {  	s1 =	srdreg.scid  }
0x8b: {  	s0 =	sand.u32 $0x1, s1  }
0x8c: {  	s17 =	sshll.u32 s0, $0xA;
	s2 =	sadd.s32 s3, s2  }
0x8d: {  	s2 =	sadd.s32 s2, s17  }
0x8e: {  	[smem:$0x3FBE] =	sst s2  }
0x8f: {  	_ = 	snop  }
0x90: {  	s18 =	sld [smem:$0x3FD0];
	(tm) =	ssettm $0x1  }
0x91: {  	s19 =	sld [smem:$0x3FFB];
	_ =	sdelay $0x3  }
0x92: {  	_ =	strace s19  }
0x93: {  	s2 =	sld [smem:$0x3FFC];
	_ =	sdelay $0x3  }
0x94: {  	_ =	strace s2  }
0x95: {  	s2 =	sld [smem:$0x3FFD];
	_ =	sdelay $0x3  }
0x96: {  	_ =	strace s2  }
0x97: {  	_ =	strace $0x8FFFFFFF  }
0x98: {  	s20 =	sld [smem:$0x3FDB];
	_ =	sdelay $0x1  }
0x99: {  	s4 =	simm.s32 $_scs_section_size  }
0x9a: {  	s5 =	simm.s32 $_size__tile_overlayer_lowered;
	s6 =	simm.s32 $_tile_overlayer_lowered  }
0x9b: {  	s7 =	simm.s32 $0x1BFF;
	s21 =	sshll.u32 s6, $0x1;
	s4 =	sadd.s32 s4, s20  }
0x9c: {  	s22 =	simm.s32 $0x0;
	s5 =	sshll.u32 s5, $0x1;
	s6 =	sadd.s32 s21, s4  }
0x9d: {  	[timem:s22], [sflag:s7] =	dma.local [hbm:s6], s5  }
0x9e: {  	_ =	swait.ge [sflag:s7], s5  }
0x9f: {  	s5 =	ssub.s32 $0x0, s5;
	[sflag:s7] =	ssyncset.done $0x0  }
0xa0: {  	[sflag:s7] =	ssyncadd.s32 s5;
	_ =	sdelay $0x1  }
0xa1: {  	s23 =	simm.s32 $0x1B8B  }
0xa2: {  	_ =	swait.ge [sflag:s23], $0x1  }
0xa3: {  	[sflag:s23] =	ssyncset.done $0x0  }
0xa4: {  	[sflag:s23] =	ssyncadd.s32 $0xFFFFFFFF  }
0xa5: {  	s5 =	sld [smem:$0x0]  }
0xa6: {  	s6 =	sand.u32 $0xFFFFFFFE, s1  }
0xa7: {  	p0 =	sne.s32 s1, s6  }
0xa8: {  	s6 =	sshll.u32 @p0 s6, $0xE  }
0xa9: {  	s6 =	sadd.s32 @p0 $0x11B8D, s6;
	s7 =	sshll.u32 @p0 s5, $0x11  }
0xaa: {  	s6 =	sor.u32 @p0 s7, s6  }
0xab: {  	[sflag:s6] =	ssyncadd.remote.s32 @p0 $0x1;
	_ =	sdelay $0x1  }
0xac: {  	s6 =	simm.s32 @p0 $0x1B8D  }
0xad: {  	_ =	swait.eq @p0 [sflag:s6], $0x1  }
0xae: {  	[sflag:s6] =	ssyncadd.s32 @p0 $0xFFFFFFFF  }
0xaf: {  	s7 =	sshll.u32 @!p0 s1, $0xE  }
0xb0: {  	s7 =	sor.u32 @!p0 $0x4000, s7;
	s6 =	simm.s32 @!p0 $0x1B8D  }
0xb1: {  	s5 =	sshll.u32 @!p0 s5, $0x11;
	s7 =	sadd.s32 @!p0 $0x11B8D, s7;
	_ =	swait.eq @!p0 [sflag:s6], $0x1  }
0xb2: {  	s5 =	sor.u32 @!p0 s5, s7;
	[sflag:s6] =	ssyncadd.s32 @!p0 $0xFFFFFFFF  }
0xb3: {  	s25 =	simm.s32 $0x1B8E;
	s24 =	sld [smem:$0x3FFE];
	[sflag:s5] =	ssyncadd.remote.s32 @!p0 $0x1  }
0xb4: {  	s26 =	simm.s32 $execute0_lowered;
	[smem:$0x3FD2] =	sst s25  }
0xb5: {  	s6 =	sshll.u32 s26, $0x1;
	_ =	strace $0x80000049;
	[dreg:$0x1] =	wrdreg $0xFFFFFFFF  }
0xb6: {  	s28 =	simm.s32 $_size_execute0_lowered;
	s4 =	sadd.s32 s4, s6;
	[dreg:$0x0] =	wrdreg $0x0  }
0xb7: {  	s6 =	sshll.u32 s28, $0x1;
	[dreg:$0x2] =	wrdreg s4  }
0xb8: {  	[dreg:$0x3] =	wrdreg s6  }
0xb9: {  	[dreg:$0x4] =	wrdreg $0xC0  }
0xba: {  	_ =	task [dreg:s22], $0x5FFFF  }
0xbb: {  	[dreg:$0x1] =	wrdreg $0xFFFFFFFF  }
0xbc: {  	[dreg:$0x0] =	wrdreg $0x60  }
0xbd: {  	[dreg:$0x2] =	wrdreg s18  }
0xbe: {  	[dreg:$0x3] =	wrdreg s24  }
0xbf: {  	[dreg:$0x4] =	wrdreg $0x41000  }
0xc0: {  	[dreg:$0x5] =	wrdreg $0x9  }
0xc1: {  	_ =	task.clear_ibuf [dreg:s22], $0x6FFFF;
	_ =	strace $0x90000049  }
0xc2: {  	s29 =	simm.s32 $0x9;
	_ =	strace $0x8000004B  }
0xc3: {  	_ =	swait.ge [sflag:s29], $0x1  }
0xc4: {  	[sflag:s29] =	ssyncadd.s32 $0xFFFFFFFF  }
0xc5: {  	_ =	strace $0x9000004B  }
0xc6: {  	_ =	sfence  }
0xc7: {  	s30 =	sld [smem:$0x0];
	_ =	sdelay $0x2  }
0xc8: {  	s31 =	sshll.u32 s1, $0xD;
	s1 =	sshrl.u32 s1, $0x2  }
0xc9: {  	s4 =	sand.u32 $0x4000, s31;
	s1 =	sadd.s32 s1, s30  }
0xca: {  	s0 =	sor.u32 s4, s0;
	s1 =	sshll.u32 s1, $0x11  }
0xcb: {  	s0 =	sor.u32 s1, s0  }
0xcc: {  	s0 =	sadd.s32 $0x8F2B, s0  }
0xcd: {  	[sflag:s0] =	ssyncadd.remote.s32 $0x1  }
0xce: {  	_ =	sfence.sel $0xFFFF  }
0xcf: {  	[dreg:$0x0] =	wrdreg $0xFFFFFFFF;
	(pc) =	sbr.abs _section_cstart, $3  }
0xd0: {  	[dreg:$0x1] =	wrdreg $0xFFFFFFFF  }
0xd1: {  	_ =	task.clear_ibuf [dreg:s22], $0x2FFFF;
	_ =	strace $0x9FFFFFFF  }
0xd2: {  	(tm) =	ssettm $0x7FFFFFFF  }
0xd3: {  	_ =	shalt  }
tec
execute0_lowered:
.L_overlay_start_1:
0x0: {  	(tag) =	ssettag $0x1  }
0x1: {  	s1 =	rddreg [dreg:$0x0]  }
0x2: {  	s5 =	rddreg [dreg:$0x1];
	s0 =	stileid.u32  }
0x3: {  	s2 =	srdreg.scid;
	s6 =	smul.u32 $0x14000, s0  }
0x4: {  	s3 =	rddreg [dreg:$0x2];
	s4 =	simm.s32 $0x0;
	s11 =	smul.u32 $0x50000, s0  }
0x5: {  	s16 =	simm.s32 $0x100;
	s17 =	simm.s32 $0x2;
	s15 =	smul.u32 $0xFFFFFF62, s0  }
0x6: {  	s8 =	sand.u32 $0x1, s2;
	s2 =	rddreg [dreg:$0x3];
	s30 =	smul.u32 $0x9E, s0  }
0x7: {  	[smem:$0x7FF] =	sst s4;
	s23 =	sshll.u32 s0, $0x1;
	s7 =	smul.u32 $0x140000, s8  }
0x8: {  	s28 =	sshll.u32 s0, $0x6;
	_ =	strace $0x8000004A;
	s26 =	smul.u32 $0xFFFFFFB1, s8  }
0x9: {  	s10 =	ssub.s32 $0x2, s8;
	s31 =	smul.u32 $0x4F, s8;
	s9 =	sshrl.u32 s6, $0x3  }
0xa: {  	s24 =	sshrl.u32 s10, $0x1;
	s25 =	sshrl.u32 s11, $0x2;
	s6 =	sadd.s32 s6, s7  }
0xb: {  	s22 =	sadd.s32 s9, s5;
	s9 =	sor.u32 s8, s23;
	s10 =	ssub.s32 s10, s24  }
0xc: {  	s14 =	sadd.s32 s25, s3;
	s11 =	sadd.s32 s15, s26;
	s13 =	smul.u32 $0x4F, s9  }
0xd: {  	s15 =	simm.s32 $0x1;
	s6 =	sshrl.u32 s6, $0x3;
	s9 =	smul.u32 $0x4F0, s9  }
0xe: {  	s11 =	sadd.s32 $0x9C4, s11;
	s12 =	sadd.s32 s6, s5;
	s5 =	sadd.s32 $0xC200, s22  }
0xf: {  	s6 =	sor.u32 $0x1C03, s28;
	s11 =	smin.u32 s11, $0x4F;
	s29 =	ssub.s32 $0x9C4, s13  }
0x10: {  	s8 =	sadd.s32 $0x82400, s12;
	s12 =	sshrl.u32 s14, $0x3;
	s7 =	smin.u32 s29, $0x4F  }
0x11: {  	s13 =	simm.s32 $0x3;
	s14 =	simm.s32 $0x80;
	s18 =	sand.u32 $0x1, s7  }
0x12: {  	s7 =	sadd.s32 s1, s9;
	s9 =	smax.u32 s10, $0x1;
	s10 =	sand.u32 $0x7E, s11  }
0x13: {  	v0 =	vimm.f32 $1.000000000e+00;
	s11 =	sadd.s32 s31, s30;
	p0 =	seq.s32 s18, $0x0;
	s18 =	simm.s32 $0x0  }
.LBB2_1:
0x14: {  	[spmem:s12], [sflag:s6] =	dma.local [hbm:s5], $0x2800  }
0x15: {  	_ =	swait.ge [sflag:s13], $0x2800  }
0x16: {  	[sflag:s13] =	ssyncset.done $0x0  }
0x17: {  	s19 =	simm.s32 $0x0;
	s20 =	simm.s32 $0x200;
	[sflag:s13] =	ssyncadd.s32 $0xFFFFD800  }
.LBB2_2:
0x18: {  	p1 =	sne.s32 s20, $0xFE00;
	[tilespmem:s19+$0x170] =	vst v0  }
0x19: {  	[tilespmem:s19+$0x100] =	vst v0  }
0x1a: {  	[tilespmem:s19+$0x110] =	vst v0  }
.Ltmp0:
0x1b: {  	[tilespmem:s19+$0x120] =	vst v0;
	(pc) =	sbr.rel @p1 .LBB2_2-.Ltmp0, $4  }
0x1c: {  	[tilespmem:s19+$0x130] =	vst v0  }
0x1d: {  	[tilespmem:s19+$0x140] =	vst v0  }
0x1e: {  	[tilespmem:s19+$0x150] =	vst v0  }
0x1f: {  	[tilespmem:s19+$0x160] =	vst v0;
	s19 =	sshra.s32 s20, $0x2;
	s20 =	sadd.s32 $0x200, s20  }
0x20: {  	[tilespmem:s19+$0x170] =	vst v0  }
0x21: {  	[tilespmem:s19+$0x100] =	vst v0  }
0x22: {  	[tilespmem:s19+$0x110] =	vst v0  }
0x23: {  	[tilespmem:s19+$0x120] =	vst v0  }
0x24: {  	[tilespmem:s19+$0x130] =	vst v0  }
0x25: {  	[tilespmem:s19+$0x140] =	vst v0  }
0x26: {  	[tilespmem:s19+$0x150] =	vst v0;
	p2 =	sne.s32 s10, $0x2  }
.Ltmp1:
0x27: {  	[tilespmem:s19+$0x160] =	vst v0;
	p1 =	slt.s32 s11, $0x9C2;
	s19 =	smov.u32 s11;
	(pc) =	sbr.rel @!p2 .LBB2_4-.Ltmp1, $4  }
0x28: {  	[bflag:$0x0] =	sbarrier.arrive $0xFFFF;
	s19 =	simm.s32 @!p1 $0x9C2  }
0x29: {  	[tilespmem:s4], [sflag:$0x1] =	stream.linear.gather [hbm4b:s7+s4], $0x80, $0x38;
	[tilespmem:$0x18100] =	vst v63  }
0x2a: {  	s19 =	sshll.u32 s19, $0x4  }
0x2b: {  	s20 =	sadd.s32 $0xFFFFFFFE, s10;
	p1 =	por $0x0, $0x0;
	s21 =	sadd.s32 $0x10, s19  }
0x2c: {  	s19 =	sand.u32 $0x1FFFFFF0, s21  }
0x2d: {  	s19 =	sadd.s32 s1, s19  }
0x2e: {  	[tilespmem:s14], [sflag:$0x2] =	stream.linear.gather [hbm4b:s19+s4], $0x80, $0x38;
	[tilespmem:$0x18100] =	vst v63  }
0x2f: {  	p1 =	slt.s32 s11, $0x9C1;
	s19 =	smov.u32 s11  }
0x30: {  	_ =	swait.ge [sflag:s15], $0x80;
	s19 =	simm.s32 @!p1 $0x9C1  }
0x31: {  	p2 =	sne.s32 s20, $0x2;
	[sflag:s15] =	ssyncset.done $0x0;
	s19 =	sshll.u32 s19, $0x4  }
0x32: {  	[sflag:s15] =	ssyncadd.s32 $0xFFFFFF80;
	s30 =	sadd.s32 $0x20, s19;
	s19 =	sadd.s32 $0x2, s11  }
0x33: {  	[spmem:s3] =	stream.indirect.scatter.add.f32 [tilespmem:s16], [sflag:$0x3], $0x80, s4, s14, $0xb8;
	[tilespmem:$0x18100] =	vst v63  }
0x34: {  	p1 =	slt.s32 s19, $0x9C2;
	s21 =	sand.u32 $0x1FFFFFF0, s30;
	_ =	swait.ge [sflag:s13], $0x4000  }
.Ltmp2:
0x35: {  	s22 =	smov.u32 s19;
	[sflag:s13] =	ssyncset.done $0x0;
	(pc) =	sbr.rel @!p2 .LBB2_7-.Ltmp2, $4  }
0x36: {  	s22 =	simm.s32 @!p1 $0x9C2;
	s21 =	sadd.s32 s1, s21;
	[sflag:s13] =	ssyncadd.s32 $0xFFFFC000  }
0x37: {  	[tilespmem:s4], [sflag:$0x1] =	stream.linear.gather [hbm4b:s21+s4], $0x80, $0x38;
	[tilespmem:$0x18100] =	vst v63  }
0x38: {  	s20 =	sadd.s32 $0xFFFFFFFE, s20;
	s31 =	sshll.u32 s22, $0x4;
	_ =	swait.ge [sflag:s17], $0x80  }
0x39: {  	p1 =	por $0x1, $0x1;
	s21 =	sadd.s32 $0x10, s31;
	[sflag:s17] =	ssyncset.done $0x0  }
.LBB2_6:
0x3a: {  	p2 =	sne.s32 s20, $0x2;
	s21 =	sand.u32 $0x1FFFFFF0, s21;
	[sflag:s17] =	ssyncadd.s32 $0xFFFFFF80  }
0x3b: {  	[spmem:s3] =	stream.indirect.scatter.add.f32 [tilespmem:s16], [sflag:$0x3], $0x80, s14, s14, $0xb8;
	[tilespmem:$0x18100] =	vst v63  }
0x3c: {  	s20 =	sadd.s32 $0xFFFFFFFE, s20;
	_ =	swait.ge [sflag:s13], $0x4000  }
0x3d: {  	[sflag:s13] =	ssyncset.done $0x0  }
0x3e: {  	s21 =	sadd.s32 s1, s21;
	[sflag:s13] =	ssyncadd.s32 $0xFFFFC000  }
0x3f: {  	[tilespmem:s14], [sflag:$0x2] =	stream.linear.gather [hbm4b:s21+s4], $0x80, $0x38;
	[tilespmem:$0x18100] =	vst v63  }
0x40: {  	_ =	swait.ge [sflag:s15], $0x80  }
0x41: {  	p3 =	slt.s32 s19, $0x9C1;
	s21 =	smov.u32 s19;
	[sflag:s15] =	ssyncset.done $0x0  }
0x42: {  	s19 =	sadd.s32 $0x2, s19;
	s21 =	simm.s32 @!p3 $0x9C1;
	[sflag:s15] =	ssyncadd.s32 $0xFFFFFF80  }
0x43: {  	[spmem:s3] =	stream.indirect.scatter.add.f32 [tilespmem:s16], [sflag:$0x3], $0x80, s4, s14, $0xb8;
	[tilespmem:$0x18100] =	vst v63  }
0x44: {  	p3 =	slt.s32 s19, $0x9C2;
	s21 =	sshll.u32 s21, $0x4;
	_ =	swait.ge [sflag:s13], $0x4000  }
0x45: {  	s22 =	smov.u32 s19;
	s21 =	sadd.s32 $0x20, s21;
	[sflag:s13] =	ssyncset.done $0x0  }
.Ltmp3:
0x46: {  	s21 =	sand.u32 $0x1FFFFFF0, s21;
	[sflag:s13] =	ssyncadd.s32 $0xFFFFC000;
	(pc) =	sbr.rel @p2 .LBB2_6-.Ltmp3, $4  }
0x47: {  	s22 =	simm.s32 @!p3 $0x9C2;
	s21 =	sadd.s32 s1, s21  }
0x48: {  	[tilespmem:s4], [sflag:$0x1] =	stream.linear.gather [hbm4b:s21+s4], $0x80, $0x38;
	[tilespmem:$0x18100] =	vst v63  }
0x49: {  	s21 =	sshll.u32 s22, $0x4;
	_ =	swait.ge [sflag:s17], $0x80  }
0x4a: {  	s21 =	sadd.s32 $0x10, s21;
	[sflag:s17] =	ssyncset.done $0x0  }
.LBB2_7:
0x4b: {  	[sflag:s17] =	ssyncadd.s32 @p1 $0xFFFFFF80  }
0x4c: {  	[spmem:s3] =	stream.indirect.scatter.add.f32 @p1 [tilespmem:s16], [sflag:$0x3], $0x80, s14, s14, $0xb8;
	[tilespmem:$0x18100] =	vst v63  }
0x4d: {  	_ =	swait.ge @p1 [sflag:s13], $0x4000  }
0x4e: {  	s20 =	sand.u32 $0x1FFFFFF0, s21;
	[sflag:s13] =	ssyncset.done @p1 $0x0  }
0x4f: {  	s20 =	sadd.s32 s1, s20;
	[sflag:s13] =	ssyncadd.s32 @p1 $0xFFFFC000  }
0x50: {  	[tilespmem:s14], [sflag:$0x2] =	stream.linear.gather [hbm4b:s20+s4], $0x80, $0x38;
	[tilespmem:$0x18100] =	vst v63  }
0x51: {  	p1 =	slt.s32 s19, $0x9C1;
	_ =	swait.ge [sflag:s15], $0x80  }
0x52: {  	s19 =	simm.s32 @!p1 $0x9C1;
	[sflag:s15] =	ssyncset.done $0x0  }
0x53: {  	s19 =	sshll.u32 s19, $0x4;
	[sflag:s15] =	ssyncadd.s32 $0xFFFFFF80  }
0x54: {  	[spmem:s3] =	stream.indirect.scatter.add.f32 [tilespmem:s16], [sflag:$0x3], $0x80, s4, s14, $0xb8;
	[tilespmem:$0x18100] =	vst v63  }
0x55: {  	s19 =	sadd.s32 $0x20, s19;
	_ =	swait.ge [sflag:s13], $0x4000  }
0x56: {  	s19 =	sand.u32 $0x1FFFFFF0, s19;
	[sflag:s13] =	ssyncset.done $0x0  }
0x57: {  	s19 =	sadd.s32 s1, s19;
	[sflag:s13] =	ssyncadd.s32 $0xFFFFC000  }
0x58: {  	[tilespmem:s4], [sflag:$0x1] =	stream.linear.gather [hbm4b:s19+s4], $0x80, $0x38;
	[tilespmem:$0x18100] =	vst v63  }
0x59: {  	_ =	swait.ge [sflag:s17], $0x80  }
0x5a: {  	[sflag:s17] =	ssyncset.done $0x0  }
0x5b: {  	[sflag:s17] =	ssyncadd.s32 $0xFFFFFF80  }
0x5c: {  	[spmem:s3] =	stream.indirect.scatter.add.f32 [tilespmem:s16], [sflag:$0x3], $0x80, s14, s14, $0xb8;
	[tilespmem:$0x18100] =	vst v63  }
0x5d: {  	_ =	swait.ge [sflag:s13], $0x4000  }
0x5e: {  	[sflag:s13] =	ssyncset.done $0x0  }
0x5f: {  	[sflag:s13] =	ssyncadd.s32 $0xFFFFC000  }
0x60: {  	_ =	swait.ge [sflag:s15], $0x80  }
0x61: {  	s21 =	simm.s32 @!p0 $0x100;
	[sflag:s15] =	ssyncset.done $0x0  }
0x62: {  	s20 =	simm.s32 @!p0 $0x0;
	s19 =	simm.s32 @!p0 $0x80;
	[sflag:s15] =	ssyncadd.s32 $0xFFFFFF80  }
0x63: {  	[spmem:s3] =	stream.indirect.scatter.add.f32 @!p0 [tilespmem:s21], [sflag:$0x3], $0x80, s20, s19, $0xb8;
	[tilespmem:$0x18100] =	vst v63  }
0x64: {  	s19 =	simm.s32 @!p0 $0x3  }
0x65: {  	_ =	swait.ge @!p0 [sflag:s19], $0x4000  }
0x66: {  	[sflag:s19] =	ssyncset.done @!p0 $0x0  }
0x67: {  	s18 =	sadd.s32 $0x1, s18;
	[sflag:s19] =	ssyncadd.s32 @!p0 $0xFFFFC000  }
0x68: {  	p1 =	sne.s32 s18, s9;
	[bflag:$0x0] =	sbarrier.arrive $0xFFFF  }
0x69: {  	[hbm:s8], [sflag:s6] =	dma.local [spmem:s12], $0x2800  }
.Ltmp4:
0x6a: {  	_ = 	snop;
	(pc) =	sbr.rel @p1 .LBB2_1-.Ltmp4, $4  }
.Ltmp5:
0x6b: {  	_ = 	snop;
	(pc) =	sbr.rel @!p1 .LBB2_8-.Ltmp5, $4  }
0x6c: {  	_ =	swait.ge [sflag:s13], $0x2800  }
0x6d: {  	[sflag:s13] =	ssyncset.done $0x0  }
0x6e: {  	[sflag:s13] =	ssyncadd.s32 $0xFFFFD800  }
0x6f: {  	_ = 	snop  }
.LBB2_4:
.Ltmp6:
0x70: {  	(pc) =	sbr.rel .LBB2_7-.Ltmp6, $2  }
0x71: {  	_ =	sdelay $0x2  }
0x72: {  	s19 =	smov.u32 s11  }
.LBB2_8:
0x73: {  	_ =	sfence.sel $0x180000  }
0x74: {  	[bflag:$0x0] =	sbarrier.arrive $0xFFFF  }
0x75: {  	p0 =	sne.s32 s0, $0x0;
	_ =	strace $0x9000004A  }
0x76: {  	s0 =	sadd.s32 @!p0 $0x100000, s2;
	[bflag:$0x2] =	sbarrier.arrive $0xFFFF  }
0x77: {  	[sflag:s0] =	ssyncadd.tile.s32 @!p0 $0x1;
	_ =	shalt  }
.Lfunc_end2:
_tile_overlayer_lowered:
.L_overlay_start_2:
0x78: {  	(tag) =	ssettag $0x2  }
0x79: {  	s0 =	rddreg [dreg:$0x0];
	s2 =	stileid.u32  }
0x7a: {  	s1 =	rddreg [dreg:$0x1];
	p0 =	sne.s32 s2, $0x0  }
0x7b: {  	s3 =	rddreg [dreg:$0x2];
	[bflag:$0x3] =	sbarrier.arrive $0xFFFF;
	s2 =	simm.s32 @!p0 $0x1C03  }
0x7c: {  	[timem:s3], [sflag:s2] =	dma.local @!p0 [hbm:s0], s1  }
0x7d: {  	s0 =	simm.s32 @!p0 $0x3  }
0x7e: {  	_ =	swait.ge @!p0 [sflag:s0], s1  }
0x7f: {  	s1 =	ssub.s32 @!p0 $0x0, s1;
	[sflag:s0] =	ssyncset.done @!p0 $0x0  }
0x80: {  	[sflag:s0] =	ssyncadd.s32 @!p0 s1  }
0x81: {  	[bflag:$0x3] =	sbarrier.arrive $0xFFFF  }
0x82: {  	_ =	shalt  }

// kernel: sc_mean_agg.4.cloned.1.call-start
scs
__scs_entry_jumppad:
0x0: {  	(pc) =	sbr.rel $0x88, $3  }
0x1: {  	(tag) =	ssettag $0x0;
	lr =	simm.s32 $0x1  }
0x2: {  	[smem:$0x3F97] =	sst lr;
	_ =	strace $0xD0000000  }
0x3: {  	_ = 	snop  }
0x4: {  	_ = 	snop  }
0x5: {  	_ = 	snop  }
0x6: {  	_ = 	snop  }
0x7: {  	_ = 	snop  }
__scs_overlays_trampoline_lowered:
0x8: {  	[smem:$0x3FA6] =	sst s0  }
0x9: {  	[smem:$0x3FA7] =	sst s1  }
0xa: {  	[smem:$0x3FA8] =	sst s2  }
0xb: {  	[smem:$0x3FA9] =	sst s3  }
0xc: {  	[smem:$0x3FAA] =	sst s4  }
0xd: {  	[smem:$0x3FAB] =	sst s5  }
0xe: {  	[smem:$0x3FAC] =	sst s6  }
0xf: {  	[smem:$0x3FAD] =	sst s7  }
0x10: {  	[smem:$0x3FAE] =	sst s8  }
0x11: {  	[smem:$0x3FAF] =	sst s9;
	s0 =	simm.s32 @!p0 $0x0  }
0x12: {  	s1 =	sld [smem:$0x3F95];
	s0 =	simm.s32 @p0 $0x1  }
0x13: {  	[smem:$0x3FB0] =	sst s0;
	s0 =	simm.s32 @!p1 $0x0  }
0x14: {  	s2 =	sld [smem:$0x3F94];
	s0 =	simm.s32 @p1 $0x1  }
0x15: {  	[smem:$0x3FB1] =	sst s0;
	s0 =	simm.s32 @!p2 $0x0  }
0x16: {  	s3 =	sld [smem:$0x3FDB];
	s0 =	simm.s32 @p2 $0x1  }
0x17: {  	s4 =	simm.s32 $0x1BF5;
	[smem:$0x3FB3] =	sst s0  }
0x18: {  	s0 =	sld [smem:$0x3F96];
	_ =	swait.ge [sflag:s4], $0x0  }
0x19: {  	s7 =	sld [smem:$0x3F97]  }
0x1a: {  	s8 =	sadd.s32 $0xFFFFE003, lr  }
0x1b: {  	s9 =	sadd.s32 $0xFFFFFEF7, lr;
	s5 =	simm.s32 $0xFFFFFFFF;
	p2 =	slt.u32 s8, $0xFFFFF086  }
0x1c: {  	p1 =	slt.u32 s9, $0xF7A;
	s5 =	simm.s32 @!p2 $0x0  }
0x1d: {  	s5 =	simm.s32 @p1 $0x1;
	p0 =	seq.s32 s7, s2  }
0x1e: {  	s7 =	smul.u32 @!p0 $0xF7A, s2;
	p2 =	seq.s32 @!p0 s5, $0x0  }
0x1f: {  	s9 =	smul.u32 $0xF7A, s1;
	s8 =	simm.s32 @!p0 $0x1BF5;
	p2 =	por !p2, p0  }
0x20: {  	[sflag:s8] =	ssyncset.s32 @!p0 $0xFFFFF086;
	s6 =	sadd.s32 @!p0 s3, s7;
	s7 =	simm.s32 @!p0 $0x108  }
0x21: {  	s3 =	sadd.s32 s3, s9;
	s6 =	sadd.s32 @!p0 $0x88, s6;
	s7 =	simm.s32 @p2 $0x1082  }
0x22: {  	[simem:s7], [sflag:s8] =	dma.local @!p0 [hbm:s6], $0xF7A  }
0x23: {  	s9 =	sor.u32 $0xD0000000, s2;
	s6 =	simm.s32 $0x108;
	_ =	swait.ge @!p0 [sflag:s8], $0x0  }
0x24: {  	s3 =	sadd.s32 $0x88, s3;
	s6 =	simm.s32 @!p1 $0x1082;
	[sflag:s4] =	ssyncset.s32 $0xFFFFF086  }
0x25: {  	[simem:s6], [sflag:s4] =	dma.local [hbm:s3], $0xF7A  }
0x26: {  	[smem:$0x3F97] =	sst s1;
	(tag) =	ssettag s2;
	_ =	strace s9  }
0x27: {  	s1 =	sld [smem:$0x3FA7]  }
0x28: {  	s2 =	sld [smem:$0x3FA8]  }
0x29: {  	s4 =	sld [smem:$0x3FAA]  }
0x2a: {  	p0 =	seq.s32 s5, $0x0;
	s5 =	sld [smem:$0x3FAB]  }
0x2b: {  	s6 =	sld [smem:$0x3FAC]  }
0x2c: {  	s7 =	sld [smem:$0x3FAD]  }
0x2d: {  	s3 =	simm.s32 $0x108;
	s8 =	sld [smem:$0x3FAE]  }
0x2e: {  	s3 =	simm.s32 @!p0 $0x1082;
	s9 =	sld [smem:$0x3FAF]  }
0x2f: {  	lr =	sadd.s32 s0, s3;
	s0 =	sld [smem:$0x3FA6]  }
0x30: {  	s3 =	sld [smem:$0x3FA9]  }
0x31: {  	[smem:$0x3FB2] =	sst s10  }
0x32: {  	s10 =	sld [smem:$0x3FB0];
	_ =	sdelay $0x3  }
0x33: {  	p0 =	seq.s32 s10, $0x1;
	s10 =	sld [smem:$0x3FB2];
	_ =	sdelay $0x3  }
0x34: {  	[smem:$0x3FB2] =	sst s10  }
0x35: {  	s10 =	sld [smem:$0x3FB1];
	_ =	sdelay $0x3  }
0x36: {  	p1 =	seq.s32 s10, $0x1;
	s10 =	sld [smem:$0x3FB2];
	_ =	sdelay $0x3  }
0x37: {  	[smem:$0x3FB2] =	sst s10  }
0x38: {  	s10 =	sld [smem:$0x3FB3]  }
0x39: {  	_ = 	snop;
	(pc) =	sbr.ind lr, $3  }
0x3a: {  	_ = 	snop  }
0x3b: {  	_ = 	snop  }
0x3c: {  	p2 =	seq.s32 s10, $0x1;
	s10 =	sld [smem:$0x3FB2]  }
0x3d: {  	_ =	shalt  }
0x3e: {  	_ =	shalt  }
0x3f: {  	_ =	shalt  }
0x40: {  	_ =	shalt  }
0x41: {  	_ =	shalt  }
0x42: {  	_ =	shalt  }
0x43: {  	_ =	shalt  }
0x44: {  	_ =	shalt  }
0x45: {  	_ =	shalt  }
0x46: {  	_ =	shalt  }
0x47: {  	_ =	shalt  }
0x48: {  	_ =	shalt  }
0x49: {  	_ =	shalt  }
0x4a: {  	_ =	shalt  }
0x4b: {  	_ =	shalt  }
0x4c: {  	_ =	shalt  }
0x4d: {  	_ =	shalt  }
0x4e: {  	_ =	shalt  }
0x4f: {  	_ =	shalt  }
0x50: {  	_ =	shalt  }
0x51: {  	_ =	shalt  }
0x52: {  	_ =	shalt  }
0x53: {  	_ =	shalt  }
0x54: {  	_ =	shalt  }
0x55: {  	_ =	shalt  }
0x56: {  	_ =	shalt  }
0x57: {  	_ =	shalt  }
0x58: {  	_ =	shalt  }
0x59: {  	_ =	shalt  }
0x5a: {  	_ =	shalt  }
0x5b: {  	_ =	shalt  }
0x5c: {  	_ =	shalt  }
0x5d: {  	_ =	shalt  }
0x5e: {  	_ =	shalt  }
0x5f: {  	_ =	shalt  }
0x60: {  	_ =	shalt  }
0x61: {  	_ =	shalt  }
0x62: {  	_ =	shalt  }
0x63: {  	_ =	shalt  }
0x64: {  	_ =	shalt  }
0x65: {  	_ =	shalt  }
0x66: {  	_ =	shalt  }
0x67: {  	_ =	shalt  }
0x68: {  	_ =	shalt  }
0x69: {  	_ =	shalt  }
0x6a: {  	_ =	shalt  }
0x6b: {  	_ =	shalt  }
0x6c: {  	_ =	shalt  }
0x6d: {  	_ =	shalt  }
0x6e: {  	_ =	shalt  }
0x6f: {  	_ =	shalt  }
0x70: {  	_ =	shalt  }
0x71: {  	_ =	shalt  }
0x72: {  	_ =	shalt  }
0x73: {  	_ =	shalt  }
0x74: {  	_ =	shalt  }
0x75: {  	_ =	shalt  }
0x76: {  	_ =	shalt  }
0x77: {  	_ =	shalt  }
0x78: {  	_ =	shalt  }
0x79: {  	_ =	shalt  }
0x7a: {  	_ =	shalt  }
0x7b: {  	_ =	shalt  }
0x7c: {  	_ =	shalt  }
0x7d: {  	_ =	shalt  }
0x7e: {  	_ =	shalt  }
0x7f: {  	_ =	shalt  }
0x80: {  	_ =	shalt  }
0x81: {  	_ =	shalt  }
0x82: {  	_ =	shalt  }
0x83: {  	_ =	shalt  }
0x84: {  	_ =	shalt  }
0x85: {  	_ =	shalt  }
0x86: {  	_ =	shalt  }
0x87: {  	_ =	shalt  }
.Lfunc_end0:
.L_simem_size_0:
called_computation.1_lowered:
.L_overlay_start_0:
0x88: {  	s2 =	sld [smem:$0x3FD9]  }
0x89: {  	s3 =	sld [smem:$0x3FFE];
	_ =	sdelay $0x1  }
0x8a: {  	s1 =	srdreg.scid  }
0x8b: {  	s0 =	sand.u32 $0x1, s1  }
0x8c: {  	s17 =	sshll.u32 s0, $0xA;
	s2 =	sadd.s32 s3, s2  }
0x8d: {  	s2 =	sadd.s32 s2, s17  }
0x8e: {  	[smem:$0x3FBE] =	sst s2  }
0x8f: {  	_ = 	snop  }
0x90: {  	s2 =	sld [smem:$0x3FC9]  }
0x91: {  	s18 =	sld [smem:$0x3FD0];
	(tm) =	ssettm $0x1  }
0x92: {  	s4 =	sld [smem:$0x3FFB];
	_ =	sdelay $0x3  }
0x93: {  	_ =	strace s4  }
0x94: {  	s4 =	sld [smem:$0x3FFC];
	_ =	sdelay $0x3  }
0x95: {  	_ =	strace s4  }
0x96: {  	s4 =	sld [smem:$0x3FFD];
	_ =	sdelay $0x3  }
0x97: {  	_ =	strace s4  }
0x98: {  	_ =	strace $0x8FFFFFFF  }
0x99: {  	s19 =	sld [smem:$0x3FDB];
	_ =	sdelay $0x1  }
0x9a: {  	s5 =	simm.s32 $_scs_section_size  }
0x9b: {  	s6 =	simm.s32 $_size__tile_overlayer_lowered;
	s7 =	simm.s32 $_tile_overlayer_lowered  }
0x9c: {  	s22 =	simm.s32 $0x1BFF;
	s21 =	sshll.u32 s7, $0x1;
	s4 =	sadd.s32 s5, s19  }
0x9d: {  	s8 =	simm.s32 $0x0;
	s20 =	sshll.u32 s6, $0x1;
	s6 =	sadd.s32 s21, s4  }
0x9e: {  	[timem:s8], [sflag:s22] =	dma.local [hbm:s6], s20  }
0x9f: {  	_ =	swait.ge [sflag:s22], s20  }
0xa0: {  	s5 =	ssub.s32 $0x0, s20;
	[sflag:s22] =	ssyncset.done $0x0  }
0xa1: {  	[sflag:s22] =	ssyncadd.s32 s5;
	_ =	sdelay $0x1  }
0xa2: {  	s23 =	simm.s32 $0x1B8B  }
0xa3: {  	_ =	swait.ge [sflag:s23], $0x1  }
0xa4: {  	[sflag:s23] =	ssyncset.done $0x0  }
0xa5: {  	s25 =	simm.s32 $0x1B8E;
	s24 =	sld [smem:$0x3FFE];
	[sflag:s23] =	ssyncadd.s32 $0xFFFFFFFF  }
0xa6: {  	s26 =	simm.s32 $execute0_lowered;
	[smem:$0x3FD2] =	sst s25  }
0xa7: {  	s6 =	sshll.u32 s26, $0x1;
	_ =	strace $0x80000046;
	[dreg:$0x1] =	wrdreg $0xFFFFFFFF  }
0xa8: {  	s28 =	simm.s32 $_size_execute0_lowered;
	s4 =	sadd.s32 s4, s6;
	[dreg:$0x0] =	wrdreg $0x0  }
0xa9: {  	s6 =	sshll.u32 s28, $0x1;
	[dreg:$0x2] =	wrdreg s4  }
0xaa: {  	[dreg:$0x3] =	wrdreg s6  }
0xab: {  	[dreg:$0x4] =	wrdreg $0xC0  }
0xac: {  	_ =	task [dreg:s8], $0x5FFFF  }
0xad: {  	[dreg:$0x1] =	wrdreg $0xFFFFFFFF  }
0xae: {  	[dreg:$0x0] =	wrdreg $0x60  }
0xaf: {  	[dreg:$0x2] =	wrdreg s2  }
0xb0: {  	[dreg:$0x3] =	wrdreg s24  }
0xb1: {  	[dreg:$0x4] =	wrdreg s18  }
0xb2: {  	[dreg:$0x5] =	wrdreg $0x43000  }
0xb3: {  	[dreg:$0x6] =	wrdreg $0xA  }
0xb4: {  	_ =	task.clear_ibuf [dreg:s8], $0x7FFFF;
	_ =	strace $0x90000046  }
0xb5: {  	s29 =	simm.s32 $0xA;
	_ =	strace $0x80000048  }
0xb6: {  	_ =	swait.ge [sflag:s29], $0x1  }
0xb7: {  	[sflag:s29] =	ssyncadd.s32 $0xFFFFFFFF  }
0xb8: {  	_ =	strace $0x90000048  }
0xb9: {  	_ =	sfence  }
0xba: {  	s30 =	sld [smem:$0x0];
	_ =	sdelay $0x2  }
0xbb: {  	s31 =	sshll.u32 s1, $0xD;
	s1 =	sshrl.u32 s1, $0x2  }
0xbc: {  	s3 =	sand.u32 $0x4000, s31;
	s1 =	sadd.s32 s1, s30  }
0xbd: {  	s0 =	sor.u32 s3, s0;
	s1 =	sshll.u32 s1, $0x11  }
0xbe: {  	s0 =	sor.u32 s1, s0  }
0xbf: {  	s0 =	sadd.s32 $0x8F2B, s0  }
0xc0: {  	[sflag:s0] =	ssyncadd.remote.s32 $0x1  }
0xc1: {  	_ =	sfence.sel $0xFFFF  }
0xc2: {  	[dreg:$0x0] =	wrdreg $0xFFFFFFFF;
	(pc) =	sbr.abs _section_cstart, $3  }
0xc3: {  	[dreg:$0x1] =	wrdreg $0xFFFFFFFF  }
0xc4: {  	_ =	task.clear_ibuf [dreg:s8], $0x2FFFF;
	_ =	strace $0x9FFFFFFF  }
0xc5: {  	(tm) =	ssettm $0x7FFFFFFF  }
tec
execute0_lowered:
.L_overlay_start_1:
0x0: {  	(tag) =	ssettag $0x1  }
0x1: {  	s1 =	rddreg [dreg:$0x0]  }
0x2: {  	s7 =	rddreg [dreg:$0x1]  }
0x3: {  	s3 =	rddreg [dreg:$0x2]  }
0x4: {  	s4 =	rddreg [dreg:$0x3];
	s0 =	stileid.u32  }
0x5: {  	s6 =	srdreg.scid;
	s8 =	smul.u32 $0x13800, s0  }
0x6: {  	s5 =	simm.s32 $0x0;
	s28 =	simm.s32 $0x2;
	s13 =	smul.u32 $0x4E000, s0  }
0x7: {  	s29 =	simm.s32 $0x0;
	s11 =	sand.u32 $0x1, s6;
	s17 =	smul.u32 $0xFFFFFF62, s0  }
0x8: {  	[smem:$0x7FF] =	sst s5;
	s6 =	sadd.s32 $0x2400, s7;
	s30 =	smul.u32 $0x9E, s0  }
0x9: {  	s19 =	sshll.u32 s0, $0x1;
	s26 =	sshll.u32 s0, $0x6;
	s9 =	smul.u32 $0x138800, s11  }
0xa: {  	_ =	strace $0x80000047;
	s12 =	ssub.s32 $0x2, s11;
	s24 =	smul.u32 $0xFFFFFFB1, s11  }
0xb: {  	s31 =	smul.u32 $0x4F, s11;
	s10 =	sshrl.u32 s8, $0x3;
	s20 =	sshrl.u32 s12, $0x1  }
0xc: {  	s22 =	sshrl.u32 s13, $0x2;
	s8 =	sadd.s32 s8, s9;
	s18 =	sadd.s32 s10, s7  }
0xd: {  	s10 =	sor.u32 s11, s19;
	s12 =	ssub.s32 s12, s20;
	s15 =	sadd.s32 s22, s4  }
0xe: {  	s13 =	sadd.s32 s17, s24;
	s17 =	simm.s32 $0x80;
	s19 =	simm.s32 $0x180  }
0xf: {  	s20 =	simm.s32 $0x40;
	s24 =	simm.s32 $0x140;
	s21 =	smul.u32 $0x4F, s10  }
0x10: {  	s22 =	simm.s32 $0x2300;
	s8 =	sshrl.u32 s8, $0x3;
	s10 =	smul.u32 $0x4F0, s10  }
0x11: {  	s2 =	sadd.s32 $0xC200, s18;
	s13 =	sadd.s32 $0x9C4, s13;
	s12 =	smax.u32 s12, $0x1  }
0x12: {  	s15 =	sshrl.u32 s15, $0x3;
	s18 =	simm.s32 $0x100;
	[dreg:$0x5] =	wrdreg s19  }
0x13: {  	s19 =	simm.s32 $0x1;
	[dreg:$0x6] =	wrdreg s24;
	s24 =	simm.s32 $0x200  }
0x14: {  	s14 =	sadd.s32 s8, s7;
	[dreg:$0x7] =	wrdreg s2;
	s8 =	sor.u32 $0x1C05, s26  }
0x15: {  	s13 =	smin.u32 s13, $0x4F;
	s26 =	simm.s32 $0x280;
	s23 =	ssub.s32 $0x9C4, s21  }
0x16: {  	s9 =	sadd.s32 s6, s10;
	s10 =	sadd.s32 s3, s10;
	s11 =	sadd.s32 $0x34200, s14  }
0x17: {  	s13 =	sand.u32 $0x7E, s13;
	s14 =	sadd.s32 s31, s30;
	s16 =	smin.u32 s23, $0x4F  }
0x18: {  	s21 =	simm.s32 $0x300;
	s23 =	simm.s32 $0x3;
	s25 =	sand.u32 $0x1, s16  }
0x19: {  	s16 =	simm.s32 $0x5;
	p0 =	seq.s32 s25, $0x0;
	s25 =	simm.s32 $0x4  }
.LBB2_1:
0x1a: {  	s0 =	rddreg [dreg:$0x7]  }
0x1b: {  	[spmem:s15], [sflag:s8] =	dma.local [hbm:s0], $0x2800  }
0x1c: {  	p1 =	slt.s32 s14, $0x9C2;
	s30 =	smov.u32 s14;
	_ =	swait.ge [sflag:s16], $0x2800  }
0x1d: {  	s30 =	simm.s32 @!p1 $0x9C2;
	[sflag:s16] =	ssyncset.done $0x0  }
0x1e: {  	s30 =	sshll.u32 s30, $0x4;
	[sflag:s16] =	ssyncadd.s32 $0xFFFFD800  }
0x1f: {  	s30 =	sadd.s32 $0x10, s30;
	[bflag:$0x0] =	sbarrier.arrive $0xFFFF  }
0x20: {  	[tilespmem:s5], [sflag:$0x1] =	stream.linear.gather [hbm4b:s9+s5], $0x80, $0x38;
	[tilespmem:$0x17B80] =	vst v63  }
0x21: {  	s30 =	sand.u32 $0x1FFFFFF0, s30  }
0x22: {  	[tilespmem:s17], [sflag:$0x1] =	stream.linear.gather [hbm4b:s10+s5], $0x80, $0x38;
	[tilespmem:$0x17B80] =	vst v63  }
0x23: {  	s2 =	sadd.s32 s6, s30  }
0x24: {  	[tilespmem:s18], [sflag:$0x2] =	stream.linear.gather [hbm4b:s2+s5], $0x80, $0x38;
	[tilespmem:$0x17B80] =	vst v63  }
0x25: {  	s7 =	sadd.s32 s3, s30;
	s31 =	rddreg [dreg:$0x5]  }
0x26: {  	[tilespmem:s31], [sflag:$0x2] =	stream.linear.gather [hbm4b:s7+s5], $0x80, $0x38;
	[tilespmem:$0x17B80] =	vst v63  }
0x27: {  	_ =	swait.ge [sflag:s19], $0x80  }
0x28: {  	[sflag:s19] =	ssyncset.done $0x0  }
0x29: {  	[sflag:s19] =	ssyncadd.s32 $0xFFFFFF80  }
0x2a: {  	_ =	swait.ge [sflag:s19], $0x80  }
0x2b: {  	[sflag:s19] =	ssyncset.done $0x0  }
0x2c: {  	[sflag:s19] =	ssyncadd.s32 $0xFFFFFF80  }
0x2d: {  	v0 =	vld [tilespmem:$0xF0]  }
0x2e: {  	v1 =	vld [tilespmem:$0xB0]  }
0x2f: {  	v2 =	vld [tilespmem:$0xE0]  }
0x30: {  	v3 =	vld [tilespmem:$0xD0]  }
0x31: {  	v4 =	vld [tilespmem:$0xA0]  }
0x32: {  	v5 =	vld [tilespmem:$0x80];
	[tilespmem:$0x2B0] =	vst v0  }
0x33: {  	v0 =	vld [tilespmem:$0x90];
	[tilespmem:$0x230] =	vst v1  }
0x34: {  	v1 =	vld [tilespmem:$0xC0];
	[tilespmem:$0x2A0] =	vst v2  }
0x35: {  	[tilespmem:$0x290] =	vst v3  }
0x36: {  	[tilespmem:$0x220] =	vst v4  }
0x37: {  	[tilespmem:$0x200] =	vst v5  }
0x38: {  	[tilespmem:$0x210] =	vst v0  }
0x39: {  	[tilespmem:$0x280] =	vst v1  }
0x3a: {  	[tilespmem:s21], [sflag:$0x3] =	stream.indirect.gather [hbm4b:s1+s20], $0x80, s5, s20, $0xb8;
	[tilespmem:$0x17B80] =	vst v63  }
0x3b: {  	_ = 	snop  }
0x3c: {  	[tilespmem:s22], [sflag:$0x4] =	stream.indirect.gather [hbm4b:s1+s20], $0x80, s20, s20, $0xb8;
	[tilespmem:$0x17B80] =	vst v63  }
0x3d: {  	_ =	swait.ge [sflag:s23], $0x2000  }
0x3e: {  	[sflag:s23] =	ssyncset.done $0x0  }
0x3f: {  	[sflag:s23] =	ssyncadd.s32 $0xFFFFE000  }
0x40: {  	[spmem:s4] =	stream.indirect.scatter.add.f32 [tilespmem:s21], [sflag:$0x5], $0x80, s24, s20, $0xb8;
	[tilespmem:$0x17B80] =	vst v63  }
0x41: {  	_ =	swait.ge [sflag:s16], $0x2000  }
0x42: {  	[sflag:s16] =	ssyncset.done $0x0  }
0x43: {  	[sflag:s16] =	ssyncadd.s32 $0xFFFFE000  }
0x44: {  	p1 =	slt.s32 s14, $0x9C1;
	s0 =	smov.u32 s14;
	_ =	swait.ge [sflag:s25], $0x2000  }
0x45: {  	s0 =	simm.s32 @!p1 $0x9C1;
	[sflag:s25] =	ssyncset.done $0x0  }
0x46: {  	s0 =	sshll.u32 s0, $0x4;
	[sflag:s25] =	ssyncadd.s32 $0xFFFFE000  }
0x47: {  	[spmem:s4] =	stream.indirect.scatter.add.f32 [tilespmem:s22], [sflag:$0x5], $0x80, s26, s20, $0xb8;
	[tilespmem:$0x17B80] =	vst v63  }
0x48: {  	s0 =	sadd.s32 $0x20, s0;
	_ =	swait.ge [sflag:s16], $0x2000  }
0x49: {  	s0 =	sand.u32 $0x1FFFFFF0, s0;
	[sflag:s16] =	ssyncset.done $0x0  }
0x4a: {  	s30 =	sadd.s32 s6, s0;
	[sflag:s16] =	ssyncadd.s32 $0xFFFFE000  }
0x4b: {  	[tilespmem:s5], [sflag:$0x1] =	stream.linear.gather [hbm4b:s30+s5], $0x80, $0x38;
	[tilespmem:$0x17B80] =	vst v63  }
0x4c: {  	s0 =	sadd.s32 s3, s0  }
0x4d: {  	[tilespmem:s17], [sflag:$0x1] =	stream.linear.gather [hbm4b:s0+s5], $0x80, $0x38;
	[tilespmem:$0x17B80] =	vst v63  }
0x4e: {  	_ =	swait.ge [sflag:s28], $0x80  }
0x4f: {  	[sflag:s28] =	ssyncset.done $0x0  }
0x50: {  	[sflag:s28] =	ssyncadd.s32 $0xFFFFFF80  }
0x51: {  	_ =	swait.ge [sflag:s28], $0x80  }
0x52: {  	[sflag:s28] =	ssyncset.done $0x0  }
0x53: {  	[sflag:s28] =	ssyncadd.s32 $0xFFFFFF80  }
0x54: {  	v0 =	vld [tilespmem:$0x180]  }
0x55: {  	v1 =	vld [tilespmem:$0x1B0]  }
0x56: {  	v2 =	vld [tilespmem:$0x190]  }
0x57: {  	v3 =	vld [tilespmem:$0x1D0]  }
0x58: {  	v62 =	vld [tilespmem:$0x1C0]  }
0x59: {  	p1 =	sne.s32 s13, $0x2;
	v63 =	vld [tilespmem:$0x1F0];
	[tilespmem:$0x200] =	vst v0  }
.Ltmp0:
0x5a: {  	[tilespmem:$0x230] =	vst v1;
	(pc) =	sbr.rel @!p1 .LBB2_3-.Ltmp0, $4  }
0x5b: {  	[tilespmem:$0x210] =	vst v2  }
0x5c: {  	[tilespmem:$0x290] =	vst v3  }
0x5d: {  	v0 =	vld [tilespmem:$0x1A0];
	[tilespmem:$0x280] =	vst v62  }
0x5e: {  	s31 =	smov.u32 s14;
	s30 =	sadd.s32 $0xFFFFFFFE, s13;
	v1 =	vld [tilespmem:$0x1E0];
	[tilespmem:$0x2B0] =	vst v63  }
.LBB2_2:
0x5f: {  	_ =	sdelay $0x2  }
0x60: {  	[tilespmem:$0x220] =	vst v0  }
0x61: {  	[tilespmem:$0x2A0] =	vst v1  }
0x62: {  	[tilespmem:s21], [sflag:$0x3] =	stream.indirect.gather [hbm4b:s1+s20], $0x80, s18, s20, $0xb8;
	[tilespmem:$0x17B80] =	vst v63  }
0x63: {  	s0 =	rddreg [dreg:$0x6]  }
0x64: {  	[tilespmem:s22], [sflag:$0x4] =	stream.indirect.gather [hbm4b:s1+s20], $0x80, s0, s20, $0xb8;
	[tilespmem:$0x17B80] =	vst v63  }
0x65: {  	_ =	swait.ge [sflag:s23], $0x2000  }
0x66: {  	[sflag:s23] =	ssyncset.done $0x0  }
0x67: {  	[sflag:s23] =	ssyncadd.s32 $0xFFFFE000  }
0x68: {  	[spmem:s4] =	stream.indirect.scatter.add.f32 [tilespmem:s21], [sflag:$0x5], $0x80, s24, s20, $0xb8;
	[tilespmem:$0x17B80] =	vst v63  }
0x69: {  	_ =	swait.ge [sflag:s16], $0x2000  }
0x6a: {  	[sflag:s16] =	ssyncset.done $0x0  }
0x6b: {  	s31 =	sadd.s32 $0x2, s31;
	[sflag:s16] =	ssyncadd.s32 $0xFFFFE000  }
0x6c: {  	p2 =	slt.s32 s31, $0x9C2;
	s0 =	smov.u32 s31;
	_ =	swait.ge [sflag:s25], $0x2000  }
0x6d: {  	s0 =	simm.s32 @!p2 $0x9C2;
	[sflag:s25] =	ssyncset.done $0x0  }
0x6e: {  	s0 =	sshll.u32 s0, $0x4;
	[sflag:s25] =	ssyncadd.s32 $0xFFFFE000  }
0x6f: {  	[spmem:s4] =	stream.indirect.scatter.add.f32 [tilespmem:s22], [sflag:$0x5], $0x80, s26, s20, $0xb8;
	[tilespmem:$0x17B80] =	vst v63  }
0x70: {  	s0 =	sadd.s32 $0x10, s0;
	_ =	swait.ge [sflag:s16], $0x2000  }
0x71: {  	s0 =	sand.u32 $0x1FFFFFF0, s0;
	[sflag:s16] =	ssyncset.done $0x0  }
0x72: {  	s7 =	sadd.s32 s6, s0;
	[sflag:s16] =	ssyncadd.s32 $0xFFFFE000  }
0x73: {  	[tilespmem:s18], [sflag:$0x2] =	stream.linear.gather [hbm4b:s7+s5], $0x80, $0x38;
	[tilespmem:$0x17B80] =	vst v63  }
0x74: {  	s0 =	sadd.s32 s3, s0;
	s2 =	rddreg [dreg:$0x5]  }
0x75: {  	[tilespmem:s2], [sflag:$0x2] =	stream.linear.gather [hbm4b:s0+s5], $0x80, $0x38;
	[tilespmem:$0x17B80] =	vst v63  }
0x76: {  	_ =	swait.ge [sflag:s19], $0x80  }
0x77: {  	[sflag:s19] =	ssyncset.done $0x0  }
0x78: {  	[sflag:s19] =	ssyncadd.s32 $0xFFFFFF80  }
0x79: {  	_ =	swait.ge [sflag:s19], $0x80  }
0x7a: {  	[sflag:s19] =	ssyncset.done $0x0  }
0x7b: {  	[sflag:s19] =	ssyncadd.s32 $0xFFFFFF80  }
0x7c: {  	v0 =	vld [tilespmem:$0xF0]  }
0x7d: {  	v1 =	vld [tilespmem:$0xB0]  }
0x7e: {  	v2 =	vld [tilespmem:$0xE0]  }
0x7f: {  	v3 =	vld [tilespmem:$0xD0]  }
0x80: {  	v4 =	vld [tilespmem:$0xA0]  }
0x81: {  	v5 =	vld [tilespmem:$0x80];
	[tilespmem:$0x2B0] =	vst v0  }
0x82: {  	v0 =	vld [tilespmem:$0x90];
	[tilespmem:$0x230] =	vst v1  }
0x83: {  	v1 =	vld [tilespmem:$0xC0];
	[tilespmem:$0x2A0] =	vst v2  }
0x84: {  	[tilespmem:$0x290] =	vst v3  }
0x85: {  	[tilespmem:$0x220] =	vst v4  }
0x86: {  	[tilespmem:$0x200] =	vst v5  }
0x87: {  	[tilespmem:$0x210] =	vst v0  }
0x88: {  	[tilespmem:$0x280] =	vst v1  }
0x89: {  	[tilespmem:s21], [sflag:$0x3] =	stream.indirect.gather [hbm4b:s1+s20], $0x80, s5, s20, $0xb8;
	[tilespmem:$0x17B80] =	vst v63  }
0x8a: {  	_ = 	snop  }
0x8b: {  	[tilespmem:s22], [sflag:$0x4] =	stream.indirect.gather [hbm4b:s1+s20], $0x80, s20, s20, $0xb8;
	[tilespmem:$0x17B80] =	vst v63  }
0x8c: {  	_ =	swait.ge [sflag:s23], $0x2000  }
0x8d: {  	[sflag:s23] =	ssyncset.done $0x0  }
0x8e: {  	[sflag:s23] =	ssyncadd.s32 $0xFFFFE000  }
0x8f: {  	[spmem:s4] =	stream.indirect.scatter.add.f32 [tilespmem:s21], [sflag:$0x5], $0x80, s24, s20, $0xb8;
	[tilespmem:$0x17B80] =	vst v63  }
0x90: {  	_ =	swait.ge [sflag:s16], $0x2000  }
0x91: {  	[sflag:s16] =	ssyncset.done $0x0  }
0x92: {  	[sflag:s16] =	ssyncadd.s32 $0xFFFFE000  }
0x93: {  	p2 =	slt.s32 s31, $0x9C1;
	s0 =	smov.u32 s31;
	_ =	swait.ge [sflag:s25], $0x2000  }
0x94: {  	s0 =	simm.s32 @!p2 $0x9C1;
	[sflag:s25] =	ssyncset.done $0x0  }
0x95: {  	s0 =	sshll.u32 s0, $0x4;
	[sflag:s25] =	ssyncadd.s32 $0xFFFFE000  }
0x96: {  	[spmem:s4] =	stream.indirect.scatter.add.f32 [tilespmem:s22], [sflag:$0x5], $0x80, s26, s20, $0xb8;
	[tilespmem:$0x17B80] =	vst v63  }
0x97: {  	s0 =	sadd.s32 $0x20, s0;
	_ =	swait.ge [sflag:s16], $0x2000  }
0x98: {  	s0 =	sand.u32 $0x1FFFFFF0, s0;
	[sflag:s16] =	ssyncset.done $0x0  }
0x99: {  	s7 =	sadd.s32 s6, s0;
	[sflag:s16] =	ssyncadd.s32 $0xFFFFE000  }
0x9a: {  	[tilespmem:s5], [sflag:$0x1] =	stream.linear.gather [hbm4b:s7+s5], $0x80, $0x38;
	[tilespmem:$0x17B80] =	vst v63  }
0x9b: {  	s0 =	sadd.s32 s3, s0  }
0x9c: {  	[tilespmem:s17], [sflag:$0x1] =	stream.linear.gather [hbm4b:s0+s5], $0x80, $0x38;
	[tilespmem:$0x17B80] =	vst v63  }
0x9d: {  	_ =	swait.ge [sflag:s28], $0x80  }
0x9e: {  	[sflag:s28] =	ssyncset.done $0x0  }
0x9f: {  	[sflag:s28] =	ssyncadd.s32 $0xFFFFFF80  }
0xa0: {  	_ =	swait.ge [sflag:s28], $0x80  }
0xa1: {  	[sflag:s28] =	ssyncset.done $0x0  }
0xa2: {  	[sflag:s28] =	ssyncadd.s32 $0xFFFFFF80  }
0xa3: {  	v0 =	vld [tilespmem:$0x180]  }
0xa4: {  	v1 =	vld [tilespmem:$0x1B0]  }
0xa5: {  	v2 =	vld [tilespmem:$0x190]  }
0xa6: {  	v3 =	vld [tilespmem:$0x1D0]  }
0xa7: {  	v62 =	vld [tilespmem:$0x1C0]  }
0xa8: {  	p1 =	sne.s32 s30, $0x2;
	v63 =	vld [tilespmem:$0x1F0];
	[tilespmem:$0x200] =	vst v0  }
.Ltmp1:
0xa9: {  	[tilespmem:$0x230] =	vst v1;
	(pc) =	sbr.rel @p1 .LBB2_2-.Ltmp1, $4  }
0xaa: {  	[tilespmem:$0x210] =	vst v2  }
0xab: {  	[tilespmem:$0x290] =	vst v3  }
0xac: {  	v0 =	vld [tilespmem:$0x1A0];
	[tilespmem:$0x280] =	vst v62  }
0xad: {  	s30 =	sadd.s32 $0xFFFFFFFE, s30;
	v1 =	vld [tilespmem:$0x1E0];
	[tilespmem:$0x2B0] =	vst v63  }
.LBB2_3:
0xae: {  	_ =	sdelay $0x2  }
0xaf: {  	[tilespmem:$0x220] =	vst v0  }
0xb0: {  	[tilespmem:$0x2A0] =	vst v1  }
0xb1: {  	[tilespmem:s21], [sflag:$0x3] =	stream.indirect.gather [hbm4b:s1+s20], $0x80, s18, s20, $0xb8;
	[tilespmem:$0x17B80] =	vst v63  }
0xb2: {  	s0 =	rddreg [dreg:$0x6]  }
0xb3: {  	[tilespmem:s22], [sflag:$0x4] =	stream.indirect.gather [hbm4b:s1+s20], $0x80, s0, s20, $0xb8;
	[tilespmem:$0x17B80] =	vst v63  }
0xb4: {  	_ =	swait.ge [sflag:s23], $0x2000  }
0xb5: {  	[sflag:s23] =	ssyncset.done $0x0  }
0xb6: {  	[sflag:s23] =	ssyncadd.s32 $0xFFFFE000  }
0xb7: {  	[spmem:s4] =	stream.indirect.scatter.add.f32 [tilespmem:s21], [sflag:$0x5], $0x80, s24, s20, $0xb8;
	[tilespmem:$0x17B80] =	vst v63  }
0xb8: {  	_ =	swait.ge [sflag:s16], $0x2000  }
0xb9: {  	[sflag:s16] =	ssyncset.done $0x0  }
0xba: {  	[sflag:s16] =	ssyncadd.s32 $0xFFFFE000  }
0xbb: {  	_ =	swait.ge [sflag:s25], $0x2000  }
0xbc: {  	[sflag:s25] =	ssyncset.done $0x0  }
0xbd: {  	[sflag:s25] =	ssyncadd.s32 $0xFFFFE000  }
0xbe: {  	[spmem:s4] =	stream.indirect.scatter.add.f32 [tilespmem:s22], [sflag:$0x5], $0x80, s26, s20, $0xb8;
	[tilespmem:$0x17B80] =	vst v63  }
0xbf: {  	_ =	swait.ge [sflag:s16], $0x2000  }
0xc0: {  	[sflag:s16] =	ssyncset.done $0x0  }
0xc1: {  	[sflag:s16] =	ssyncadd.s32 $0xFFFFE000  }
0xc2: {  	_ =	swait.ge [sflag:s19], $0x80  }
0xc3: {  	[sflag:s19] =	ssyncset.done $0x0  }
0xc4: {  	[sflag:s19] =	ssyncadd.s32 $0xFFFFFF80  }
0xc5: {  	_ =	swait.ge [sflag:s19], $0x80  }
0xc6: {  	[sflag:s19] =	ssyncset.done $0x0  }
0xc7: {  	[sflag:s19] =	ssyncadd.s32 $0xFFFFFF80  }
0xc8: {  	v0 =	vld @!p0 [tilespmem:$0x80]  }
0xc9: {  	v1 =	vld @!p0 [tilespmem:$0xC0]  }
0xca: {  	v2 =	vld @!p0 [tilespmem:$0x90]  }
0xcb: {  	v3 =	vld @!p0 [tilespmem:$0xD0]  }
0xcc: {  	v4 =	vld @!p0 [tilespmem:$0xA0]  }
0xcd: {  	[tilespmem:$0x200] =	vst @!p0 v0;
	v0 =	vld @!p0 [tilespmem:$0xE0]  }
0xce: {  	[tilespmem:$0x280] =	vst @!p0 v1;
	v1 =	vld @!p0 [tilespmem:$0xB0]  }
0xcf: {  	[tilespmem:$0x210] =	vst @!p0 v2;
	v2 =	vld @!p0 [tilespmem:$0xF0]  }
0xd0: {  	[tilespmem:$0x290] =	vst @!p0 v3  }
0xd1: {  	[tilespmem:$0x220] =	vst @!p0 v4  }
0xd2: {  	[tilespmem:$0x2A0] =	vst @!p0 v0  }
0xd3: {  	[tilespmem:$0x230] =	vst @!p0 v1  }
0xd4: {  	s2 =	simm.s32 @!p0 $0x0;
	s7 =	simm.s32 @!p0 $0x300;
	s0 =	simm.s32 @!p0 $0x40;
	[tilespmem:$0x2B0] =	vst @!p0 v2  }
0xd5: {  	[tilespmem:s7], [sflag:$0x3] =	stream.indirect.gather @!p0 [hbm4b:s1+s0], $0x80, s2, s0, $0xb8;
	[tilespmem:$0x17B80] =	vst v63  }
0xd6: {  	s30 =	simm.s32 @!p0 $0x3;
	s2 =	simm.s32 @!p0 $0x2300  }
0xd7: {  	[tilespmem:s2], [sflag:$0x4] =	stream.indirect.gather @!p0 [hbm4b:s1+s0], $0x80, s0, s0, $0xb8;
	[tilespmem:$0x17B80] =	vst v63  }
0xd8: {  	_ =	swait.ge @!p0 [sflag:s30], $0x2000  }
0xd9: {  	[sflag:s30] =	ssyncset.done @!p0 $0x0  }
0xda: {  	[sflag:s30] =	ssyncadd.s32 @!p0 $0xFFFFE000;
	s30 =	simm.s32 @!p0 $0x200  }
0xdb: {  	[spmem:s4] =	stream.indirect.scatter.add.f32 @!p0 [tilespmem:s7], [sflag:$0x5], $0x80, s30, s0, $0xb8;
	[tilespmem:$0x17B80] =	vst v63  }
0xdc: {  	s7 =	simm.s32 @!p0 $0x5  }
0xdd: {  	_ =	swait.ge @!p0 [sflag:s7], $0x2000  }
0xde: {  	[sflag:s7] =	ssyncset.done @!p0 $0x0  }
0xdf: {  	s30 =	simm.s32 @!p0 $0x4;
	[sflag:s7] =	ssyncadd.s32 @!p0 $0xFFFFE000  }
0xe0: {  	_ =	swait.ge @!p0 [sflag:s30], $0x2000  }
0xe1: {  	[sflag:s30] =	ssyncset.done @!p0 $0x0  }
0xe2: {  	[sflag:s30] =	ssyncadd.s32 @!p0 $0xFFFFE000;
	s30 =	simm.s32 @!p0 $0x280  }
0xe3: {  	[spmem:s4] =	stream.indirect.scatter.add.f32 @!p0 [tilespmem:s2], [sflag:$0x5], $0x80, s30, s0, $0xb8;
	[tilespmem:$0x17B80] =	vst v63  }
0xe4: {  	_ =	swait.ge @!p0 [sflag:s7], $0x2000  }
0xe5: {  	s29 =	sadd.s32 $0x1, s29;
	[sflag:s7] =	ssyncset.done @!p0 $0x0  }
0xe6: {  	p1 =	sne.s32 s29, s12;
	[sflag:s7] =	ssyncadd.s32 @!p0 $0xFFFFE000  }
.Ltmp2:
0xe7: {  	[bflag:$0x0] =	sbarrier.arrive $0xFFFF;
	(pc) =	sbr.rel @p1 .LBB2_1-.Ltmp2, $4  }
0xe8: {  	[hbm:s11], [sflag:s8] =	dma.local [spmem:s15], $0x2800  }
0xe9: {  	_ =	swait.ge [sflag:s16], $0x2800  }
0xea: {  	[sflag:s16] =	ssyncset.done $0x0  }
0xeb: {  	[sflag:s16] =	ssyncadd.s32 $0xFFFFD800  }
0xec: {  	_ =	sfence.sel $0x180000  }
0xed: {  	[bflag:$0x0] =	sbarrier.arrive $0xFFFF  }
0xee: {  	_ =	strace $0x90000047  }
0xef: {  	s0 =	stileid.u32;
	[bflag:$0x2] =	sbarrier.arrive $0xFFFF  }
0xf0: {  	p0 =	sne.s32 s0, $0x0;
	s0 =	rddreg [dreg:$0x4]  }
0xf1: {  	s0 =	sadd.s32 @!p0 $0x100000, s0  }
0xf2: {  	[sflag:s0] =	ssyncadd.tile.s32 @!p0 $0x1;
	_ =	shalt  }
.Lfunc_end2:
_tile_overlayer_lowered:
.L_overlay_start_2:
0xf3: {  	(tag) =	ssettag $0x2  }
0xf4: {  	s0 =	rddreg [dreg:$0x0];
	s2 =	stileid.u32  }
0xf5: {  	s1 =	rddreg [dreg:$0x1];
	p0 =	sne.s32 s2, $0x0  }
0xf6: {  	s3 =	rddreg [dreg:$0x2];
	[bflag:$0x3] =	sbarrier.arrive $0xFFFF;
	s2 =	simm.s32 @!p0 $0x1C05  }
0xf7: {  	[timem:s3], [sflag:s2] =	dma.local @!p0 [hbm:s0], s1  }
0xf8: {  	s0 =	simm.s32 @!p0 $0x5  }
0xf9: {  	_ =	swait.ge @!p0 [sflag:s0], s1  }
0xfa: {  	s1 =	ssub.s32 @!p0 $0x0, s1;
	[sflag:s0] =	ssyncset.done @!p0 $0x0  }
0xfb: {  	[sflag:s0] =	ssyncadd.s32 @!p0 s1  }
0xfc: {  	[bflag:$0x3] =	sbarrier.arrive $0xFFFF  }
0xfd: {  	_ =	shalt  }

// kernel: sc_mean_agg.7.cloned.1.call-start
scs
__scs_entry_jumppad:
0x0: {  	(pc) =	sbr.rel $0x88, $3  }
0x1: {  	(tag) =	ssettag $0x0;
	lr =	simm.s32 $0x1  }
0x2: {  	[smem:$0x3F97] =	sst lr;
	_ =	strace $0xD0000000  }
0x3: {  	_ = 	snop  }
0x4: {  	_ = 	snop  }
0x5: {  	_ = 	snop  }
0x6: {  	_ = 	snop  }
0x7: {  	_ = 	snop  }
__scs_overlays_trampoline_lowered:
0x8: {  	[smem:$0x3FA6] =	sst s0  }
0x9: {  	[smem:$0x3FA7] =	sst s1  }
0xa: {  	[smem:$0x3FA8] =	sst s2  }
0xb: {  	[smem:$0x3FA9] =	sst s3  }
0xc: {  	[smem:$0x3FAA] =	sst s4  }
0xd: {  	[smem:$0x3FAB] =	sst s5  }
0xe: {  	[smem:$0x3FAC] =	sst s6  }
0xf: {  	[smem:$0x3FAD] =	sst s7  }
0x10: {  	[smem:$0x3FAE] =	sst s8  }
0x11: {  	[smem:$0x3FAF] =	sst s9;
	s0 =	simm.s32 @!p0 $0x0  }
0x12: {  	s1 =	sld [smem:$0x3F95];
	s0 =	simm.s32 @p0 $0x1  }
0x13: {  	[smem:$0x3FB0] =	sst s0;
	s0 =	simm.s32 @!p1 $0x0  }
0x14: {  	s2 =	sld [smem:$0x3F94];
	s0 =	simm.s32 @p1 $0x1  }
0x15: {  	[smem:$0x3FB1] =	sst s0;
	s0 =	simm.s32 @!p2 $0x0  }
0x16: {  	s3 =	sld [smem:$0x3FDB];
	s0 =	simm.s32 @p2 $0x1  }
0x17: {  	s4 =	simm.s32 $0x1BF5;
	[smem:$0x3FB3] =	sst s0  }
0x18: {  	s0 =	sld [smem:$0x3F96];
	_ =	swait.ge [sflag:s4], $0x0  }
0x19: {  	s7 =	sld [smem:$0x3F97]  }
0x1a: {  	s8 =	sadd.s32 $0xFFFFE003, lr  }
0x1b: {  	s9 =	sadd.s32 $0xFFFFFEF7, lr;
	s5 =	simm.s32 $0xFFFFFFFF;
	p2 =	slt.u32 s8, $0xFFFFF086  }
0x1c: {  	p1 =	slt.u32 s9, $0xF7A;
	s5 =	simm.s32 @!p2 $0x0  }
0x1d: {  	s5 =	simm.s32 @p1 $0x1;
	p0 =	seq.s32 s7, s2  }
0x1e: {  	s7 =	smul.u32 @!p0 $0xF7A, s2;
	p2 =	seq.s32 @!p0 s5, $0x0  }
0x1f: {  	s9 =	smul.u32 $0xF7A, s1;
	s8 =	simm.s32 @!p0 $0x1BF5;
	p2 =	por !p2, p0  }
0x20: {  	[sflag:s8] =	ssyncset.s32 @!p0 $0xFFFFF086;
	s6 =	sadd.s32 @!p0 s3, s7;
	s7 =	simm.s32 @!p0 $0x108  }
0x21: {  	s3 =	sadd.s32 s3, s9;
	s6 =	sadd.s32 @!p0 $0x88, s6;
	s7 =	simm.s32 @p2 $0x1082  }
0x22: {  	[simem:s7], [sflag:s8] =	dma.local @!p0 [hbm:s6], $0xF7A  }
0x23: {  	s9 =	sor.u32 $0xD0000000, s2;
	s6 =	simm.s32 $0x108;
	_ =	swait.ge @!p0 [sflag:s8], $0x0  }
0x24: {  	s3 =	sadd.s32 $0x88, s3;
	s6 =	simm.s32 @!p1 $0x1082;
	[sflag:s4] =	ssyncset.s32 $0xFFFFF086  }
0x25: {  	[simem:s6], [sflag:s4] =	dma.local [hbm:s3], $0xF7A  }
0x26: {  	[smem:$0x3F97] =	sst s1;
	(tag) =	ssettag s2;
	_ =	strace s9  }
0x27: {  	s1 =	sld [smem:$0x3FA7]  }
0x28: {  	s2 =	sld [smem:$0x3FA8]  }
0x29: {  	s4 =	sld [smem:$0x3FAA]  }
0x2a: {  	p0 =	seq.s32 s5, $0x0;
	s5 =	sld [smem:$0x3FAB]  }
0x2b: {  	s6 =	sld [smem:$0x3FAC]  }
0x2c: {  	s7 =	sld [smem:$0x3FAD]  }
0x2d: {  	s3 =	simm.s32 $0x108;
	s8 =	sld [smem:$0x3FAE]  }
0x2e: {  	s3 =	simm.s32 @!p0 $0x1082;
	s9 =	sld [smem:$0x3FAF]  }
0x2f: {  	lr =	sadd.s32 s0, s3;
	s0 =	sld [smem:$0x3FA6]  }
0x30: {  	s3 =	sld [smem:$0x3FA9]  }
0x31: {  	[smem:$0x3FB2] =	sst s10  }
0x32: {  	s10 =	sld [smem:$0x3FB0];
	_ =	sdelay $0x3  }
0x33: {  	p0 =	seq.s32 s10, $0x1;
	s10 =	sld [smem:$0x3FB2];
	_ =	sdelay $0x3  }
0x34: {  	[smem:$0x3FB2] =	sst s10  }
0x35: {  	s10 =	sld [smem:$0x3FB1];
	_ =	sdelay $0x3  }
0x36: {  	p1 =	seq.s32 s10, $0x1;
	s10 =	sld [smem:$0x3FB2];
	_ =	sdelay $0x3  }
0x37: {  	[smem:$0x3FB2] =	sst s10  }
0x38: {  	s10 =	sld [smem:$0x3FB3]  }
0x39: {  	_ = 	snop;
	(pc) =	sbr.ind lr, $3  }
0x3a: {  	_ = 	snop  }
0x3b: {  	_ = 	snop  }
0x3c: {  	p2 =	seq.s32 s10, $0x1;
	s10 =	sld [smem:$0x3FB2]  }
0x3d: {  	_ =	shalt  }
0x3e: {  	_ =	shalt  }
0x3f: {  	_ =	shalt  }
0x40: {  	_ =	shalt  }
0x41: {  	_ =	shalt  }
0x42: {  	_ =	shalt  }
0x43: {  	_ =	shalt  }
0x44: {  	_ =	shalt  }
0x45: {  	_ =	shalt  }
0x46: {  	_ =	shalt  }
0x47: {  	_ =	shalt  }
0x48: {  	_ =	shalt  }
0x49: {  	_ =	shalt  }
0x4a: {  	_ =	shalt  }
0x4b: {  	_ =	shalt  }
0x4c: {  	_ =	shalt  }
0x4d: {  	_ =	shalt  }
0x4e: {  	_ =	shalt  }
0x4f: {  	_ =	shalt  }
0x50: {  	_ =	shalt  }
0x51: {  	_ =	shalt  }
0x52: {  	_ =	shalt  }
0x53: {  	_ =	shalt  }
0x54: {  	_ =	shalt  }
0x55: {  	_ =	shalt  }
0x56: {  	_ =	shalt  }
0x57: {  	_ =	shalt  }
0x58: {  	_ =	shalt  }
0x59: {  	_ =	shalt  }
0x5a: {  	_ =	shalt  }
0x5b: {  	_ =	shalt  }
0x5c: {  	_ =	shalt  }
0x5d: {  	_ =	shalt  }
0x5e: {  	_ =	shalt  }
0x5f: {  	_ =	shalt  }
0x60: {  	_ =	shalt  }
0x61: {  	_ =	shalt  }
0x62: {  	_ =	shalt  }
0x63: {  	_ =	shalt  }
0x64: {  	_ =	shalt  }
0x65: {  	_ =	shalt  }
0x66: {  	_ =	shalt  }
0x67: {  	_ =	shalt  }
0x68: {  	_ =	shalt  }
0x69: {  	_ =	shalt  }
0x6a: {  	_ =	shalt  }
0x6b: {  	_ =	shalt  }
0x6c: {  	_ =	shalt  }
0x6d: {  	_ =	shalt  }
0x6e: {  	_ =	shalt  }
0x6f: {  	_ =	shalt  }
0x70: {  	_ =	shalt  }
0x71: {  	_ =	shalt  }
0x72: {  	_ =	shalt  }
0x73: {  	_ =	shalt  }
0x74: {  	_ =	shalt  }
0x75: {  	_ =	shalt  }
0x76: {  	_ =	shalt  }
0x77: {  	_ =	shalt  }
0x78: {  	_ =	shalt  }
0x79: {  	_ =	shalt  }
0x7a: {  	_ =	shalt  }
0x7b: {  	_ =	shalt  }
0x7c: {  	_ =	shalt  }
0x7d: {  	_ =	shalt  }
0x7e: {  	_ =	shalt  }
0x7f: {  	_ =	shalt  }
0x80: {  	_ =	shalt  }
0x81: {  	_ =	shalt  }
0x82: {  	_ =	shalt  }
0x83: {  	_ =	shalt  }
0x84: {  	_ =	shalt  }
0x85: {  	_ =	shalt  }
0x86: {  	_ =	shalt  }
0x87: {  	_ =	shalt  }
.Lfunc_end0:
.L_simem_size_0:
called_computation.2_lowered:
.L_overlay_start_0:
0x88: {  	s2 =	sld [smem:$0x3FD9]  }
0x89: {  	s3 =	sld [smem:$0x3FFE];
	_ =	sdelay $0x1  }
0x8a: {  	s1 =	srdreg.scid  }
0x8b: {  	s0 =	sand.u32 $0x1, s1  }
0x8c: {  	s17 =	sshll.u32 s0, $0xA;
	s2 =	sadd.s32 s3, s2  }
0x8d: {  	s2 =	sadd.s32 s2, s17  }
0x8e: {  	[smem:$0x3FBE] =	sst s2  }
0x8f: {  	_ = 	snop  }
0x90: {  	s2 =	sld [smem:$0x3FD0];
	(tm) =	ssettm $0x1  }
0x91: {  	s18 =	sld [smem:$0x3FFB];
	_ =	sdelay $0x3  }
0x92: {  	_ =	strace s18  }
0x93: {  	s3 =	sld [smem:$0x3FFC];
	_ =	sdelay $0x3  }
0x94: {  	_ =	strace s3  }
0x95: {  	s3 =	sld [smem:$0x3FFD];
	_ =	sdelay $0x3  }
0x96: {  	_ =	strace s3  }
0x97: {  	_ =	strace $0x8FFFFFFF  }
0x98: {  	s19 =	sld [smem:$0x3FDB];
	_ =	sdelay $0x1  }
0x99: {  	s4 =	simm.s32 $_scs_section_size  }
0x9a: {  	s5 =	simm.s32 $_size__tile_overlayer_lowered;
	s6 =	simm.s32 $_tile_overlayer_lowered  }
0x9b: {  	s22 =	simm.s32 $0x1BFF;
	s21 =	sshll.u32 s6, $0x1;
	s3 =	sadd.s32 s4, s19  }
0x9c: {  	s7 =	simm.s32 $0x0;
	s20 =	sshll.u32 s5, $0x1;
	s5 =	sadd.s32 s21, s3  }
0x9d: {  	[timem:s7], [sflag:s22] =	dma.local [hbm:s5], s20  }
0x9e: {  	_ =	swait.ge [sflag:s22], s20  }
0x9f: {  	s4 =	ssub.s32 $0x0, s20;
	[sflag:s22] =	ssyncset.done $0x0  }
0xa0: {  	[sflag:s22] =	ssyncadd.s32 s4;
	_ =	sdelay $0x1  }
0xa1: {  	s23 =	simm.s32 $0x1B8B  }
0xa2: {  	_ =	swait.ge [sflag:s23], $0x1  }
0xa3: {  	[sflag:s23] =	ssyncset.done $0x0  }
0xa4: {  	s25 =	simm.s32 $0x1B8E;
	s24 =	sld [smem:$0x3FFE];
	[sflag:s23] =	ssyncadd.s32 $0xFFFFFFFF  }
0xa5: {  	s26 =	simm.s32 $execute0_lowered;
	[smem:$0x3FD2] =	sst s25  }
0xa6: {  	s5 =	sshll.u32 s26, $0x1;
	_ =	strace $0x8000004C;
	[dreg:$0x1] =	wrdreg $0xFFFFFFFF  }
0xa7: {  	s28 =	simm.s32 $_size_execute0_lowered;
	s3 =	sadd.s32 s3, s5;
	[dreg:$0x0] =	wrdreg $0x0  }
0xa8: {  	s5 =	sshll.u32 s28, $0x1;
	[dreg:$0x2] =	wrdreg s3  }
0xa9: {  	[dreg:$0x3] =	wrdreg s5  }
0xaa: {  	[dreg:$0x4] =	wrdreg $0xC0  }
0xab: {  	_ =	task [dreg:s7], $0x5FFFF  }
0xac: {  	[dreg:$0x1] =	wrdreg $0xFFFFFFFF  }
0xad: {  	[dreg:$0x0] =	wrdreg $0x60  }
0xae: {  	[dreg:$0x2] =	wrdreg s24  }
0xaf: {  	[dreg:$0x3] =	wrdreg s2  }
0xb0: {  	[dreg:$0x4] =	wrdreg $0x43000  }
0xb1: {  	[dreg:$0x5] =	wrdreg $0x9  }
0xb2: {  	_ =	task.clear_ibuf [dreg:s7], $0x6FFFF;
	_ =	strace $0x9000004C  }
0xb3: {  	s29 =	simm.s32 $0x9;
	_ =	strace $0x8000004E  }
0xb4: {  	_ =	swait.ge [sflag:s29], $0x1  }
0xb5: {  	[sflag:s29] =	ssyncadd.s32 $0xFFFFFFFF  }
0xb6: {  	_ =	strace $0x9000004E  }
0xb7: {  	_ =	sfence  }
0xb8: {  	s30 =	sld [smem:$0x0];
	_ =	sdelay $0x2  }
0xb9: {  	s31 =	sshll.u32 s1, $0xD;
	s1 =	sshrl.u32 s1, $0x2  }
0xba: {  	s3 =	sand.u32 $0x4000, s31;
	s1 =	sadd.s32 s1, s30  }
0xbb: {  	s0 =	sor.u32 s3, s0;
	s1 =	sshll.u32 s1, $0x11  }
0xbc: {  	s0 =	sor.u32 s1, s0  }
0xbd: {  	s0 =	sadd.s32 $0x8F2B, s0  }
0xbe: {  	[sflag:s0] =	ssyncadd.remote.s32 $0x1  }
0xbf: {  	_ =	sfence.sel $0xFFFF  }
0xc0: {  	[dreg:$0x0] =	wrdreg $0xFFFFFFFF;
	(pc) =	sbr.abs _section_cstart, $3  }
0xc1: {  	[dreg:$0x1] =	wrdreg $0xFFFFFFFF  }
0xc2: {  	_ =	task.clear_ibuf [dreg:s7], $0x2FFFF;
	_ =	strace $0x9FFFFFFF  }
0xc3: {  	(tm) =	ssettm $0x7FFFFFFF  }
tec
execute0_lowered:
.L_overlay_start_1:
0x0: {  	(tag) =	ssettag $0x1  }
0x1: {  	s7 =	rddreg [dreg:$0x0]  }
0x2: {  	s2 =	rddreg [dreg:$0x1]  }
0x3: {  	s3 =	rddreg [dreg:$0x2];
	s0 =	stileid.u32  }
0x4: {  	s5 =	srdreg.scid;
	s4 =	simm.s32 $0x0;
	s8 =	smul.u32 $0x13800, s0  }
0x5: {  	s28 =	simm.s32 $0x2;
	s29 =	simm.s32 $0x0;
	s13 =	smul.u32 $0x4E000, s0  }
0x6: {  	s11 =	sand.u32 $0x1, s5;
	[smem:$0x7FF] =	sst s4;
	s17 =	smul.u32 $0xFFFFFF62, s0  }
0x7: {  	s5 =	sadd.s32 $0x34200, s7;
	s6 =	sadd.s32 $0x2400, s7;
	s30 =	smul.u32 $0x9E, s0  }
0x8: {  	s19 =	sshll.u32 s0, $0x1;
	s26 =	sshll.u32 s0, $0x6;
	s9 =	smul.u32 $0x138800, s11  }
0x9: {  	_ =	strace $0x8000004D;
	s12 =	ssub.s32 $0x2, s11;
	s24 =	smul.u32 $0xFFFFFFB1, s11  }
0xa: {  	s31 =	smul.u32 $0x4F, s11;
	s10 =	sshrl.u32 s8, $0x3;
	s20 =	sshrl.u32 s12, $0x1  }
0xb: {  	s22 =	sshrl.u32 s13, $0x2;
	s8 =	sadd.s32 s8, s9;
	s18 =	sadd.s32 s10, s7  }
0xc: {  	s10 =	sor.u32 s11, s19;
	s12 =	ssub.s32 s12, s20;
	s15 =	sadd.s32 s22, s3  }
0xd: {  	s13 =	sadd.s32 s17, s24;
	s17 =	simm.s32 $0x80;
	s19 =	simm.s32 $0x180  }
0xe: {  	s20 =	simm.s32 $0x40;
	s24 =	simm.s32 $0x140;
	s21 =	smul.u32 $0x4F, s10  }
0xf: {  	s22 =	simm.s32 $0x2300;
	s8 =	sshrl.u32 s8, $0x3;
	s10 =	smul.u32 $0x4F0, s10  }
0x10: {  	s1 =	sadd.s32 $0xC200, s18;
	s13 =	sadd.s32 $0x9C4, s13;
	s12 =	smax.u32 s12, $0x1  }
0x11: {  	s15 =	sshrl.u32 s15, $0x3;
	s18 =	simm.s32 $0x100;
	[dreg:$0x4] =	wrdreg s19  }
0x12: {  	s19 =	simm.s32 $0x1;
	[dreg:$0x5] =	wrdreg s24;
	s24 =	simm.s32 $0x200  }
0x13: {  	s14 =	sadd.s32 s8, s7;
	[dreg:$0x6] =	wrdreg s1;
	s8 =	sor.u32 $0x1C05, s26  }
0x14: {  	s13 =	smin.u32 s13, $0x4F;
	s26 =	simm.s32 $0x280;
	s23 =	ssub.s32 $0x9C4, s21  }
0x15: {  	s9 =	sadd.s32 s6, s10;
	s10 =	sadd.s32 s2, s10;
	s11 =	sadd.s32 $0xD2400, s14  }
0x16: {  	s13 =	sand.u32 $0x7E, s13;
	s14 =	sadd.s32 s31, s30;
	s16 =	smin.u32 s23, $0x4F  }
0x17: {  	s21 =	simm.s32 $0x300;
	s23 =	simm.s32 $0x3;
	s25 =	sand.u32 $0x1, s16  }
0x18: {  	s16 =	simm.s32 $0x5;
	p0 =	seq.s32 s25, $0x0;
	s25 =	simm.s32 $0x4  }
.LBB2_1:
0x19: {  	s0 =	rddreg [dreg:$0x6]  }
0x1a: {  	[spmem:s15], [sflag:s8] =	dma.local [hbm:s0], $0x2800  }
0x1b: {  	p1 =	slt.s32 s14, $0x9C2;
	s30 =	smov.u32 s14;
	_ =	swait.ge [sflag:s16], $0x2800  }
0x1c: {  	s30 =	simm.s32 @!p1 $0x9C2;
	[sflag:s16] =	ssyncset.done $0x0  }
0x1d: {  	s30 =	sshll.u32 s30, $0x4;
	[sflag:s16] =	ssyncadd.s32 $0xFFFFD800  }
0x1e: {  	s30 =	sadd.s32 $0x10, s30;
	[bflag:$0x0] =	sbarrier.arrive $0xFFFF  }
0x1f: {  	[tilespmem:s4], [sflag:$0x1] =	stream.linear.gather [hbm4b:s9+s4], $0x80, $0x38;
	[tilespmem:$0x17B80] =	vst v63  }
0x20: {  	s30 =	sand.u32 $0x1FFFFFF0, s30  }
0x21: {  	[tilespmem:s17], [sflag:$0x1] =	stream.linear.gather [hbm4b:s10+s4], $0x80, $0x38;
	[tilespmem:$0x17B80] =	vst v63  }
0x22: {  	s1 =	sadd.s32 s6, s30  }
0x23: {  	[tilespmem:s18], [sflag:$0x2] =	stream.linear.gather [hbm4b:s1+s4], $0x80, $0x38;
	[tilespmem:$0x17B80] =	vst v63  }
0x24: {  	s7 =	sadd.s32 s2, s30;
	s31 =	rddreg [dreg:$0x4]  }
0x25: {  	[tilespmem:s31], [sflag:$0x2] =	stream.linear.gather [hbm4b:s7+s4], $0x80, $0x38;
	[tilespmem:$0x17B80] =	vst v63  }
0x26: {  	_ =	swait.ge [sflag:s19], $0x80  }
0x27: {  	[sflag:s19] =	ssyncset.done $0x0  }
0x28: {  	[sflag:s19] =	ssyncadd.s32 $0xFFFFFF80  }
0x29: {  	_ =	swait.ge [sflag:s19], $0x80  }
0x2a: {  	[sflag:s19] =	ssyncset.done $0x0  }
0x2b: {  	[sflag:s19] =	ssyncadd.s32 $0xFFFFFF80  }
0x2c: {  	v0 =	vld [tilespmem:$0xF0]  }
0x2d: {  	v1 =	vld [tilespmem:$0xB0]  }
0x2e: {  	v2 =	vld [tilespmem:$0xE0]  }
0x2f: {  	v3 =	vld [tilespmem:$0xD0]  }
0x30: {  	v4 =	vld [tilespmem:$0xA0]  }
0x31: {  	v5 =	vld [tilespmem:$0x80];
	[tilespmem:$0x2B0] =	vst v0  }
0x32: {  	v0 =	vld [tilespmem:$0x90];
	[tilespmem:$0x230] =	vst v1  }
0x33: {  	v1 =	vld [tilespmem:$0xC0];
	[tilespmem:$0x2A0] =	vst v2  }
0x34: {  	[tilespmem:$0x290] =	vst v3  }
0x35: {  	[tilespmem:$0x220] =	vst v4  }
0x36: {  	[tilespmem:$0x200] =	vst v5  }
0x37: {  	[tilespmem:$0x210] =	vst v0  }
0x38: {  	[tilespmem:$0x280] =	vst v1  }
0x39: {  	[tilespmem:s21], [sflag:$0x3] =	stream.indirect.gather [hbm4b:s5+s20], $0x80, s4, s20, $0xb8;
	[tilespmem:$0x17B80] =	vst v63  }
0x3a: {  	_ = 	snop  }
0x3b: {  	[tilespmem:s22], [sflag:$0x4] =	stream.indirect.gather [hbm4b:s5+s20], $0x80, s20, s20, $0xb8;
	[tilespmem:$0x17B80] =	vst v63  }
0x3c: {  	_ =	swait.ge [sflag:s23], $0x2000  }
0x3d: {  	[sflag:s23] =	ssyncset.done $0x0  }
0x3e: {  	[sflag:s23] =	ssyncadd.s32 $0xFFFFE000  }
0x3f: {  	[spmem:s3] =	stream.indirect.scatter.add.f32 [tilespmem:s21], [sflag:$0x5], $0x80, s24, s20, $0xb8;
	[tilespmem:$0x17B80] =	vst v63  }
0x40: {  	_ =	swait.ge [sflag:s16], $0x2000  }
0x41: {  	[sflag:s16] =	ssyncset.done $0x0  }
0x42: {  	[sflag:s16] =	ssyncadd.s32 $0xFFFFE000  }
0x43: {  	p1 =	slt.s32 s14, $0x9C1;
	s0 =	smov.u32 s14;
	_ =	swait.ge [sflag:s25], $0x2000  }
0x44: {  	s0 =	simm.s32 @!p1 $0x9C1;
	[sflag:s25] =	ssyncset.done $0x0  }
0x45: {  	s0 =	sshll.u32 s0, $0x4;
	[sflag:s25] =	ssyncadd.s32 $0xFFFFE000  }
0x46: {  	[spmem:s3] =	stream.indirect.scatter.add.f32 [tilespmem:s22], [sflag:$0x5], $0x80, s26, s20, $0xb8;
	[tilespmem:$0x17B80] =	vst v63  }
0x47: {  	s0 =	sadd.s32 $0x20, s0;
	_ =	swait.ge [sflag:s16], $0x2000  }
0x48: {  	s0 =	sand.u32 $0x1FFFFFF0, s0;
	[sflag:s16] =	ssyncset.done $0x0  }
0x49: {  	s30 =	sadd.s32 s6, s0;
	[sflag:s16] =	ssyncadd.s32 $0xFFFFE000  }
0x4a: {  	[tilespmem:s4], [sflag:$0x1] =	stream.linear.gather [hbm4b:s30+s4], $0x80, $0x38;
	[tilespmem:$0x17B80] =	vst v63  }
0x4b: {  	s0 =	sadd.s32 s2, s0  }
0x4c: {  	[tilespmem:s17], [sflag:$0x1] =	stream.linear.gather [hbm4b:s0+s4], $0x80, $0x38;
	[tilespmem:$0x17B80] =	vst v63  }
0x4d: {  	_ =	swait.ge [sflag:s28], $0x80  }
0x4e: {  	[sflag:s28] =	ssyncset.done $0x0  }
0x4f: {  	[sflag:s28] =	ssyncadd.s32 $0xFFFFFF80  }
0x50: {  	_ =	swait.ge [sflag:s28], $0x80  }
0x51: {  	[sflag:s28] =	ssyncset.done $0x0  }
0x52: {  	[sflag:s28] =	ssyncadd.s32 $0xFFFFFF80  }
0x53: {  	v0 =	vld [tilespmem:$0x180]  }
0x54: {  	v1 =	vld [tilespmem:$0x1B0]  }
0x55: {  	v2 =	vld [tilespmem:$0x190]  }
0x56: {  	v3 =	vld [tilespmem:$0x1D0]  }
0x57: {  	v62 =	vld [tilespmem:$0x1C0]  }
0x58: {  	p1 =	sne.s32 s13, $0x2;
	v63 =	vld [tilespmem:$0x1F0];
	[tilespmem:$0x200] =	vst v0  }
.Ltmp0:
0x59: {  	[tilespmem:$0x230] =	vst v1;
	(pc) =	sbr.rel @!p1 .LBB2_3-.Ltmp0, $4  }
0x5a: {  	[tilespmem:$0x210] =	vst v2  }
0x5b: {  	[tilespmem:$0x290] =	vst v3  }
0x5c: {  	v0 =	vld [tilespmem:$0x1A0];
	[tilespmem:$0x280] =	vst v62  }
0x5d: {  	s31 =	smov.u32 s14;
	s30 =	sadd.s32 $0xFFFFFFFE, s13;
	v1 =	vld [tilespmem:$0x1E0];
	[tilespmem:$0x2B0] =	vst v63  }
.LBB2_2:
0x5e: {  	_ =	sdelay $0x2  }
0x5f: {  	[tilespmem:$0x220] =	vst v0  }
0x60: {  	[tilespmem:$0x2A0] =	vst v1  }
0x61: {  	[tilespmem:s21], [sflag:$0x3] =	stream.indirect.gather [hbm4b:s5+s20], $0x80, s18, s20, $0xb8;
	[tilespmem:$0x17B80] =	vst v63  }
0x62: {  	s0 =	rddreg [dreg:$0x5]  }
0x63: {  	[tilespmem:s22], [sflag:$0x4] =	stream.indirect.gather [hbm4b:s5+s20], $0x80, s0, s20, $0xb8;
	[tilespmem:$0x17B80] =	vst v63  }
0x64: {  	_ =	swait.ge [sflag:s23], $0x2000  }
0x65: {  	[sflag:s23] =	ssyncset.done $0x0  }
0x66: {  	[sflag:s23] =	ssyncadd.s32 $0xFFFFE000  }
0x67: {  	[spmem:s3] =	stream.indirect.scatter.add.f32 [tilespmem:s21], [sflag:$0x5], $0x80, s24, s20, $0xb8;
	[tilespmem:$0x17B80] =	vst v63  }
0x68: {  	_ =	swait.ge [sflag:s16], $0x2000  }
0x69: {  	[sflag:s16] =	ssyncset.done $0x0  }
0x6a: {  	s31 =	sadd.s32 $0x2, s31;
	[sflag:s16] =	ssyncadd.s32 $0xFFFFE000  }
0x6b: {  	p2 =	slt.s32 s31, $0x9C2;
	s0 =	smov.u32 s31;
	_ =	swait.ge [sflag:s25], $0x2000  }
0x6c: {  	s0 =	simm.s32 @!p2 $0x9C2;
	[sflag:s25] =	ssyncset.done $0x0  }
0x6d: {  	s0 =	sshll.u32 s0, $0x4;
	[sflag:s25] =	ssyncadd.s32 $0xFFFFE000  }
0x6e: {  	[spmem:s3] =	stream.indirect.scatter.add.f32 [tilespmem:s22], [sflag:$0x5], $0x80, s26, s20, $0xb8;
	[tilespmem:$0x17B80] =	vst v63  }
0x6f: {  	s0 =	sadd.s32 $0x10, s0;
	_ =	swait.ge [sflag:s16], $0x2000  }
0x70: {  	s0 =	sand.u32 $0x1FFFFFF0, s0;
	[sflag:s16] =	ssyncset.done $0x0  }
0x71: {  	s7 =	sadd.s32 s6, s0;
	[sflag:s16] =	ssyncadd.s32 $0xFFFFE000  }
0x72: {  	[tilespmem:s18], [sflag:$0x2] =	stream.linear.gather [hbm4b:s7+s4], $0x80, $0x38;
	[tilespmem:$0x17B80] =	vst v63  }
0x73: {  	s0 =	sadd.s32 s2, s0;
	s1 =	rddreg [dreg:$0x4]  }
0x74: {  	[tilespmem:s1], [sflag:$0x2] =	stream.linear.gather [hbm4b:s0+s4], $0x80, $0x38;
	[tilespmem:$0x17B80] =	vst v63  }
0x75: {  	_ =	swait.ge [sflag:s19], $0x80  }
0x76: {  	[sflag:s19] =	ssyncset.done $0x0  }
0x77: {  	[sflag:s19] =	ssyncadd.s32 $0xFFFFFF80  }
0x78: {  	_ =	swait.ge [sflag:s19], $0x80  }
0x79: {  	[sflag:s19] =	ssyncset.done $0x0  }
0x7a: {  	[sflag:s19] =	ssyncadd.s32 $0xFFFFFF80  }
0x7b: {  	v0 =	vld [tilespmem:$0xF0]  }
0x7c: {  	v1 =	vld [tilespmem:$0xB0]  }
0x7d: {  	v2 =	vld [tilespmem:$0xE0]  }
0x7e: {  	v3 =	vld [tilespmem:$0xD0]  }
0x7f: {  	v4 =	vld [tilespmem:$0xA0]  }
0x80: {  	v5 =	vld [tilespmem:$0x80];
	[tilespmem:$0x2B0] =	vst v0  }
0x81: {  	v0 =	vld [tilespmem:$0x90];
	[tilespmem:$0x230] =	vst v1  }
0x82: {  	v1 =	vld [tilespmem:$0xC0];
	[tilespmem:$0x2A0] =	vst v2  }
0x83: {  	[tilespmem:$0x290] =	vst v3  }
0x84: {  	[tilespmem:$0x220] =	vst v4  }
0x85: {  	[tilespmem:$0x200] =	vst v5  }
0x86: {  	[tilespmem:$0x210] =	vst v0  }
0x87: {  	[tilespmem:$0x280] =	vst v1  }
0x88: {  	[tilespmem:s21], [sflag:$0x3] =	stream.indirect.gather [hbm4b:s5+s20], $0x80, s4, s20, $0xb8;
	[tilespmem:$0x17B80] =	vst v63  }
0x89: {  	_ = 	snop  }
0x8a: {  	[tilespmem:s22], [sflag:$0x4] =	stream.indirect.gather [hbm4b:s5+s20], $0x80, s20, s20, $0xb8;
	[tilespmem:$0x17B80] =	vst v63  }
0x8b: {  	_ =	swait.ge [sflag:s23], $0x2000  }
0x8c: {  	[sflag:s23] =	ssyncset.done $0x0  }
0x8d: {  	[sflag:s23] =	ssyncadd.s32 $0xFFFFE000  }
0x8e: {  	[spmem:s3] =	stream.indirect.scatter.add.f32 [tilespmem:s21], [sflag:$0x5], $0x80, s24, s20, $0xb8;
	[tilespmem:$0x17B80] =	vst v63  }
0x8f: {  	_ =	swait.ge [sflag:s16], $0x2000  }
0x90: {  	[sflag:s16] =	ssyncset.done $0x0  }
0x91: {  	[sflag:s16] =	ssyncadd.s32 $0xFFFFE000  }
0x92: {  	p2 =	slt.s32 s31, $0x9C1;
	s0 =	smov.u32 s31;
	_ =	swait.ge [sflag:s25], $0x2000  }
0x93: {  	s0 =	simm.s32 @!p2 $0x9C1;
	[sflag:s25] =	ssyncset.done $0x0  }
0x94: {  	s0 =	sshll.u32 s0, $0x4;
	[sflag:s25] =	ssyncadd.s32 $0xFFFFE000  }
0x95: {  	[spmem:s3] =	stream.indirect.scatter.add.f32 [tilespmem:s22], [sflag:$0x5], $0x80, s26, s20, $0xb8;
	[tilespmem:$0x17B80] =	vst v63  }
0x96: {  	s0 =	sadd.s32 $0x20, s0;
	_ =	swait.ge [sflag:s16], $0x2000  }
0x97: {  	s0 =	sand.u32 $0x1FFFFFF0, s0;
	[sflag:s16] =	ssyncset.done $0x0  }
0x98: {  	s7 =	sadd.s32 s6, s0;
	[sflag:s16] =	ssyncadd.s32 $0xFFFFE000  }
0x99: {  	[tilespmem:s4], [sflag:$0x1] =	stream.linear.gather [hbm4b:s7+s4], $0x80, $0x38;
	[tilespmem:$0x17B80] =	vst v63  }
0x9a: {  	s0 =	sadd.s32 s2, s0  }
0x9b: {  	[tilespmem:s17], [sflag:$0x1] =	stream.linear.gather [hbm4b:s0+s4], $0x80, $0x38;
	[tilespmem:$0x17B80] =	vst v63  }
0x9c: {  	_ =	swait.ge [sflag:s28], $0x80  }
0x9d: {  	[sflag:s28] =	ssyncset.done $0x0  }
0x9e: {  	[sflag:s28] =	ssyncadd.s32 $0xFFFFFF80  }
0x9f: {  	_ =	swait.ge [sflag:s28], $0x80  }
0xa0: {  	[sflag:s28] =	ssyncset.done $0x0  }
0xa1: {  	[sflag:s28] =	ssyncadd.s32 $0xFFFFFF80  }
0xa2: {  	v0 =	vld [tilespmem:$0x180]  }
0xa3: {  	v1 =	vld [tilespmem:$0x1B0]  }
0xa4: {  	v2 =	vld [tilespmem:$0x190]  }
0xa5: {  	v3 =	vld [tilespmem:$0x1D0]  }
0xa6: {  	v62 =	vld [tilespmem:$0x1C0]  }
0xa7: {  	p1 =	sne.s32 s30, $0x2;
	v63 =	vld [tilespmem:$0x1F0];
	[tilespmem:$0x200] =	vst v0  }
.Ltmp1:
0xa8: {  	[tilespmem:$0x230] =	vst v1;
	(pc) =	sbr.rel @p1 .LBB2_2-.Ltmp1, $4  }
0xa9: {  	[tilespmem:$0x210] =	vst v2  }
0xaa: {  	[tilespmem:$0x290] =	vst v3  }
0xab: {  	v0 =	vld [tilespmem:$0x1A0];
	[tilespmem:$0x280] =	vst v62  }
0xac: {  	s30 =	sadd.s32 $0xFFFFFFFE, s30;
	v1 =	vld [tilespmem:$0x1E0];
	[tilespmem:$0x2B0] =	vst v63  }
.LBB2_3:
0xad: {  	_ =	sdelay $0x2  }
0xae: {  	[tilespmem:$0x220] =	vst v0  }
0xaf: {  	[tilespmem:$0x2A0] =	vst v1  }
0xb0: {  	[tilespmem:s21], [sflag:$0x3] =	stream.indirect.gather [hbm4b:s5+s20], $0x80, s18, s20, $0xb8;
	[tilespmem:$0x17B80] =	vst v63  }
0xb1: {  	s0 =	rddreg [dreg:$0x5]  }
0xb2: {  	[tilespmem:s22], [sflag:$0x4] =	stream.indirect.gather [hbm4b:s5+s20], $0x80, s0, s20, $0xb8;
	[tilespmem:$0x17B80] =	vst v63  }
0xb3: {  	_ =	swait.ge [sflag:s23], $0x2000  }
0xb4: {  	[sflag:s23] =	ssyncset.done $0x0  }
0xb5: {  	[sflag:s23] =	ssyncadd.s32 $0xFFFFE000  }
0xb6: {  	[spmem:s3] =	stream.indirect.scatter.add.f32 [tilespmem:s21], [sflag:$0x5], $0x80, s24, s20, $0xb8;
	[tilespmem:$0x17B80] =	vst v63  }
0xb7: {  	_ =	swait.ge [sflag:s16], $0x2000  }
0xb8: {  	[sflag:s16] =	ssyncset.done $0x0  }
0xb9: {  	[sflag:s16] =	ssyncadd.s32 $0xFFFFE000  }
0xba: {  	_ =	swait.ge [sflag:s25], $0x2000  }
0xbb: {  	[sflag:s25] =	ssyncset.done $0x0  }
0xbc: {  	[sflag:s25] =	ssyncadd.s32 $0xFFFFE000  }
0xbd: {  	[spmem:s3] =	stream.indirect.scatter.add.f32 [tilespmem:s22], [sflag:$0x5], $0x80, s26, s20, $0xb8;
	[tilespmem:$0x17B80] =	vst v63  }
0xbe: {  	_ =	swait.ge [sflag:s16], $0x2000  }
0xbf: {  	[sflag:s16] =	ssyncset.done $0x0  }
0xc0: {  	[sflag:s16] =	ssyncadd.s32 $0xFFFFE000  }
0xc1: {  	_ =	swait.ge [sflag:s19], $0x80  }
0xc2: {  	[sflag:s19] =	ssyncset.done $0x0  }
0xc3: {  	[sflag:s19] =	ssyncadd.s32 $0xFFFFFF80  }
0xc4: {  	_ =	swait.ge [sflag:s19], $0x80  }
0xc5: {  	[sflag:s19] =	ssyncset.done $0x0  }
0xc6: {  	[sflag:s19] =	ssyncadd.s32 $0xFFFFFF80  }
0xc7: {  	v0 =	vld @!p0 [tilespmem:$0x80]  }
0xc8: {  	v1 =	vld @!p0 [tilespmem:$0xC0]  }
0xc9: {  	v2 =	vld @!p0 [tilespmem:$0x90]  }
0xca: {  	v3 =	vld @!p0 [tilespmem:$0xD0]  }
0xcb: {  	v4 =	vld @!p0 [tilespmem:$0xA0]  }
0xcc: {  	[tilespmem:$0x200] =	vst @!p0 v0;
	v0 =	vld @!p0 [tilespmem:$0xE0]  }
0xcd: {  	[tilespmem:$0x280] =	vst @!p0 v1;
	v1 =	vld @!p0 [tilespmem:$0xB0]  }
0xce: {  	[tilespmem:$0x210] =	vst @!p0 v2;
	v2 =	vld @!p0 [tilespmem:$0xF0]  }
0xcf: {  	[tilespmem:$0x290] =	vst @!p0 v3  }
0xd0: {  	[tilespmem:$0x220] =	vst @!p0 v4  }
0xd1: {  	[tilespmem:$0x2A0] =	vst @!p0 v0  }
0xd2: {  	[tilespmem:$0x230] =	vst @!p0 v1  }
0xd3: {  	s1 =	simm.s32 @!p0 $0x0;
	s7 =	simm.s32 @!p0 $0x300;
	s0 =	simm.s32 @!p0 $0x40;
	[tilespmem:$0x2B0] =	vst @!p0 v2  }
0xd4: {  	[tilespmem:s7], [sflag:$0x3] =	stream.indirect.gather @!p0 [hbm4b:s5+s0], $0x80, s1, s0, $0xb8;
	[tilespmem:$0x17B80] =	vst v63  }
0xd5: {  	s30 =	simm.s32 @!p0 $0x3;
	s1 =	simm.s32 @!p0 $0x2300  }
0xd6: {  	[tilespmem:s1], [sflag:$0x4] =	stream.indirect.gather @!p0 [hbm4b:s5+s0], $0x80, s0, s0, $0xb8;
	[tilespmem:$0x17B80] =	vst v63  }
0xd7: {  	_ =	swait.ge @!p0 [sflag:s30], $0x2000  }
0xd8: {  	[sflag:s30] =	ssyncset.done @!p0 $0x0  }
0xd9: {  	[sflag:s30] =	ssyncadd.s32 @!p0 $0xFFFFE000;
	s30 =	simm.s32 @!p0 $0x200  }
0xda: {  	[spmem:s3] =	stream.indirect.scatter.add.f32 @!p0 [tilespmem:s7], [sflag:$0x5], $0x80, s30, s0, $0xb8;
	[tilespmem:$0x17B80] =	vst v63  }
0xdb: {  	s7 =	simm.s32 @!p0 $0x5  }
0xdc: {  	_ =	swait.ge @!p0 [sflag:s7], $0x2000  }
0xdd: {  	[sflag:s7] =	ssyncset.done @!p0 $0x0  }
0xde: {  	s30 =	simm.s32 @!p0 $0x4;
	[sflag:s7] =	ssyncadd.s32 @!p0 $0xFFFFE000  }
0xdf: {  	_ =	swait.ge @!p0 [sflag:s30], $0x2000  }
0xe0: {  	[sflag:s30] =	ssyncset.done @!p0 $0x0  }
0xe1: {  	[sflag:s30] =	ssyncadd.s32 @!p0 $0xFFFFE000;
	s30 =	simm.s32 @!p0 $0x280  }
0xe2: {  	[spmem:s3] =	stream.indirect.scatter.add.f32 @!p0 [tilespmem:s1], [sflag:$0x5], $0x80, s30, s0, $0xb8;
	[tilespmem:$0x17B80] =	vst v63  }
0xe3: {  	_ =	swait.ge @!p0 [sflag:s7], $0x2000  }
0xe4: {  	s29 =	sadd.s32 $0x1, s29;
	[sflag:s7] =	ssyncset.done @!p0 $0x0  }
0xe5: {  	p1 =	sne.s32 s29, s12;
	[sflag:s7] =	ssyncadd.s32 @!p0 $0xFFFFE000  }
.Ltmp2:
0xe6: {  	[bflag:$0x0] =	sbarrier.arrive $0xFFFF;
	(pc) =	sbr.rel @p1 .LBB2_1-.Ltmp2, $4  }
0xe7: {  	[hbm:s11], [sflag:s8] =	dma.local [spmem:s15], $0x2800  }
0xe8: {  	_ =	swait.ge [sflag:s16], $0x2800  }
0xe9: {  	[sflag:s16] =	ssyncset.done $0x0  }
0xea: {  	[sflag:s16] =	ssyncadd.s32 $0xFFFFD800  }
0xeb: {  	_ =	sfence.sel $0x180000  }
0xec: {  	[bflag:$0x0] =	sbarrier.arrive $0xFFFF  }
0xed: {  	_ =	strace $0x9000004D  }
0xee: {  	s0 =	stileid.u32;
	[bflag:$0x2] =	sbarrier.arrive $0xFFFF  }
0xef: {  	p0 =	sne.s32 s0, $0x0;
	s0 =	rddreg [dreg:$0x3]  }
0xf0: {  	s0 =	sadd.s32 @!p0 $0x100000, s0  }
0xf1: {  	[sflag:s0] =	ssyncadd.tile.s32 @!p0 $0x1;
	_ =	shalt  }
.Lfunc_end2:
_tile_overlayer_lowered:
.L_overlay_start_2:
0xf2: {  	(tag) =	ssettag $0x2  }
0xf3: {  	s0 =	rddreg [dreg:$0x0];
	s2 =	stileid.u32  }
0xf4: {  	s1 =	rddreg [dreg:$0x1];
	p0 =	sne.s32 s2, $0x0  }
0xf5: {  	s3 =	rddreg [dreg:$0x2];
	[bflag:$0x3] =	sbarrier.arrive $0xFFFF;
	s2 =	simm.s32 @!p0 $0x1C05  }
0xf6: {  	[timem:s3], [sflag:s2] =	dma.local @!p0 [hbm:s0], s1  }
0xf7: {  	s0 =	simm.s32 @!p0 $0x5  }
0xf8: {  	_ =	swait.ge @!p0 [sflag:s0], s1  }
0xf9: {  	s1 =	ssub.s32 @!p0 $0x0, s1;
	[sflag:s0] =	ssyncset.done @!p0 $0x0  }
0xfa: {  	[sflag:s0] =	ssyncadd.s32 @!p0 s1  }
0xfb: {  	[bflag:$0x3] =	sbarrier.arrive $0xFFFF  }
0xfc: {  	_ =	shalt  }

</sc_bundles>
